<compile_context>
chip_gen: v7x
topology: tpu7x:2x2x1
jax: 0.10.2.dev20260603
libtpu: 0.0.44.dev20260713+nightly
codegen_flags: <defaults>
</compile_context>

<pallas_src>
import functools

import jax
import jax.numpy as jnp
from jax import lax
from jax.experimental import pallas as pl
from jax.experimental.pallas import tpu as pltpu
from jax.experimental.pallas import tpu_sc as plsc

NUM_BUCKETS = 32
NUM_HEADS = 16
Q_LEN = 2048
K_LEN = 2048

NCORES = 2
NSUB = 16
HEADS_PER_SC = NUM_HEADS // NCORES

B = 128
NBLK = Q_LEN // B


def _sc_body(table_hbm, out_hbm, table_v, pan, sem0, sem1, sem2, sem3):
    cid = lax.axis_index("c")
    t = lax.axis_index("s")

    pltpu.sync_copy(table_hbm, table_v)

    lane = lax.iota(jnp.int32, 16)
    h_base = cid * HEADS_PER_SC
    sems = ((sem0, sem1), (sem2, sem3))
    panels = (t, t + NBLK)

    def build_panel(h, p, dst):
        c0 = plsc.load_gather(table_v, [jnp.full((16,), h, jnp.int32)])
        c31 = plsc.load_gather(
            table_v, [jnp.full((16,), (NUM_BUCKETS - 1) * NUM_HEADS + h,
                               jnp.int32)])
        lo = jnp.clip(B * p - 2047, 0, B)
        hi = jnp.clip(B * p - 1664, 0, B)
        base = B * p + 127 - 1919

        def const_row(val):
            def body(i, carry):
                for u in range(8):
                    dst[i, pl.ds(u * 16, 16)] = val
                return carry
            return body

        def band_row(i, carry):
            off = base - i
            for u in range(8):
                b = jnp.clip(u * 16 + lane + off, 0, 255) & (NUM_BUCKETS - 1)
                dst[i, pl.ds(u * 16, 16)] = plsc.load_gather(
                    table_v, [b * NUM_HEADS + h])
            return carry

        lax.fori_loop(0, lo, const_row(c31), 0)
        lax.fori_loop(lo, hi, band_row, 0)
        lax.fori_loop(hi, B, const_row(c0), 0)

    def blocks(h, buf):
        def blk(a, p_k):
            tp = p_k + 15 - panels[a]
            q0 = pl.multiple_of(tp * B, 128)
            k0 = pl.multiple_of(p_k * B, 128)
            return pltpu.make_async_copy(
                pan.at[buf, a],
                out_hbm.at[0, h, pl.ds(q0, B), pl.ds(k0, B)],
                sems[buf][a],
            )
        return blk

    def fire(h, buf):
        blk = blocks(h, buf)
        lax.fori_loop(0, t + 1, lambda k, c: (blk(0, k).start(), c)[1], 0)
        lax.fori_loop(t + 1, NBLK, lambda k, c: (blk(1, k).start(), c)[1], 0)

    def drain(buf):
        blk = blocks(h_base, buf)
        lax.fori_loop(0, t + 1, lambda k, c: (blk(0, k).wait(), c)[1], 0)
        lax.fori_loop(t + 1, NBLK, lambda k, c: (blk(1, k).wait(), c)[1], 0)

    def head(hh, buf):
        h = h_base + hh

        def one_panel(a, carry):
            build_panel(h, t + a * NBLK, pan.at[buf, a])
            return carry

        lax.fori_loop(0, 2, one_panel, 0)
        fire(h, buf)

    def pair(it, carry):
        for par in range(2):

            @pl.when(it > 0)
            def _():
                drain(par)

            head(2 * it + par, par)
        return carry

    lax.fori_loop(0, HEADS_PER_SC // 2, pair, 0)
    drain(0)
    drain(1)


def kernel(q_len, k_len, relative_attention_bias):
    mesh = plsc.VectorSubcoreMesh(
        core_axis_name="c", subcore_axis_name="s",
        num_cores=NCORES, num_subcores=NSUB,
    )
    run = functools.partial(
        pl.kernel,
        out_type=jax.ShapeDtypeStruct((1, NUM_HEADS, Q_LEN, K_LEN), jnp.float32),
        mesh=mesh,
        scratch_types=[
            pltpu.VMEM((NUM_BUCKETS * NUM_HEADS,), jnp.float32),
            pltpu.VMEM((2, 2, B, B), jnp.float32),
            pltpu.SemaphoreType.DMA,
            pltpu.SemaphoreType.DMA,
            pltpu.SemaphoreType.DMA,
            pltpu.SemaphoreType.DMA,
        ],
        compiler_params=pltpu.CompilerParams(
            use_tc_tiling_on_sc=True, needs_layout_passes=False,
        ),
    )(_sc_body)
    return run(relative_attention_bias.reshape(-1))

# --- scband reference (transcript-rebuilt; emitter-appended) ---
"""Pipeline reference for scband-t5-relative-position-bias-2293512536118 (READ-ONLY COPY).

The authoritative reference and input builder live on the scoring server;
editing this copy changes nothing except your own understanding.
"""

import jax, jax.numpy as jnp
import numpy as np

NUM_BUCKETS = 32
NUM_HEADS = 16
MAX_DISTANCE = 128

def setup_inputs(seed: int = 0) -> dict:
    key = jax.random.key(seed)
    relative_attention_bias = jax.random.normal(key, (NUM_BUCKETS, NUM_HEADS), dtype=jnp.float32) * 0.02
    return {"q_len": 2048, "k_len": 2048, "relative_attention_bias": relative_attention_bias}

def reference(q_len, k_len, relative_attention_bias):
    context_position = (jnp.arange(2048, dtype=jnp.int32) + q_len * 0)[:, None]
    memory_position = (jnp.arange(2048, dtype=jnp.int32) + k_len * 0)[None, :]
    relative_position = memory_position - context_position  # [q_len, k_len]
    relative_buckets = jnp.clip(relative_position + MAX_DISTANCE, 0, 2 * MAX_DISTANCE - 1)
    rp_bucket = relative_buckets % NUM_BUCKETS  # [q_len, k_len] int
    bias = jnp.take(relative_attention_bias, rp_bucket, axis=0)  # [q_len, k_len, H] gather
    bias = jnp.transpose(bias, (2, 0, 1))[None, ...]  # [1, H, q_len, k_len]
    return bias

if __name__ == "__main__":
    import jax
    _d = setup_inputs()
    print(jax.jit(kernel)(*tuple(_d.values())))

</pallas_src>

<mosaic_0001>
#map = affine_map<(d0, d1) -> (0)>
#map1 = affine_map<(d0, d1) -> (0, 0, 0, 0)>
module attributes {stable_mosaic.version = 14 : i64} {
  func.func @_sc_body(%arg0: i32, %arg1: i32, %arg2: memref<512xf32, #tpu.memory_space<hbm>>, %arg3: memref<1x16x2048x2048xf32, #tpu.memory_space<hbm>>, %arg4: memref<512xf32, #tpu.memory_space<vmem>>, %arg5: memref<2x2x128x128xf32, #tpu.memory_space<vmem>>, %arg6: memref<!tpu.dma_semaphore, #tpu.memory_space<semaphore_mem>>, %arg7: memref<!tpu.dma_semaphore, #tpu.memory_space<semaphore_mem>>, %arg8: memref<!tpu.dma_semaphore, #tpu.memory_space<semaphore_mem>>, %arg9: memref<!tpu.dma_semaphore, #tpu.memory_space<semaphore_mem>>) attributes {dimension_semantics = [#tpu.dimension_semantics<core_parallel>, #tpu.dimension_semantics<subcore_parallel>], iteration_bounds = array<i64: 2, 16>, scalar_prefetch = 0 : i64, scratch_operands = 6 : i64, tpu.core_type = #tpu.core_type<sc_vector_subcore>, window_params = [{transform_indices = #map}, {transform_indices = #map1}]} {
    "tpu.region"() ({
      %run_scoped3A = tpu.sem_alloc : memref<!tpu.dma_semaphore, #tpu.memory_space<semaphore_mem>>
      tpu.enqueue_dma source(%arg2 : memref<512xf32, #tpu.memory_space<hbm>>) target(%arg4 : memref<512xf32, #tpu.memory_space<vmem>>) target_semaphore(%run_scoped3A : memref<!tpu.dma_semaphore, #tpu.memory_space<semaphore_mem>>)
      tpu.wait_dma2 semaphore(%run_scoped3A : memref<!tpu.dma_semaphore, #tpu.memory_space<semaphore_mem>>) src(%arg2 : memref<512xf32, #tpu.memory_space<hbm>>) dst(%arg4 : memref<512xf32, #tpu.memory_space<vmem>>)
      tpu.yield
    }) : () -> ()
    %iota3A = tpu.iota {dimensions = array<i32: 0>} : vector<16xi32>
    %mul3A = arith.constant 8 : i32
    %mul3A_0 = arith.muli %arg0, %mul3A : i32
    %add3A = arith.constant 16 : i32
    %add3A_1 = arith.addi %arg1, %add3A : i32
    %scan3A = arith.constant 0 : i32
    %scan3A_2 = arith.constant 0 : i32
    %scan3A_3 = arith.constant 4 : i32
    %scan3A_4 = arith.addi %scan3A_2, %scan3A_3 : i32
    %scan3A_5 = arith.constant 1 : i32
    scf.for %scan3A_54 = %scan3A_2 to %scan3A_4 step %scan3A_5  : i32 {
      %gt3A = arith.constant 0 : i32
      %gt3A_55 = arith.cmpi sgt, %scan3A_54, %gt3A : i32
      %convert_element_type3A = arith.extui %gt3A_55 : i1 to i32
      %cond3A = arith.constant 0 : i32
      %cond3A_56 = arith.cmpi ne, %convert_element_type3A, %cond3A : i32
      scf.if %cond3A_56 {
        %add3A_132 = arith.constant 1 : i32
        %add3A_133 = arith.addi %arg1, %add3A_132 : i32
        %while3A_134 = arith.constant 0 : i32
        %while3A_135 = arith.constant 0 : i32
        %while3A_136 = arith.subi %add3A_133, %while3A_135 : i32
        %while3A_137 = arith.addi %while3A_135, %while3A_136 : i32
        %while3A_138 = arith.constant 1 : i32
        %while3A_139 = arith.divsi %while3A_136, %while3A_138 : i32
        %while3A_140 = arith.muli %while3A_139, %while3A_138 : i32
        %while3A_141 = arith.addi %while3A_135, %while3A_140 : i32
        %while3A_142 = arith.constant 1 : i32
        scf.for %while3A_156 = %while3A_135 to %while3A_141 step %while3A_142  : i32 {
          %add3A_157 = arith.constant 15 : i32
          %add3A_158 = arith.addi %while3A_156, %add3A_157 : i32
          %sub3A = arith.subi %add3A_158, %arg1 : i32
          %mul3A_159 = arith.constant 128 : i32
          %mul3A_160 = arith.muli %sub3A, %mul3A_159 : i32
          %multiple_of3A = tpu.assume_multiple %mul3A_160, 128 : i32
          %mul3A_161 = arith.constant 128 : i32
          %mul3A_162 = arith.muli %while3A_156, %mul3A_161 : i32
          %multiple_of3A_163 = tpu.assume_multiple %mul3A_162, 128 : i32
          %dma_wait3A = arith.constant 0 : i32
          %dma_wait3A_164 = arith.constant 0 : i32
          %dma_wait3A_165 = arith.constant 0 : i32
          %dma_wait3A_166 = arith.constant 0 : i32
          %dma_wait3A_167 = arith.constant 0 : i32
          %dma_wait3A_168 = tpu.memref_slice %arg5[%dma_wait3A, %dma_wait3A_164, %dma_wait3A_166, %dma_wait3A_167] : memref<2x2x128x128xf32, #tpu.memory_space<vmem>> -> memref<1x1x128x128xf32, #tpu.memory_space<vmem>>
          %dma_wait3A_169 = tpu.memref_squeeze %dma_wait3A_168 : memref<1x1x128x128xf32, #tpu.memory_space<vmem>> -> memref<128x128xf32, #tpu.memory_space<vmem>>
          %dma_wait3A_170 = tpu.memref_slice %arg3[%dma_wait3A_165, %mul3A_0, %multiple_of3A, %multiple_of3A_163] : memref<1x16x2048x2048xf32, #tpu.memory_space<hbm>> -> memref<1x1x128x128xf32, #tpu.memory_space<hbm>>
          %dma_wait3A_171 = tpu.memref_squeeze %dma_wait3A_170 : memref<1x1x128x128xf32, #tpu.memory_space<hbm>> -> memref<128x128xf32, #tpu.memory_space<hbm>>
          %dma_wait3A_172 = tpu.memref_slice %arg3[%dma_wait3A_165, %mul3A_0, %multiple_of3A, %multiple_of3A_163] : memref<1x16x2048x2048xf32, #tpu.memory_space<hbm>> -> memref<1x1x128x128xf32, #tpu.memory_space<hbm>>
          %dma_wait3A_173 = tpu.memref_squeeze %dma_wait3A_172 : memref<1x1x128x128xf32, #tpu.memory_space<hbm>> -> memref<128x128xf32, #tpu.memory_space<hbm>>
          %dma_wait3A_174 = arith.constant 0 : i32
          %dma_wait3A_175 = arith.constant 0 : i32
          %dma_wait3A_176 = tpu.memref_slice %arg5[%dma_wait3A, %dma_wait3A_164, %dma_wait3A_174, %dma_wait3A_175] : memref<2x2x128x128xf32, #tpu.memory_space<vmem>> -> memref<1x1x128x128xf32, #tpu.memory_space<vmem>>
          %dma_wait3A_177 = tpu.memref_squeeze %dma_wait3A_176 : memref<1x1x128x128xf32, #tpu.memory_space<vmem>> -> memref<128x128xf32, #tpu.memory_space<vmem>>
          tpu.wait_dma2 semaphore(%arg6 : memref<!tpu.dma_semaphore, #tpu.memory_space<semaphore_mem>>) src(%dma_wait3A_177 : memref<128x128xf32, #tpu.memory_space<vmem>>) dst(%dma_wait3A_173 : memref<128x128xf32, #tpu.memory_space<hbm>>)
        }
        %while3A_143 = arith.constant 1 : i32
        scf.for %while3A_156 = %while3A_141 to %while3A_137 step %while3A_143  : i32 {
          %add3A_157 = arith.constant 15 : i32
          %add3A_158 = arith.addi %while3A_156, %add3A_157 : i32
          %sub3A = arith.subi %add3A_158, %arg1 : i32
          %mul3A_159 = arith.constant 128 : i32
          %mul3A_160 = arith.muli %sub3A, %mul3A_159 : i32
          %multiple_of3A = tpu.assume_multiple %mul3A_160, 128 : i32
          %mul3A_161 = arith.constant 128 : i32
          %mul3A_162 = arith.muli %while3A_156, %mul3A_161 : i32
          %multiple_of3A_163 = tpu.assume_multiple %mul3A_162, 128 : i32
          %dma_wait3A = arith.constant 0 : i32
          %dma_wait3A_164 = arith.constant 0 : i32
          %dma_wait3A_165 = arith.constant 0 : i32
          %dma_wait3A_166 = arith.constant 0 : i32
          %dma_wait3A_167 = arith.constant 0 : i32
          %dma_wait3A_168 = tpu.memref_slice %arg5[%dma_wait3A, %dma_wait3A_164, %dma_wait3A_166, %dma_wait3A_167] : memref<2x2x128x128xf32, #tpu.memory_space<vmem>> -> memref<1x1x128x128xf32, #tpu.memory_space<vmem>>
          %dma_wait3A_169 = tpu.memref_squeeze %dma_wait3A_168 : memref<1x1x128x128xf32, #tpu.memory_space<vmem>> -> memref<128x128xf32, #tpu.memory_space<vmem>>
          %dma_wait3A_170 = tpu.memref_slice %arg3[%dma_wait3A_165, %mul3A_0, %multiple_of3A, %multiple_of3A_163] : memref<1x16x2048x2048xf32, #tpu.memory_space<hbm>> -> memref<1x1x128x128xf32, #tpu.memory_space<hbm>>
          %dma_wait3A_171 = tpu.memref_squeeze %dma_wait3A_170 : memref<1x1x128x128xf32, #tpu.memory_space<hbm>> -> memref<128x128xf32, #tpu.memory_space<hbm>>
          %dma_wait3A_172 = tpu.memref_slice %arg3[%dma_wait3A_165, %mul3A_0, %multiple_of3A, %multiple_of3A_163] : memref<1x16x2048x2048xf32, #tpu.memory_space<hbm>> -> memref<1x1x128x128xf32, #tpu.memory_space<hbm>>
          %dma_wait3A_173 = tpu.memref_squeeze %dma_wait3A_172 : memref<1x1x128x128xf32, #tpu.memory_space<hbm>> -> memref<128x128xf32, #tpu.memory_space<hbm>>
          %dma_wait3A_174 = arith.constant 0 : i32
          %dma_wait3A_175 = arith.constant 0 : i32
          %dma_wait3A_176 = tpu.memref_slice %arg5[%dma_wait3A, %dma_wait3A_164, %dma_wait3A_174, %dma_wait3A_175] : memref<2x2x128x128xf32, #tpu.memory_space<vmem>> -> memref<1x1x128x128xf32, #tpu.memory_space<vmem>>
          %dma_wait3A_177 = tpu.memref_squeeze %dma_wait3A_176 : memref<1x1x128x128xf32, #tpu.memory_space<vmem>> -> memref<128x128xf32, #tpu.memory_space<vmem>>
          tpu.wait_dma2 semaphore(%arg6 : memref<!tpu.dma_semaphore, #tpu.memory_space<semaphore_mem>>) src(%dma_wait3A_177 : memref<128x128xf32, #tpu.memory_space<vmem>>) dst(%dma_wait3A_173 : memref<128x128xf32, #tpu.memory_space<hbm>>)
        }
        %add3A_144 = arith.constant 1 : i32
        %add3A_145 = arith.addi %arg1, %add3A_144 : i32
        %while3A_146 = arith.constant 0 : i32
        %while3A_147 = arith.constant 16 : i32
        %while3A_148 = arith.subi %while3A_147, %add3A_145 : i32
        %while3A_149 = arith.addi %add3A_145, %while3A_148 : i32
        %while3A_150 = arith.constant 1 : i32
        %while3A_151 = arith.divsi %while3A_148, %while3A_150 : i32
        %while3A_152 = arith.muli %while3A_151, %while3A_150 : i32
        %while3A_153 = arith.addi %add3A_145, %while3A_152 : i32
        %while3A_154 = arith.constant 1 : i32
        scf.for %while3A_156 = %add3A_145 to %while3A_153 step %while3A_154  : i32 {
          %add3A_157 = arith.constant 15 : i32
          %add3A_158 = arith.addi %while3A_156, %add3A_157 : i32
          %sub3A = arith.subi %add3A_158, %add3A_1 : i32
          %mul3A_159 = arith.constant 128 : i32
          %mul3A_160 = arith.muli %sub3A, %mul3A_159 : i32
          %multiple_of3A = tpu.assume_multiple %mul3A_160, 128 : i32
          %mul3A_161 = arith.constant 128 : i32
          %mul3A_162 = arith.muli %while3A_156, %mul3A_161 : i32
          %multiple_of3A_163 = tpu.assume_multiple %mul3A_162, 128 : i32
          %dma_wait3A = arith.constant 0 : i32
          %dma_wait3A_164 = arith.constant 1 : i32
          %dma_wait3A_165 = arith.constant 0 : i32
          %dma_wait3A_166 = arith.constant 0 : i32
          %dma_wait3A_167 = arith.constant 0 : i32
          %dma_wait3A_168 = tpu.memref_slice %arg5[%dma_wait3A, %dma_wait3A_164, %dma_wait3A_166, %dma_wait3A_167] : memref<2x2x128x128xf32, #tpu.memory_space<vmem>> -> memref<1x1x128x128xf32, #tpu.memory_space<vmem>>
          %dma_wait3A_169 = tpu.memref_squeeze %dma_wait3A_168 : memref<1x1x128x128xf32, #tpu.memory_space<vmem>> -> memref<128x128xf32, #tpu.memory_space<vmem>>
          %dma_wait3A_170 = tpu.memref_slice %arg3[%dma_wait3A_165, %mul3A_0, %multiple_of3A, %multiple_of3A_163] : memref<1x16x2048x2048xf32, #tpu.memory_space<hbm>> -> memref<1x1x128x128xf32, #tpu.memory_space<hbm>>
          %dma_wait3A_171 = tpu.memref_squeeze %dma_wait3A_170 : memref<1x1x128x128xf32, #tpu.memory_space<hbm>> -> memref<128x128xf32, #tpu.memory_space<hbm>>
          %dma_wait3A_172 = tpu.memref_slice %arg3[%dma_wait3A_165, %mul3A_0, %multiple_of3A, %multiple_of3A_163] : memref<1x16x2048x2048xf32, #tpu.memory_space<hbm>> -> memref<1x1x128x128xf32, #tpu.memory_space<hbm>>
          %dma_wait3A_173 = tpu.memref_squeeze %dma_wait3A_172 : memref<1x1x128x128xf32, #tpu.memory_space<hbm>> -> memref<128x128xf32, #tpu.memory_space<hbm>>
          %dma_wait3A_174 = arith.constant 0 : i32
          %dma_wait3A_175 = arith.constant 0 : i32
          %dma_wait3A_176 = tpu.memref_slice %arg5[%dma_wait3A, %dma_wait3A_164, %dma_wait3A_174, %dma_wait3A_175] : memref<2x2x128x128xf32, #tpu.memory_space<vmem>> -> memref<1x1x128x128xf32, #tpu.memory_space<vmem>>
          %dma_wait3A_177 = tpu.memref_squeeze %dma_wait3A_176 : memref<1x1x128x128xf32, #tpu.memory_space<vmem>> -> memref<128x128xf32, #tpu.memory_space<vmem>>
          tpu.wait_dma2 semaphore(%arg7 : memref<!tpu.dma_semaphore, #tpu.memory_space<semaphore_mem>>) src(%dma_wait3A_177 : memref<128x128xf32, #tpu.memory_space<vmem>>) dst(%dma_wait3A_173 : memref<128x128xf32, #tpu.memory_space<hbm>>)
        }
        %while3A_155 = arith.constant 1 : i32
        scf.for %while3A_156 = %while3A_153 to %while3A_149 step %while3A_155  : i32 {
          %add3A_157 = arith.constant 15 : i32
          %add3A_158 = arith.addi %while3A_156, %add3A_157 : i32
          %sub3A = arith.subi %add3A_158, %add3A_1 : i32
          %mul3A_159 = arith.constant 128 : i32
          %mul3A_160 = arith.muli %sub3A, %mul3A_159 : i32
          %multiple_of3A = tpu.assume_multiple %mul3A_160, 128 : i32
          %mul3A_161 = arith.constant 128 : i32
          %mul3A_162 = arith.muli %while3A_156, %mul3A_161 : i32
          %multiple_of3A_163 = tpu.assume_multiple %mul3A_162, 128 : i32
          %dma_wait3A = arith.constant 0 : i32
          %dma_wait3A_164 = arith.constant 1 : i32
          %dma_wait3A_165 = arith.constant 0 : i32
          %dma_wait3A_166 = arith.constant 0 : i32
          %dma_wait3A_167 = arith.constant 0 : i32
          %dma_wait3A_168 = tpu.memref_slice %arg5[%dma_wait3A, %dma_wait3A_164, %dma_wait3A_166, %dma_wait3A_167] : memref<2x2x128x128xf32, #tpu.memory_space<vmem>> -> memref<1x1x128x128xf32, #tpu.memory_space<vmem>>
          %dma_wait3A_169 = tpu.memref_squeeze %dma_wait3A_168 : memref<1x1x128x128xf32, #tpu.memory_space<vmem>> -> memref<128x128xf32, #tpu.memory_space<vmem>>
          %dma_wait3A_170 = tpu.memref_slice %arg3[%dma_wait3A_165, %mul3A_0, %multiple_of3A, %multiple_of3A_163] : memref<1x16x2048x2048xf32, #tpu.memory_space<hbm>> -> memref<1x1x128x128xf32, #tpu.memory_space<hbm>>
          %dma_wait3A_171 = tpu.memref_squeeze %dma_wait3A_170 : memref<1x1x128x128xf32, #tpu.memory_space<hbm>> -> memref<128x128xf32, #tpu.memory_space<hbm>>
          %dma_wait3A_172 = tpu.memref_slice %arg3[%dma_wait3A_165, %mul3A_0, %multiple_of3A, %multiple_of3A_163] : memref<1x16x2048x2048xf32, #tpu.memory_space<hbm>> -> memref<1x1x128x128xf32, #tpu.memory_space<hbm>>
          %dma_wait3A_173 = tpu.memref_squeeze %dma_wait3A_172 : memref<1x1x128x128xf32, #tpu.memory_space<hbm>> -> memref<128x128xf32, #tpu.memory_space<hbm>>
          %dma_wait3A_174 = arith.constant 0 : i32
          %dma_wait3A_175 = arith.constant 0 : i32
          %dma_wait3A_176 = tpu.memref_slice %arg5[%dma_wait3A, %dma_wait3A_164, %dma_wait3A_174, %dma_wait3A_175] : memref<2x2x128x128xf32, #tpu.memory_space<vmem>> -> memref<1x1x128x128xf32, #tpu.memory_space<vmem>>
          %dma_wait3A_177 = tpu.memref_squeeze %dma_wait3A_176 : memref<1x1x128x128xf32, #tpu.memory_space<vmem>> -> memref<128x128xf32, #tpu.memory_space<vmem>>
          tpu.wait_dma2 semaphore(%arg7 : memref<!tpu.dma_semaphore, #tpu.memory_space<semaphore_mem>>) src(%dma_wait3A_177 : memref<128x128xf32, #tpu.memory_space<vmem>>) dst(%dma_wait3A_173 : memref<128x128xf32, #tpu.memory_space<hbm>>)
        }
      } else {
      }
      %mul3A_57 = arith.constant 2 : i32
      %mul3A_58 = arith.muli %mul3A_57, %scan3A_54 : i32
      %add3A_59 = arith.constant 0 : i32
      %add3A_60 = arith.addi %mul3A_58, %add3A_59 : i32
      %add3A_61 = arith.addi %mul3A_0, %add3A_60 : i32
      %scan3A_62 = arith.constant 0 : i32
      %scan3A_63 = arith.constant 0 : i32
      %scan3A_64 = arith.constant 2 : i32
      %scan3A_65 = arith.addi %scan3A_63, %scan3A_64 : i32
      %scan3A_66 = arith.constant 1 : i32
      scf.for %scan3A_132 = %scan3A_63 to %scan3A_65 step %scan3A_66  : i32 {
        %mul3A_133 = arith.constant 16 : i32
        %mul3A_134 = arith.muli %scan3A_132, %mul3A_133 : i32
        %add3A_135 = arith.addi %arg1, %mul3A_134 : i32
        %broadcast_in_dim3A = vector.broadcast %add3A_61 : i32 to vector<16xi32>
        %gather3A = tpu.vector_load_idx %arg4[%broadcast_in_dim3A] : memref<512xf32, #tpu.memory_space<vmem>>[vector<16xi32>], vector<16xf32>,
        %add3A_136 = arith.constant 496 : i32
        %add3A_137 = arith.addi %add3A_136, %add3A_61 : i32
        %broadcast_in_dim3A_138 = vector.broadcast %add3A_137 : i32 to vector<16xi32>
        %gather3A_139 = tpu.vector_load_idx %arg4[%broadcast_in_dim3A_138] : memref<512xf32, #tpu.memory_space<vmem>>[vector<16xi32>], vector<16xf32>,
        %mul3A_140 = arith.constant 128 : i32
        %mul3A_141 = arith.muli %mul3A_140, %add3A_135 : i32
        %sub3A = arith.constant 2047 : i32
        %sub3A_142 = arith.subi %mul3A_141, %sub3A : i32
        %jit3A = arith.constant 0 : i32
        %jit3A_143 = arith.constant 128 : i32
        %max3A = arith.maxsi %jit3A, %sub3A_142 : i32
        %min3A = arith.minsi %jit3A_143, %max3A : i32
        %mul3A_144 = arith.constant 128 : i32
        %mul3A_145 = arith.muli %mul3A_144, %add3A_135 : i32
        %sub3A_146 = arith.constant 1664 : i32
        %sub3A_147 = arith.subi %mul3A_145, %sub3A_146 : i32
        %jit3A_148 = arith.constant 0 : i32
        %jit3A_149 = arith.constant 128 : i32
        %max3A_150 = arith.maxsi %jit3A_148, %sub3A_147 : i32
        %min3A_151 = arith.minsi %jit3A_149, %max3A_150 : i32
        %mul3A_152 = arith.constant 128 : i32
        %mul3A_153 = arith.muli %mul3A_152, %add3A_135 : i32
        %add3A_154 = arith.constant 127 : i32
        %add3A_155 = arith.addi %mul3A_153, %add3A_154 : i32
        %sub3A_156 = arith.constant 1919 : i32
        %sub3A_157 = arith.subi %add3A_155, %sub3A_156 : i32
        %while3A_158 = arith.constant 0 : i32
        %while3A_159 = arith.constant 0 : i32
        %while3A_160 = arith.constant 0 : i32
        %while3A_161 = arith.subi %min3A, %while3A_160 : i32
        %while3A_162 = arith.addi %while3A_160, %while3A_161 : i32
        %while3A_163 = arith.constant 1 : i32
        %while3A_164 = arith.divsi %while3A_161, %while3A_163 : i32
        %while3A_165 = arith.muli %while3A_164, %while3A_163 : i32
        %while3A_166 = arith.addi %while3A_160, %while3A_165 : i32
        %while3A_167 = arith.constant 1 : i32
        scf.for %while3A_190 = %while3A_160 to %while3A_166 step %while3A_167  : i32 {
          %swap3A = arith.constant 0 : i32
          %swap3A_191 = arith.constant 0 : i32
          %swap3A_192 = tpu.memref_slice %arg5[%while3A_159, %scan3A_132, %swap3A, %swap3A_191] : memref<2x2x128x128xf32, #tpu.memory_space<vmem>> -> memref<1x1x128x128xf32, #tpu.memory_space<vmem>>
          %swap3A_193 = tpu.memref_squeeze %swap3A_192 : memref<1x1x128x128xf32, #tpu.memory_space<vmem>> -> memref<128x128xf32, #tpu.memory_space<vmem>>
          %swap3A_194 = arith.index_cast %while3A_190 : i32 to index
          %swap3A_195 = arith.constant 0 : index
          %swap3A_196 = tpu.vector_load %swap3A_193[%swap3A_194, %swap3A_195] {strides = array<i32>} : memref<128x128xf32, #tpu.memory_space<vmem>>, vector<16xf32>,
          tpu.vector_store %swap3A_193[%swap3A_194, %swap3A_195], %gather3A_139 {strides = array<i32>} : memref<128x128xf32, #tpu.memory_space<vmem>>, vector<16xf32>,
          %swap3A_197 = arith.constant 0 : i32
          %swap3A_198 = arith.constant 0 : i32
          %swap3A_199 = tpu.memref_slice %arg5[%while3A_159, %scan3A_132, %swap3A_197, %swap3A_198] : memref<2x2x128x128xf32, #tpu.memory_space<vmem>> -> memref<1x1x128x128xf32, #tpu.memory_space<vmem>>
          %swap3A_200 = tpu.memref_squeeze %swap3A_199 : memref<1x1x128x128xf32, #tpu.memory_space<vmem>> -> memref<128x128xf32, #tpu.memory_space<vmem>>
          %swap3A_201 = arith.index_cast %while3A_190 : i32 to index
          %swap3A_202 = arith.constant 16 : index
          %swap3A_203 = tpu.vector_load %swap3A_200[%swap3A_201, %swap3A_202] {strides = array<i32>} : memref<128x128xf32, #tpu.memory_space<vmem>>, vector<16xf32>,
          tpu.vector_store %swap3A_200[%swap3A_201, %swap3A_202], %gather3A_139 {strides = array<i32>} : memref<128x128xf32, #tpu.memory_space<vmem>>, vector<16xf32>,
          %swap3A_204 = arith.constant 0 : i32
          %swap3A_205 = arith.constant 0 : i32
          %swap3A_206 = tpu.memref_slice %arg5[%while3A_159, %scan3A_132, %swap3A_204, %swap3A_205] : memref<2x2x128x128xf32, #tpu.memory_space<vmem>> -> memref<1x1x128x128xf32, #tpu.memory_space<vmem>>
          %swap3A_207 = tpu.memref_squeeze %swap3A_206 : memref<1x1x128x128xf32, #tpu.memory_space<vmem>> -> memref<128x128xf32, #tpu.memory_space<vmem>>
          %swap3A_208 = arith.index_cast %while3A_190 : i32 to index
          %swap3A_209 = arith.constant 32 : index
          %swap3A_210 = tpu.vector_load %swap3A_207[%swap3A_208, %swap3A_209] {strides = array<i32>} : memref<128x128xf32, #tpu.memory_space<vmem>>, vector<16xf32>,
          tpu.vector_store %swap3A_207[%swap3A_208, %swap3A_209], %gather3A_139 {strides = array<i32>} : memref<128x128xf32, #tpu.memory_space<vmem>>, vector<16xf32>,
          %swap3A_211 = arith.constant 0 : i32
          %swap3A_212 = arith.constant 0 : i32
          %swap3A_213 = tpu.memref_slice %arg5[%while3A_159, %scan3A_132, %swap3A_211, %swap3A_212] : memref<2x2x128x128xf32, #tpu.memory_space<vmem>> -> memref<1x1x128x128xf32, #tpu.memory_space<vmem>>
          %swap3A_214 = tpu.memref_squeeze %swap3A_213 : memref<1x1x128x128xf32, #tpu.memory_space<vmem>> -> memref<128x128xf32, #tpu.memory_space<vmem>>
          %swap3A_215 = arith.index_cast %while3A_190 : i32 to index
          %swap3A_216 = arith.constant 48 : index
          %swap3A_217 = tpu.vector_load %swap3A_214[%swap3A_215, %swap3A_216] {strides = array<i32>} : memref<128x128xf32, #tpu.memory_space<vmem>>, vector<16xf32>,
          tpu.vector_store %swap3A_214[%swap3A_215, %swap3A_216], %gather3A_139 {strides = array<i32>} : memref<128x128xf32, #tpu.memory_space<vmem>>, vector<16xf32>,
          %swap3A_218 = arith.constant 0 : i32
          %swap3A_219 = arith.constant 0 : i32
          %swap3A_220 = tpu.memref_slice %arg5[%while3A_159, %scan3A_132, %swap3A_218, %swap3A_219] : memref<2x2x128x128xf32, #tpu.memory_space<vmem>> -> memref<1x1x128x128xf32, #tpu.memory_space<vmem>>
          %swap3A_221 = tpu.memref_squeeze %swap3A_220 : memref<1x1x128x128xf32, #tpu.memory_space<vmem>> -> memref<128x128xf32, #tpu.memory_space<vmem>>
          %swap3A_222 = arith.index_cast %while3A_190 : i32 to index
          %swap3A_223 = arith.constant 64 : index
          %swap3A_224 = tpu.vector_load %swap3A_221[%swap3A_222, %swap3A_223] {strides = array<i32>} : memref<128x128xf32, #tpu.memory_space<vmem>>, vector<16xf32>,
          tpu.vector_store %swap3A_221[%swap3A_222, %swap3A_223], %gather3A_139 {strides = array<i32>} : memref<128x128xf32, #tpu.memory_space<vmem>>, vector<16xf32>,
          %swap3A_225 = arith.constant 0 : i32
          %swap3A_226 = arith.constant 0 : i32
          %swap3A_227 = tpu.memref_slice %arg5[%while3A_159, %scan3A_132, %swap3A_225, %swap3A_226] : memref<2x2x128x128xf32, #tpu.memory_space<vmem>> -> memref<1x1x128x128xf32, #tpu.memory_space<vmem>>
          %swap3A_228 = tpu.memref_squeeze %swap3A_227 : memref<1x1x128x128xf32, #tpu.memory_space<vmem>> -> memref<128x128xf32, #tpu.memory_space<vmem>>
          %swap3A_229 = arith.index_cast %while3A_190 : i32 to index
          %swap3A_230 = arith.constant 80 : index
          %swap3A_231 = tpu.vector_load %swap3A_228[%swap3A_229, %swap3A_230] {strides = array<i32>} : memref<128x128xf32, #tpu.memory_space<vmem>>, vector<16xf32>,
          tpu.vector_store %swap3A_228[%swap3A_229, %swap3A_230], %gather3A_139 {strides = array<i32>} : memref<128x128xf32, #tpu.memory_space<vmem>>, vector<16xf32>,
          %swap3A_232 = arith.constant 0 : i32
          %swap3A_233 = arith.constant 0 : i32
          %swap3A_234 = tpu.memref_slice %arg5[%while3A_159, %scan3A_132, %swap3A_232, %swap3A_233] : memref<2x2x128x128xf32, #tpu.memory_space<vmem>> -> memref<1x1x128x128xf32, #tpu.memory_space<vmem>>
          %swap3A_235 = tpu.memref_squeeze %swap3A_234 : memref<1x1x128x128xf32, #tpu.memory_space<vmem>> -> memref<128x128xf32, #tpu.memory_space<vmem>>
          %swap3A_236 = arith.index_cast %while3A_190 : i32 to index
          %swap3A_237 = arith.constant 96 : index
          %swap3A_238 = tpu.vector_load %swap3A_235[%swap3A_236, %swap3A_237] {strides = array<i32>} : memref<128x128xf32, #tpu.memory_space<vmem>>, vector<16xf32>,
          tpu.vector_store %swap3A_235[%swap3A_236, %swap3A_237], %gather3A_139 {strides = array<i32>} : memref<128x128xf32, #tpu.memory_space<vmem>>, vector<16xf32>,
          %swap3A_239 = arith.constant 0 : i32
          %swap3A_240 = arith.constant 0 : i32
          %swap3A_241 = tpu.memref_slice %arg5[%while3A_159, %scan3A_132, %swap3A_239, %swap3A_240] : memref<2x2x128x128xf32, #tpu.memory_space<vmem>> -> memref<1x1x128x128xf32, #tpu.memory_space<vmem>>
          %swap3A_242 = tpu.memref_squeeze %swap3A_241 : memref<1x1x128x128xf32, #tpu.memory_space<vmem>> -> memref<128x128xf32, #tpu.memory_space<vmem>>
          %swap3A_243 = arith.index_cast %while3A_190 : i32 to index
          %swap3A_244 = arith.constant 112 : index
          %swap3A_245 = tpu.vector_load %swap3A_242[%swap3A_243, %swap3A_244] {strides = array<i32>} : memref<128x128xf32, #tpu.memory_space<vmem>>, vector<16xf32>,
          tpu.vector_store %swap3A_242[%swap3A_243, %swap3A_244], %gather3A_139 {strides = array<i32>} : memref<128x128xf32, #tpu.memory_space<vmem>>, vector<16xf32>,
        }
        %while3A_168 = arith.constant 1 : i32
        scf.for %while3A_190 = %while3A_166 to %while3A_162 step %while3A_168  : i32 {
          %swap3A = arith.constant 0 : i32
          %swap3A_191 = arith.constant 0 : i32
          %swap3A_192 = tpu.memref_slice %arg5[%while3A_159, %scan3A_132, %swap3A, %swap3A_191] : memref<2x2x128x128xf32, #tpu.memory_space<vmem>> -> memref<1x1x128x128xf32, #tpu.memory_space<vmem>>
          %swap3A_193 = tpu.memref_squeeze %swap3A_192 : memref<1x1x128x128xf32, #tpu.memory_space<vmem>> -> memref<128x128xf32, #tpu.memory_space<vmem>>
          %swap3A_194 = arith.index_cast %while3A_190 : i32 to index
          %swap3A_195 = arith.constant 0 : index
          %swap3A_196 = tpu.vector_load %swap3A_193[%swap3A_194, %swap3A_195] {strides = array<i32>} : memref<128x128xf32, #tpu.memory_space<vmem>>, vector<16xf32>,
          tpu.vector_store %swap3A_193[%swap3A_194, %swap3A_195], %gather3A_139 {strides = array<i32>} : memref<128x128xf32, #tpu.memory_space<vmem>>, vector<16xf32>,
          %swap3A_197 = arith.constant 0 : i32
          %swap3A_198 = arith.constant 0 : i32
          %swap3A_199 = tpu.memref_slice %arg5[%while3A_159, %scan3A_132, %swap3A_197, %swap3A_198] : memref<2x2x128x128xf32, #tpu.memory_space<vmem>> -> memref<1x1x128x128xf32, #tpu.memory_space<vmem>>
          %swap3A_200 = tpu.memref_squeeze %swap3A_199 : memref<1x1x128x128xf32, #tpu.memory_space<vmem>> -> memref<128x128xf32, #tpu.memory_space<vmem>>
          %swap3A_201 = arith.index_cast %while3A_190 : i32 to index
          %swap3A_202 = arith.constant 16 : index
          %swap3A_203 = tpu.vector_load %swap3A_200[%swap3A_201, %swap3A_202] {strides = array<i32>} : memref<128x128xf32, #tpu.memory_space<vmem>>, vector<16xf32>,
          tpu.vector_store %swap3A_200[%swap3A_201, %swap3A_202], %gather3A_139 {strides = array<i32>} : memref<128x128xf32, #tpu.memory_space<vmem>>, vector<16xf32>,
          %swap3A_204 = arith.constant 0 : i32
          %swap3A_205 = arith.constant 0 : i32
          %swap3A_206 = tpu.memref_slice %arg5[%while3A_159, %scan3A_132, %swap3A_204, %swap3A_205] : memref<2x2x128x128xf32, #tpu.memory_space<vmem>> -> memref<1x1x128x128xf32, #tpu.memory_space<vmem>>
          %swap3A_207 = tpu.memref_squeeze %swap3A_206 : memref<1x1x128x128xf32, #tpu.memory_space<vmem>> -> memref<128x128xf32, #tpu.memory_space<vmem>>
          %swap3A_208 = arith.index_cast %while3A_190 : i32 to index
          %swap3A_209 = arith.constant 32 : index
          %swap3A_210 = tpu.vector_load %swap3A_207[%swap3A_208, %swap3A_209] {strides = array<i32>} : memref<128x128xf32, #tpu.memory_space<vmem>>, vector<16xf32>,
          tpu.vector_store %swap3A_207[%swap3A_208, %swap3A_209], %gather3A_139 {strides = array<i32>} : memref<128x128xf32, #tpu.memory_space<vmem>>, vector<16xf32>,
          %swap3A_211 = arith.constant 0 : i32
          %swap3A_212 = arith.constant 0 : i32
          %swap3A_213 = tpu.memref_slice %arg5[%while3A_159, %scan3A_132, %swap3A_211, %swap3A_212] : memref<2x2x128x128xf32, #tpu.memory_space<vmem>> -> memref<1x1x128x128xf32, #tpu.memory_space<vmem>>
          %swap3A_214 = tpu.memref_squeeze %swap3A_213 : memref<1x1x128x128xf32, #tpu.memory_space<vmem>> -> memref<128x128xf32, #tpu.memory_space<vmem>>
          %swap3A_215 = arith.index_cast %while3A_190 : i32 to index
          %swap3A_216 = arith.constant 48 : index
          %swap3A_217 = tpu.vector_load %swap3A_214[%swap3A_215, %swap3A_216] {strides = array<i32>} : memref<128x128xf32, #tpu.memory_space<vmem>>, vector<16xf32>,
          tpu.vector_store %swap3A_214[%swap3A_215, %swap3A_216], %gather3A_139 {strides = array<i32>} : memref<128x128xf32, #tpu.memory_space<vmem>>, vector<16xf32>,
          %swap3A_218 = arith.constant 0 : i32
          %swap3A_219 = arith.constant 0 : i32
          %swap3A_220 = tpu.memref_slice %arg5[%while3A_159, %scan3A_132, %swap3A_218, %swap3A_219] : memref<2x2x128x128xf32, #tpu.memory_space<vmem>> -> memref<1x1x128x128xf32, #tpu.memory_space<vmem>>
          %swap3A_221 = tpu.memref_squeeze %swap3A_220 : memref<1x1x128x128xf32, #tpu.memory_space<vmem>> -> memref<128x128xf32, #tpu.memory_space<vmem>>
          %swap3A_222 = arith.index_cast %while3A_190 : i32 to index
          %swap3A_223 = arith.constant 64 : index
          %swap3A_224 = tpu.vector_load %swap3A_221[%swap3A_222, %swap3A_223] {strides = array<i32>} : memref<128x128xf32, #tpu.memory_space<vmem>>, vector<16xf32>,
          tpu.vector_store %swap3A_221[%swap3A_222, %swap3A_223], %gather3A_139 {strides = array<i32>} : memref<128x128xf32, #tpu.memory_space<vmem>>, vector<16xf32>,
          %swap3A_225 = arith.constant 0 : i32
          %swap3A_226 = arith.constant 0 : i32
          %swap3A_227 = tpu.memref_slice %arg5[%while3A_159, %scan3A_132, %swap3A_225, %swap3A_226] : memref<2x2x128x128xf32, #tpu.memory_space<vmem>> -> memref<1x1x128x128xf32, #tpu.memory_space<vmem>>
          %swap3A_228 = tpu.memref_squeeze %swap3A_227 : memref<1x1x128x128xf32, #tpu.memory_space<vmem>> -> memref<128x128xf32, #tpu.memory_space<vmem>>
          %swap3A_229 = arith.index_cast %while3A_190 : i32 to index
          %swap3A_230 = arith.constant 80 : index
          %swap3A_231 = tpu.vector_load %swap3A_228[%swap3A_229, %swap3A_230] {strides = array<i32>} : memref<128x128xf32, #tpu.memory_space<vmem>>, vector<16xf32>,
          tpu.vector_store %swap3A_228[%swap3A_229, %swap3A_230], %gather3A_139 {strides = array<i32>} : memref<128x128xf32, #tpu.memory_space<vmem>>, vector<16xf32>,
          %swap3A_232 = arith.constant 0 : i32
          %swap3A_233 = arith.constant 0 : i32
          %swap3A_234 = tpu.memref_slice %arg5[%while3A_159, %scan3A_132, %swap3A_232, %swap3A_233] : memref<2x2x128x128xf32, #tpu.memory_space<vmem>> -> memref<1x1x128x128xf32, #tpu.memory_space<vmem>>
          %swap3A_235 = tpu.memref_squeeze %swap3A_234 : memref<1x1x128x128xf32, #tpu.memory_space<vmem>> -> memref<128x128xf32, #tpu.memory_space<vmem>>
          %swap3A_236 = arith.index_cast %while3A_190 : i32 to index
          %swap3A_237 = arith.constant 96 : index
          %swap3A_238 = tpu.vector_load %swap3A_235[%swap3A_236, %swap3A_237] {strides = array<i32>} : memref<128x128xf32, #tpu.memory_space<vmem>>, vector<16xf32>,
          tpu.vector_store %swap3A_235[%swap3A_236, %swap3A_237], %gather3A_139 {strides = array<i32>} : memref<128x128xf32, #tpu.memory_space<vmem>>, vector<16xf32>,
          %swap3A_239 = arith.constant 0 : i32
          %swap3A_240 = arith.constant 0 : i32
          %swap3A_241 = tpu.memref_slice %arg5[%while3A_159, %scan3A_132, %swap3A_239, %swap3A_240] : memref<2x2x128x128xf32, #tpu.memory_space<vmem>> -> memref<1x1x128x128xf32, #tpu.memory_space<vmem>>
          %swap3A_242 = tpu.memref_squeeze %swap3A_241 : memref<1x1x128x128xf32, #tpu.memory_space<vmem>> -> memref<128x128xf32, #tpu.memory_space<vmem>>
          %swap3A_243 = arith.index_cast %while3A_190 : i32 to index
          %swap3A_244 = arith.constant 112 : index
          %swap3A_245 = tpu.vector_load %swap3A_242[%swap3A_243, %swap3A_244] {strides = array<i32>} : memref<128x128xf32, #tpu.memory_space<vmem>>, vector<16xf32>,
          tpu.vector_store %swap3A_242[%swap3A_243, %swap3A_244], %gather3A_139 {strides = array<i32>} : memref<128x128xf32, #tpu.memory_space<vmem>>, vector<16xf32>,
        }
        %while3A_169 = arith.constant 0 : i32
        %while3A_170 = arith.constant 0 : i32
        %while3A_171 = arith.subi %min3A_151, %min3A : i32
        %while3A_172 = arith.addi %min3A, %while3A_171 : i32
        %while3A_173 = arith.constant 1 : i32
        %while3A_174 = arith.divsi %while3A_171, %while3A_173 : i32
        %while3A_175 = arith.muli %while3A_174, %while3A_173 : i32
        %while3A_176 = arith.addi %min3A, %while3A_175 : i32
        %while3A_177 = arith.constant 1 : i32
        scf.for %while3A_190 = %min3A to %while3A_176 step %while3A_177  : i32 {
          %sub3A_191 = arith.subi %sub3A_157, %while3A_190 : i32
          %add3A_192 = arith.constant 0 : i32
          %add3A_193 = vector.broadcast %add3A_192 : i32 to vector<16xi32>
          %add3A_194 = arith.addi %add3A_193, %iota3A : vector<16xi32>
          %add3A_195 = vector.broadcast %sub3A_191 : i32 to vector<16xi32>
          %add3A_196 = arith.addi %add3A_194, %add3A_195 : vector<16xi32>
          %jit3A_197 = arith.constant 0 : i32
          %jit3A_198 = arith.constant 255 : i32
          %max3A_199 = vector.broadcast %jit3A_197 : i32 to vector<16xi32>
          %max3A_200 = arith.maxsi %max3A_199, %add3A_196 : vector<16xi32>
          %min3A_201 = vector.broadcast %jit3A_198 : i32 to vector<16xi32>
          %min3A_202 = arith.minsi %min3A_201, %max3A_200 : vector<16xi32>
          %and3A = arith.constant 31 : i32
          %and3A_203 = vector.broadcast %and3A : i32 to vector<16xi32>
          %and3A_204 = arith.andi %min3A_202, %and3A_203 : vector<16xi32>
          %mul3A_205 = arith.constant 16 : i32
          %mul3A_206 = vector.broadcast %mul3A_205 : i32 to vector<16xi32>
          %mul3A_207 = arith.muli %and3A_204, %mul3A_206 : vector<16xi32>
          %add3A_208 = vector.broadcast %add3A_61 : i32 to vector<16xi32>
          %add3A_209 = arith.addi %mul3A_207, %add3A_208 : vector<16xi32>
          %gather3A_210 = tpu.vector_load_idx %arg4[%add3A_209] : memref<512xf32, #tpu.memory_space<vmem>>[vector<16xi32>], vector<16xf32>,
          %swap3A = arith.constant 0 : i32
          %swap3A_211 = arith.constant 0 : i32
          %swap3A_212 = tpu.memref_slice %arg5[%while3A_170, %scan3A_132, %swap3A, %swap3A_211] : memref<2x2x128x128xf32, #tpu.memory_space<vmem>> -> memref<1x1x128x128xf32, #tpu.memory_space<vmem>>
          %swap3A_213 = tpu.memref_squeeze %swap3A_212 : memref<1x1x128x128xf32, #tpu.memory_space<vmem>> -> memref<128x128xf32, #tpu.memory_space<vmem>>
          %swap3A_214 = arith.index_cast %while3A_190 : i32 to index
          %swap3A_215 = arith.constant 0 : index
          %swap3A_216 = tpu.vector_load %swap3A_213[%swap3A_214, %swap3A_215] {strides = array<i32>} : memref<128x128xf32, #tpu.memory_space<vmem>>, vector<16xf32>,
          tpu.vector_store %swap3A_213[%swap3A_214, %swap3A_215], %gather3A_210 {strides = array<i32>} : memref<128x128xf32, #tpu.memory_space<vmem>>, vector<16xf32>,
          %add3A_217 = arith.constant 16 : i32
          %add3A_218 = vector.broadcast %add3A_217 : i32 to vector<16xi32>
          %add3A_219 = arith.addi %add3A_218, %iota3A : vector<16xi32>
          %add3A_220 = vector.broadcast %sub3A_191 : i32 to vector<16xi32>
          %add3A_221 = arith.addi %add3A_219, %add3A_220 : vector<16xi32>
          %jit3A_222 = arith.constant 0 : i32
          %jit3A_223 = arith.constant 255 : i32
          %max3A_224 = vector.broadcast %jit3A_222 : i32 to vector<16xi32>
          %max3A_225 = arith.maxsi %max3A_224, %add3A_221 : vector<16xi32>
          %min3A_226 = vector.broadcast %jit3A_223 : i32 to vector<16xi32>
          %min3A_227 = arith.minsi %min3A_226, %max3A_225 : vector<16xi32>
          %and3A_228 = arith.constant 31 : i32
          %and3A_229 = vector.broadcast %and3A_228 : i32 to vector<16xi32>
          %and3A_230 = arith.andi %min3A_227, %and3A_229 : vector<16xi32>
          %mul3A_231 = arith.constant 16 : i32
          %mul3A_232 = vector.broadcast %mul3A_231 : i32 to vector<16xi32>
          %mul3A_233 = arith.muli %and3A_230, %mul3A_232 : vector<16xi32>
          %add3A_234 = vector.broadcast %add3A_61 : i32 to vector<16xi32>
          %add3A_235 = arith.addi %mul3A_233, %add3A_234 : vector<16xi32>
          %gather3A_236 = tpu.vector_load_idx %arg4[%add3A_235] : memref<512xf32, #tpu.memory_space<vmem>>[vector<16xi32>], vector<16xf32>,
          %swap3A_237 = arith.constant 0 : i32
          %swap3A_238 = arith.constant 0 : i32
          %swap3A_239 = tpu.memref_slice %arg5[%while3A_170, %scan3A_132, %swap3A_237, %swap3A_238] : memref<2x2x128x128xf32, #tpu.memory_space<vmem>> -> memref<1x1x128x128xf32, #tpu.memory_space<vmem>>
          %swap3A_240 = tpu.memref_squeeze %swap3A_239 : memref<1x1x128x128xf32, #tpu.memory_space<vmem>> -> memref<128x128xf32, #tpu.memory_space<vmem>>
          %swap3A_241 = arith.index_cast %while3A_190 : i32 to index
          %swap3A_242 = arith.constant 16 : index
          %swap3A_243 = tpu.vector_load %swap3A_240[%swap3A_241, %swap3A_242] {strides = array<i32>} : memref<128x128xf32, #tpu.memory_space<vmem>>, vector<16xf32>,
          tpu.vector_store %swap3A_240[%swap3A_241, %swap3A_242], %gather3A_236 {strides = array<i32>} : memref<128x128xf32, #tpu.memory_space<vmem>>, vector<16xf32>,
          %add3A_244 = arith.constant 32 : i32
          %add3A_245 = vector.broadcast %add3A_244 : i32 to vector<16xi32>
          %add3A_246 = arith.addi %add3A_245, %iota3A : vector<16xi32>
          %add3A_247 = vector.broadcast %sub3A_191 : i32 to vector<16xi32>
          %add3A_248 = arith.addi %add3A_246, %add3A_247 : vector<16xi32>
          %jit3A_249 = arith.constant 0 : i32
          %jit3A_250 = arith.constant 255 : i32
          %max3A_251 = vector.broadcast %jit3A_249 : i32 to vector<16xi32>
          %max3A_252 = arith.maxsi %max3A_251, %add3A_248 : vector<16xi32>
          %min3A_253 = vector.broadcast %jit3A_250 : i32 to vector<16xi32>
          %min3A_254 = arith.minsi %min3A_253, %max3A_252 : vector<16xi32>
          %and3A_255 = arith.constant 31 : i32
          %and3A_256 = vector.broadcast %and3A_255 : i32 to vector<16xi32>
          %and3A_257 = arith.andi %min3A_254, %and3A_256 : vector<16xi32>
          %mul3A_258 = arith.constant 16 : i32
          %mul3A_259 = vector.broadcast %mul3A_258 : i32 to vector<16xi32>
          %mul3A_260 = arith.muli %and3A_257, %mul3A_259 : vector<16xi32>
          %add3A_261 = vector.broadcast %add3A_61 : i32 to vector<16xi32>
          %add3A_262 = arith.addi %mul3A_260, %add3A_261 : vector<16xi32>
          %gather3A_263 = tpu.vector_load_idx %arg4[%add3A_262] : memref<512xf32, #tpu.memory_space<vmem>>[vector<16xi32>], vector<16xf32>,
          %swap3A_264 = arith.constant 0 : i32
          %swap3A_265 = arith.constant 0 : i32
          %swap3A_266 = tpu.memref_slice %arg5[%while3A_170, %scan3A_132, %swap3A_264, %swap3A_265] : memref<2x2x128x128xf32, #tpu.memory_space<vmem>> -> memref<1x1x128x128xf32, #tpu.memory_space<vmem>>
          %swap3A_267 = tpu.memref_squeeze %swap3A_266 : memref<1x1x128x128xf32, #tpu.memory_space<vmem>> -> memref<128x128xf32, #tpu.memory_space<vmem>>
          %swap3A_268 = arith.index_cast %while3A_190 : i32 to index
          %swap3A_269 = arith.constant 32 : index
          %swap3A_270 = tpu.vector_load %swap3A_267[%swap3A_268, %swap3A_269] {strides = array<i32>} : memref<128x128xf32, #tpu.memory_space<vmem>>, vector<16xf32>,
          tpu.vector_store %swap3A_267[%swap3A_268, %swap3A_269], %gather3A_263 {strides = array<i32>} : memref<128x128xf32, #tpu.memory_space<vmem>>, vector<16xf32>,
          %add3A_271 = arith.constant 48 : i32
          %add3A_272 = vector.broadcast %add3A_271 : i32 to vector<16xi32>
          %add3A_273 = arith.addi %add3A_272, %iota3A : vector<16xi32>
          %add3A_274 = vector.broadcast %sub3A_191 : i32 to vector<16xi32>
          %add3A_275 = arith.addi %add3A_273, %add3A_274 : vector<16xi32>
          %jit3A_276 = arith.constant 0 : i32
          %jit3A_277 = arith.constant 255 : i32
          %max3A_278 = vector.broadcast %jit3A_276 : i32 to vector<16xi32>
          %max3A_279 = arith.maxsi %max3A_278, %add3A_275 : vector<16xi32>
          %min3A_280 = vector.broadcast %jit3A_277 : i32 to vector<16xi32>
          %min3A_281 = arith.minsi %min3A_280, %max3A_279 : vector<16xi32>
          %and3A_282 = arith.constant 31 : i32
          %and3A_283 = vector.broadcast %and3A_282 : i32 to vector<16xi32>
          %and3A_284 = arith.andi %min3A_281, %and3A_283 : vector<16xi32>
          %mul3A_285 = arith.constant 16 : i32
          %mul3A_286 = vector.broadcast %mul3A_285 : i32 to vector<16xi32>
          %mul3A_287 = arith.muli %and3A_284, %mul3A_286 : vector<16xi32>
          %add3A_288 = vector.broadcast %add3A_61 : i32 to vector<16xi32>
          %add3A_289 = arith.addi %mul3A_287, %add3A_288 : vector<16xi32>
          %gather3A_290 = tpu.vector_load_idx %arg4[%add3A_289] : memref<512xf32, #tpu.memory_space<vmem>>[vector<16xi32>], vector<16xf32>,
          %swap3A_291 = arith.constant 0 : i32
          %swap3A_292 = arith.constant 0 : i32
          %swap3A_293 = tpu.memref_slice %arg5[%while3A_170, %scan3A_132, %swap3A_291, %swap3A_292] : memref<2x2x128x128xf32, #tpu.memory_space<vmem>> -> memref<1x1x128x128xf32, #tpu.memory_space<vmem>>
          %swap3A_294 = tpu.memref_squeeze %swap3A_293 : memref<1x1x128x128xf32, #tpu.memory_space<vmem>> -> memref<128x128xf32, #tpu.memory_space<vmem>>
          %swap3A_295 = arith.index_cast %while3A_190 : i32 to index
          %swap3A_296 = arith.constant 48 : index
          %swap3A_297 = tpu.vector_load %swap3A_294[%swap3A_295, %swap3A_296] {strides = array<i32>} : memref<128x128xf32, #tpu.memory_space<vmem>>, vector<16xf32>,
          tpu.vector_store %swap3A_294[%swap3A_295, %swap3A_296], %gather3A_290 {strides = array<i32>} : memref<128x128xf32, #tpu.memory_space<vmem>>, vector<16xf32>,
          %add3A_298 = arith.constant 64 : i32
          %add3A_299 = vector.broadcast %add3A_298 : i32 to vector<16xi32>
          %add3A_300 = arith.addi %add3A_299, %iota3A : vector<16xi32>
          %add3A_301 = vector.broadcast %sub3A_191 : i32 to vector<16xi32>
          %add3A_302 = arith.addi %add3A_300, %add3A_301 : vector<16xi32>
          %jit3A_303 = arith.constant 0 : i32
          %jit3A_304 = arith.constant 255 : i32
          %max3A_305 = vector.broadcast %jit3A_303 : i32 to vector<16xi32>
          %max3A_306 = arith.maxsi %max3A_305, %add3A_302 : vector<16xi32>
          %min3A_307 = vector.broadcast %jit3A_304 : i32 to vector<16xi32>
          %min3A_308 = arith.minsi %min3A_307, %max3A_306 : vector<16xi32>
          %and3A_309 = arith.constant 31 : i32
          %and3A_310 = vector.broadcast %and3A_309 : i32 to vector<16xi32>
          %and3A_311 = arith.andi %min3A_308, %and3A_310 : vector<16xi32>
          %mul3A_312 = arith.constant 16 : i32
          %mul3A_313 = vector.broadcast %mul3A_312 : i32 to vector<16xi32>
          %mul3A_314 = arith.muli %and3A_311, %mul3A_313 : vector<16xi32>
          %add3A_315 = vector.broadcast %add3A_61 : i32 to vector<16xi32>
          %add3A_316 = arith.addi %mul3A_314, %add3A_315 : vector<16xi32>
          %gather3A_317 = tpu.vector_load_idx %arg4[%add3A_316] : memref<512xf32, #tpu.memory_space<vmem>>[vector<16xi32>], vector<16xf32>,
          %swap3A_318 = arith.constant 0 : i32
          %swap3A_319 = arith.constant 0 : i32
          %swap3A_320 = tpu.memref_slice %arg5[%while3A_170, %scan3A_132, %swap3A_318, %swap3A_319] : memref<2x2x128x128xf32, #tpu.memory_space<vmem>> -> memref<1x1x128x128xf32, #tpu.memory_space<vmem>>
          %swap3A_321 = tpu.memref_squeeze %swap3A_320 : memref<1x1x128x128xf32, #tpu.memory_space<vmem>> -> memref<128x128xf32, #tpu.memory_space<vmem>>
          %swap3A_322 = arith.index_cast %while3A_190 : i32 to index
          %swap3A_323 = arith.constant 64 : index
          %swap3A_324 = tpu.vector_load %swap3A_321[%swap3A_322, %swap3A_323] {strides = array<i32>} : memref<128x128xf32, #tpu.memory_space<vmem>>, vector<16xf32>,
          tpu.vector_store %swap3A_321[%swap3A_322, %swap3A_323], %gather3A_317 {strides = array<i32>} : memref<128x128xf32, #tpu.memory_space<vmem>>, vector<16xf32>,
          %add3A_325 = arith.constant 80 : i32
          %add3A_326 = vector.broadcast %add3A_325 : i32 to vector<16xi32>
          %add3A_327 = arith.addi %add3A_326, %iota3A : vector<16xi32>
          %add3A_328 = vector.broadcast %sub3A_191 : i32 to vector<16xi32>
          %add3A_329 = arith.addi %add3A_327, %add3A_328 : vector<16xi32>
          %jit3A_330 = arith.constant 0 : i32
          %jit3A_331 = arith.constant 255 : i32
          %max3A_332 = vector.broadcast %jit3A_330 : i32 to vector<16xi32>
          %max3A_333 = arith.maxsi %max3A_332, %add3A_329 : vector<16xi32>
          %min3A_334 = vector.broadcast %jit3A_331 : i32 to vector<16xi32>
          %min3A_335 = arith.minsi %min3A_334, %max3A_333 : vector<16xi32>
          %and3A_336 = arith.constant 31 : i32
          %and3A_337 = vector.broadcast %and3A_336 : i32 to vector<16xi32>
          %and3A_338 = arith.andi %min3A_335, %and3A_337 : vector<16xi32>
          %mul3A_339 = arith.constant 16 : i32
          %mul3A_340 = vector.broadcast %mul3A_339 : i32 to vector<16xi32>
          %mul3A_341 = arith.muli %and3A_338, %mul3A_340 : vector<16xi32>
          %add3A_342 = vector.broadcast %add3A_61 : i32 to vector<16xi32>
          %add3A_343 = arith.addi %mul3A_341, %add3A_342 : vector<16xi32>
          %gather3A_344 = tpu.vector_load_idx %arg4[%add3A_343] : memref<512xf32, #tpu.memory_space<vmem>>[vector<16xi32>], vector<16xf32>,
          %swap3A_345 = arith.constant 0 : i32
          %swap3A_346 = arith.constant 0 : i32
          %swap3A_347 = tpu.memref_slice %arg5[%while3A_170, %scan3A_132, %swap3A_345, %swap3A_346] : memref<2x2x128x128xf32, #tpu.memory_space<vmem>> -> memref<1x1x128x128xf32, #tpu.memory_space<vmem>>
          %swap3A_348 = tpu.memref_squeeze %swap3A_347 : memref<1x1x128x128xf32, #tpu.memory_space<vmem>> -> memref<128x128xf32, #tpu.memory_space<vmem>>
          %swap3A_349 = arith.index_cast %while3A_190 : i32 to index
          %swap3A_350 = arith.constant 80 : index
          %swap3A_351 = tpu.vector_load %swap3A_348[%swap3A_349, %swap3A_350] {strides = array<i32>} : memref<128x128xf32, #tpu.memory_space<vmem>>, vector<16xf32>,
          tpu.vector_store %swap3A_348[%swap3A_349, %swap3A_350], %gather3A_344 {strides = array<i32>} : memref<128x128xf32, #tpu.memory_space<vmem>>, vector<16xf32>,
          %add3A_352 = arith.constant 96 : i32
          %add3A_353 = vector.broadcast %add3A_352 : i32 to vector<16xi32>
          %add3A_354 = arith.addi %add3A_353, %iota3A : vector<16xi32>
          %add3A_355 = vector.broadcast %sub3A_191 : i32 to vector<16xi32>
          %add3A_356 = arith.addi %add3A_354, %add3A_355 : vector<16xi32>
          %jit3A_357 = arith.constant 0 : i32
          %jit3A_358 = arith.constant 255 : i32
          %max3A_359 = vector.broadcast %jit3A_357 : i32 to vector<16xi32>
          %max3A_360 = arith.maxsi %max3A_359, %add3A_356 : vector<16xi32>
          %min3A_361 = vector.broadcast %jit3A_358 : i32 to vector<16xi32>
          %min3A_362 = arith.minsi %min3A_361, %max3A_360 : vector<16xi32>
          %and3A_363 = arith.constant 31 : i32
          %and3A_364 = vector.broadcast %and3A_363 : i32 to vector<16xi32>
          %and3A_365 = arith.andi %min3A_362, %and3A_364 : vector<16xi32>
          %mul3A_366 = arith.constant 16 : i32
          %mul3A_367 = vector.broadcast %mul3A_366 : i32 to vector<16xi32>
          %mul3A_368 = arith.muli %and3A_365, %mul3A_367 : vector<16xi32>
          %add3A_369 = vector.broadcast %add3A_61 : i32 to vector<16xi32>
          %add3A_370 = arith.addi %mul3A_368, %add3A_369 : vector<16xi32>
          %gather3A_371 = tpu.vector_load_idx %arg4[%add3A_370] : memref<512xf32, #tpu.memory_space<vmem>>[vector<16xi32>], vector<16xf32>,
          %swap3A_372 = arith.constant 0 : i32
          %swap3A_373 = arith.constant 0 : i32
          %swap3A_374 = tpu.memref_slice %arg5[%while3A_170, %scan3A_132, %swap3A_372, %swap3A_373] : memref<2x2x128x128xf32, #tpu.memory_space<vmem>> -> memref<1x1x128x128xf32, #tpu.memory_space<vmem>>
          %swap3A_375 = tpu.memref_squeeze %swap3A_374 : memref<1x1x128x128xf32, #tpu.memory_space<vmem>> -> memref<128x128xf32, #tpu.memory_space<vmem>>
          %swap3A_376 = arith.index_cast %while3A_190 : i32 to index
          %swap3A_377 = arith.constant 96 : index
          %swap3A_378 = tpu.vector_load %swap3A_375[%swap3A_376, %swap3A_377] {strides = array<i32>} : memref<128x128xf32, #tpu.memory_space<vmem>>, vector<16xf32>,
          tpu.vector_store %swap3A_375[%swap3A_376, %swap3A_377], %gather3A_371 {strides = array<i32>} : memref<128x128xf32, #tpu.memory_space<vmem>>, vector<16xf32>,
          %add3A_379 = arith.constant 112 : i32
          %add3A_380 = vector.broadcast %add3A_379 : i32 to vector<16xi32>
          %add3A_381 = arith.addi %add3A_380, %iota3A : vector<16xi32>
          %add3A_382 = vector.broadcast %sub3A_191 : i32 to vector<16xi32>
          %add3A_383 = arith.addi %add3A_381, %add3A_382 : vector<16xi32>
          %jit3A_384 = arith.constant 0 : i32
          %jit3A_385 = arith.constant 255 : i32
          %max3A_386 = vector.broadcast %jit3A_384 : i32 to vector<16xi32>
          %max3A_387 = arith.maxsi %max3A_386, %add3A_383 : vector<16xi32>
          %min3A_388 = vector.broadcast %jit3A_385 : i32 to vector<16xi32>
          %min3A_389 = arith.minsi %min3A_388, %max3A_387 : vector<16xi32>
          %and3A_390 = arith.constant 31 : i32
          %and3A_391 = vector.broadcast %and3A_390 : i32 to vector<16xi32>
          %and3A_392 = arith.andi %min3A_389, %and3A_391 : vector<16xi32>
          %mul3A_393 = arith.constant 16 : i32
          %mul3A_394 = vector.broadcast %mul3A_393 : i32 to vector<16xi32>
          %mul3A_395 = arith.muli %and3A_392, %mul3A_394 : vector<16xi32>
          %add3A_396 = vector.broadcast %add3A_61 : i32 to vector<16xi32>
          %add3A_397 = arith.addi %mul3A_395, %add3A_396 : vector<16xi32>
          %gather3A_398 = tpu.vector_load_idx %arg4[%add3A_397] : memref<512xf32, #tpu.memory_space<vmem>>[vector<16xi32>], vector<16xf32>,
          %swap3A_399 = arith.constant 0 : i32
          %swap3A_400 = arith.constant 0 : i32
          %swap3A_401 = tpu.memref_slice %arg5[%while3A_170, %scan3A_132, %swap3A_399, %swap3A_400] : memref<2x2x128x128xf32, #tpu.memory_space<vmem>> -> memref<1x1x128x128xf32, #tpu.memory_space<vmem>>
          %swap3A_402 = tpu.memref_squeeze %swap3A_401 : memref<1x1x128x128xf32, #tpu.memory_space<vmem>> -> memref<128x128xf32, #tpu.memory_space<vmem>>
          %swap3A_403 = arith.index_cast %while3A_190 : i32 to index
          %swap3A_404 = arith.constant 112 : index
          %swap3A_405 = tpu.vector_load %swap3A_402[%swap3A_403, %swap3A_404] {strides = array<i32>} : memref<128x128xf32, #tpu.memory_space<vmem>>, vector<16xf32>,
          tpu.vector_store %swap3A_402[%swap3A_403, %swap3A_404], %gather3A_398 {strides = array<i32>} : memref<128x128xf32, #tpu.memory_space<vmem>>, vector<16xf32>,
        }
        %while3A_178 = arith.constant 1 : i32
        scf.for %while3A_190 = %while3A_176 to %while3A_172 step %while3A_178  : i32 {
          %sub3A_191 = arith.subi %sub3A_157, %while3A_190 : i32
          %add3A_192 = arith.constant 0 : i32
          %add3A_193 = vector.broadcast %add3A_192 : i32 to vector<16xi32>
          %add3A_194 = arith.addi %add3A_193, %iota3A : vector<16xi32>
          %add3A_195 = vector.broadcast %sub3A_191 : i32 to vector<16xi32>
          %add3A_196 = arith.addi %add3A_194, %add3A_195 : vector<16xi32>
          %jit3A_197 = arith.constant 0 : i32
          %jit3A_198 = arith.constant 255 : i32
          %max3A_199 = vector.broadcast %jit3A_197 : i32 to vector<16xi32>
          %max3A_200 = arith.maxsi %max3A_199, %add3A_196 : vector<16xi32>
          %min3A_201 = vector.broadcast %jit3A_198 : i32 to vector<16xi32>
          %min3A_202 = arith.minsi %min3A_201, %max3A_200 : vector<16xi32>
          %and3A = arith.constant 31 : i32
          %and3A_203 = vector.broadcast %and3A : i32 to vector<16xi32>
          %and3A_204 = arith.andi %min3A_202, %and3A_203 : vector<16xi32>
          %mul3A_205 = arith.constant 16 : i32
          %mul3A_206 = vector.broadcast %mul3A_205 : i32 to vector<16xi32>
          %mul3A_207 = arith.muli %and3A_204, %mul3A_206 : vector<16xi32>
          %add3A_208 = vector.broadcast %add3A_61 : i32 to vector<16xi32>
          %add3A_209 = arith.addi %mul3A_207, %add3A_208 : vector<16xi32>
          %gather3A_210 = tpu.vector_load_idx %arg4[%add3A_209] : memref<512xf32, #tpu.memory_space<vmem>>[vector<16xi32>], vector<16xf32>,
          %swap3A = arith.constant 0 : i32
          %swap3A_211 = arith.constant 0 : i32
          %swap3A_212 = tpu.memref_slice %arg5[%while3A_170, %scan3A_132, %swap3A, %swap3A_211] : memref<2x2x128x128xf32, #tpu.memory_space<vmem>> -> memref<1x1x128x128xf32, #tpu.memory_space<vmem>>
          %swap3A_213 = tpu.memref_squeeze %swap3A_212 : memref<1x1x128x128xf32, #tpu.memory_space<vmem>> -> memref<128x128xf32, #tpu.memory_space<vmem>>
          %swap3A_214 = arith.index_cast %while3A_190 : i32 to index
          %swap3A_215 = arith.constant 0 : index
          %swap3A_216 = tpu.vector_load %swap3A_213[%swap3A_214, %swap3A_215] {strides = array<i32>} : memref<128x128xf32, #tpu.memory_space<vmem>>, vector<16xf32>,
          tpu.vector_store %swap3A_213[%swap3A_214, %swap3A_215], %gather3A_210 {strides = array<i32>} : memref<128x128xf32, #tpu.memory_space<vmem>>, vector<16xf32>,
          %add3A_217 = arith.constant 16 : i32
          %add3A_218 = vector.broadcast %add3A_217 : i32 to vector<16xi32>
          %add3A_219 = arith.addi %add3A_218, %iota3A : vector<16xi32>
          %add3A_220 = vector.broadcast %sub3A_191 : i32 to vector<16xi32>
          %add3A_221 = arith.addi %add3A_219, %add3A_220 : vector<16xi32>
          %jit3A_222 = arith.constant 0 : i32
          %jit3A_223 = arith.constant 255 : i32
          %max3A_224 = vector.broadcast %jit3A_222 : i32 to vector<16xi32>
          %max3A_225 = arith.maxsi %max3A_224, %add3A_221 : vector<16xi32>
          %min3A_226 = vector.broadcast %jit3A_223 : i32 to vector<16xi32>
          %min3A_227 = arith.minsi %min3A_226, %max3A_225 : vector<16xi32>
          %and3A_228 = arith.constant 31 : i32
          %and3A_229 = vector.broadcast %and3A_228 : i32 to vector<16xi32>
          %and3A_230 = arith.andi %min3A_227, %and3A_229 : vector<16xi32>
          %mul3A_231 = arith.constant 16 : i32
          %mul3A_232 = vector.broadcast %mul3A_231 : i32 to vector<16xi32>
          %mul3A_233 = arith.muli %and3A_230, %mul3A_232 : vector<16xi32>
          %add3A_234 = vector.broadcast %add3A_61 : i32 to vector<16xi32>
          %add3A_235 = arith.addi %mul3A_233, %add3A_234 : vector<16xi32>
          %gather3A_236 = tpu.vector_load_idx %arg4[%add3A_235] : memref<512xf32, #tpu.memory_space<vmem>>[vector<16xi32>], vector<16xf32>,
          %swap3A_237 = arith.constant 0 : i32
          %swap3A_238 = arith.constant 0 : i32
          %swap3A_239 = tpu.memref_slice %arg5[%while3A_170, %scan3A_132, %swap3A_237, %swap3A_238] : memref<2x2x128x128xf32, #tpu.memory_space<vmem>> -> memref<1x1x128x128xf32, #tpu.memory_space<vmem>>
          %swap3A_240 = tpu.memref_squeeze %swap3A_239 : memref<1x1x128x128xf32, #tpu.memory_space<vmem>> -> memref<128x128xf32, #tpu.memory_space<vmem>>
          %swap3A_241 = arith.index_cast %while3A_190 : i32 to index
          %swap3A_242 = arith.constant 16 : index
          %swap3A_243 = tpu.vector_load %swap3A_240[%swap3A_241, %swap3A_242] {strides = array<i32>} : memref<128x128xf32, #tpu.memory_space<vmem>>, vector<16xf32>,
          tpu.vector_store %swap3A_240[%swap3A_241, %swap3A_242], %gather3A_236 {strides = array<i32>} : memref<128x128xf32, #tpu.memory_space<vmem>>, vector<16xf32>,
          %add3A_244 = arith.constant 32 : i32
          %add3A_245 = vector.broadcast %add3A_244 : i32 to vector<16xi32>
          %add3A_246 = arith.addi %add3A_245, %iota3A : vector<16xi32>
          %add3A_247 = vector.broadcast %sub3A_191 : i32 to vector<16xi32>
          %add3A_248 = arith.addi %add3A_246, %add3A_247 : vector<16xi32>
          %jit3A_249 = arith.constant 0 : i32
          %jit3A_250 = arith.constant 255 : i32
          %max3A_251 = vector.broadcast %jit3A_249 : i32 to vector<16xi32>
          %max3A_252 = arith.maxsi %max3A_251, %add3A_248 : vector<16xi32>
          %min3A_253 = vector.broadcast %jit3A_250 : i32 to vector<16xi32>
          %min3A_254 = arith.minsi %min3A_253, %max3A_252 : vector<16xi32>
          %and3A_255 = arith.constant 31 : i32
          %and3A_256 = vector.broadcast %and3A_255 : i32 to vector<16xi32>
          %and3A_257 = arith.andi %min3A_254, %and3A_256 : vector<16xi32>
          %mul3A_258 = arith.constant 16 : i32
          %mul3A_259 = vector.broadcast %mul3A_258 : i32 to vector<16xi32>
          %mul3A_260 = arith.muli %and3A_257, %mul3A_259 : vector<16xi32>
          %add3A_261 = vector.broadcast %add3A_61 : i32 to vector<16xi32>
          %add3A_262 = arith.addi %mul3A_260, %add3A_261 : vector<16xi32>
          %gather3A_263 = tpu.vector_load_idx %arg4[%add3A_262] : memref<512xf32, #tpu.memory_space<vmem>>[vector<16xi32>], vector<16xf32>,
          %swap3A_264 = arith.constant 0 : i32
          %swap3A_265 = arith.constant 0 : i32
          %swap3A_266 = tpu.memref_slice %arg5[%while3A_170, %scan3A_132, %swap3A_264, %swap3A_265] : memref<2x2x128x128xf32, #tpu.memory_space<vmem>> -> memref<1x1x128x128xf32, #tpu.memory_space<vmem>>
          %swap3A_267 = tpu.memref_squeeze %swap3A_266 : memref<1x1x128x128xf32, #tpu.memory_space<vmem>> -> memref<128x128xf32, #tpu.memory_space<vmem>>
          %swap3A_268 = arith.index_cast %while3A_190 : i32 to index
          %swap3A_269 = arith.constant 32 : index
          %swap3A_270 = tpu.vector_load %swap3A_267[%swap3A_268, %swap3A_269] {strides = array<i32>} : memref<128x128xf32, #tpu.memory_space<vmem>>, vector<16xf32>,
          tpu.vector_store %swap3A_267[%swap3A_268, %swap3A_269], %gather3A_263 {strides = array<i32>} : memref<128x128xf32, #tpu.memory_space<vmem>>, vector<16xf32>,
          %add3A_271 = arith.constant 48 : i32
          %add3A_272 = vector.broadcast %add3A_271 : i32 to vector<16xi32>
          %add3A_273 = arith.addi %add3A_272, %iota3A : vector<16xi32>
          %add3A_274 = vector.broadcast %sub3A_191 : i32 to vector<16xi32>
          %add3A_275 = arith.addi %add3A_273, %add3A_274 : vector<16xi32>
          %jit3A_276 = arith.constant 0 : i32
          %jit3A_277 = arith.constant 255 : i32
          %max3A_278 = vector.broadcast %jit3A_276 : i32 to vector<16xi32>
          %max3A_279 = arith.maxsi %max3A_278, %add3A_275 : vector<16xi32>
          %min3A_280 = vector.broadcast %jit3A_277 : i32 to vector<16xi32>
          %min3A_281 = arith.minsi %min3A_280, %max3A_279 : vector<16xi32>
          %and3A_282 = arith.constant 31 : i32
          %and3A_283 = vector.broadcast %and3A_282 : i32 to vector<16xi32>
          %and3A_284 = arith.andi %min3A_281, %and3A_283 : vector<16xi32>
          %mul3A_285 = arith.constant 16 : i32
          %mul3A_286 = vector.broadcast %mul3A_285 : i32 to vector<16xi32>
          %mul3A_287 = arith.muli %and3A_284, %mul3A_286 : vector<16xi32>
          %add3A_288 = vector.broadcast %add3A_61 : i32 to vector<16xi32>
          %add3A_289 = arith.addi %mul3A_287, %add3A_288 : vector<16xi32>
          %gather3A_290 = tpu.vector_load_idx %arg4[%add3A_289] : memref<512xf32, #tpu.memory_space<vmem>>[vector<16xi32>], vector<16xf32>,
          %swap3A_291 = arith.constant 0 : i32
          %swap3A_292 = arith.constant 0 : i32
          %swap3A_293 = tpu.memref_slice %arg5[%while3A_170, %scan3A_132, %swap3A_291, %swap3A_292] : memref<2x2x128x128xf32, #tpu.memory_space<vmem>> -> memref<1x1x128x128xf32, #tpu.memory_space<vmem>>
          %swap3A_294 = tpu.memref_squeeze %swap3A_293 : memref<1x1x128x128xf32, #tpu.memory_space<vmem>> -> memref<128x128xf32, #tpu.memory_space<vmem>>
          %swap3A_295 = arith.index_cast %while3A_190 : i32 to index
          %swap3A_296 = arith.constant 48 : index
          %swap3A_297 = tpu.vector_load %swap3A_294[%swap3A_295, %swap3A_296] {strides = array<i32>} : memref<128x128xf32, #tpu.memory_space<vmem>>, vector<16xf32>,
          tpu.vector_store %swap3A_294[%swap3A_295, %swap3A_296], %gather3A_290 {strides = array<i32>} : memref<128x128xf32, #tpu.memory_space<vmem>>, vector<16xf32>,
          %add3A_298 = arith.constant 64 : i32
          %add3A_299 = vector.broadcast %add3A_298 : i32 to vector<16xi32>
          %add3A_300 = arith.addi %add3A_299, %iota3A : vector<16xi32>
          %add3A_301 = vector.broadcast %sub3A_191 : i32 to vector<16xi32>
          %add3A_302 = arith.addi %add3A_300, %add3A_301 : vector<16xi32>
          %jit3A_303 = arith.constant 0 : i32
          %jit3A_304 = arith.constant 255 : i32
          %max3A_305 = vector.broadcast %jit3A_303 : i32 to vector<16xi32>
          %max3A_306 = arith.maxsi %max3A_305, %add3A_302 : vector<16xi32>
          %min3A_307 = vector.broadcast %jit3A_304 : i32 to vector<16xi32>
          %min3A_308 = arith.minsi %min3A_307, %max3A_306 : vector<16xi32>
          %and3A_309 = arith.constant 31 : i32
          %and3A_310 = vector.broadcast %and3A_309 : i32 to vector<16xi32>
          %and3A_311 = arith.andi %min3A_308, %and3A_310 : vector<16xi32>
          %mul3A_312 = arith.constant 16 : i32
          %mul3A_313 = vector.broadcast %mul3A_312 : i32 to vector<16xi32>
          %mul3A_314 = arith.muli %and3A_311, %mul3A_313 : vector<16xi32>
          %add3A_315 = vector.broadcast %add3A_61 : i32 to vector<16xi32>
          %add3A_316 = arith.addi %mul3A_314, %add3A_315 : vector<16xi32>
          %gather3A_317 = tpu.vector_load_idx %arg4[%add3A_316] : memref<512xf32, #tpu.memory_space<vmem>>[vector<16xi32>], vector<16xf32>,
          %swap3A_318 = arith.constant 0 : i32
          %swap3A_319 = arith.constant 0 : i32
          %swap3A_320 = tpu.memref_slice %arg5[%while3A_170, %scan3A_132, %swap3A_318, %swap3A_319] : memref<2x2x128x128xf32, #tpu.memory_space<vmem>> -> memref<1x1x128x128xf32, #tpu.memory_space<vmem>>
          %swap3A_321 = tpu.memref_squeeze %swap3A_320 : memref<1x1x128x128xf32, #tpu.memory_space<vmem>> -> memref<128x128xf32, #tpu.memory_space<vmem>>
          %swap3A_322 = arith.index_cast %while3A_190 : i32 to index
          %swap3A_323 = arith.constant 64 : index
          %swap3A_324 = tpu.vector_load %swap3A_321[%swap3A_322, %swap3A_323] {strides = array<i32>} : memref<128x128xf32, #tpu.memory_space<vmem>>, vector<16xf32>,
          tpu.vector_store %swap3A_321[%swap3A_322, %swap3A_323], %gather3A_317 {strides = array<i32>} : memref<128x128xf32, #tpu.memory_space<vmem>>, vector<16xf32>,
          %add3A_325 = arith.constant 80 : i32
          %add3A_326 = vector.broadcast %add3A_325 : i32 to vector<16xi32>
          %add3A_327 = arith.addi %add3A_326, %iota3A : vector<16xi32>
          %add3A_328 = vector.broadcast %sub3A_191 : i32 to vector<16xi32>
          %add3A_329 = arith.addi %add3A_327, %add3A_328 : vector<16xi32>
          %jit3A_330 = arith.constant 0 : i32
          %jit3A_331 = arith.constant 255 : i32
          %max3A_332 = vector.broadcast %jit3A_330 : i32 to vector<16xi32>
          %max3A_333 = arith.maxsi %max3A_332, %add3A_329 : vector<16xi32>
          %min3A_334 = vector.broadcast %jit3A_331 : i32 to vector<16xi32>
          %min3A_335 = arith.minsi %min3A_334, %max3A_333 : vector<16xi32>
          %and3A_336 = arith.constant 31 : i32
          %and3A_337 = vector.broadcast %and3A_336 : i32 to vector<16xi32>
          %and3A_338 = arith.andi %min3A_335, %and3A_337 : vector<16xi32>
          %mul3A_339 = arith.constant 16 : i32
          %mul3A_340 = vector.broadcast %mul3A_339 : i32 to vector<16xi32>
          %mul3A_341 = arith.muli %and3A_338, %mul3A_340 : vector<16xi32>
          %add3A_342 = vector.broadcast %add3A_61 : i32 to vector<16xi32>
          %add3A_343 = arith.addi %mul3A_341, %add3A_342 : vector<16xi32>
          %gather3A_344 = tpu.vector_load_idx %arg4[%add3A_343] : memref<512xf32, #tpu.memory_space<vmem>>[vector<16xi32>], vector<16xf32>,
          %swap3A_345 = arith.constant 0 : i32
          %swap3A_346 = arith.constant 0 : i32
          %swap3A_347 = tpu.memref_slice %arg5[%while3A_170, %scan3A_132, %swap3A_345, %swap3A_346] : memref<2x2x128x128xf32, #tpu.memory_space<vmem>> -> memref<1x1x128x128xf32, #tpu.memory_space<vmem>>
          %swap3A_348 = tpu.memref_squeeze %swap3A_347 : memref<1x1x128x128xf32, #tpu.memory_space<vmem>> -> memref<128x128xf32, #tpu.memory_space<vmem>>
          %swap3A_349 = arith.index_cast %while3A_190 : i32 to index
          %swap3A_350 = arith.constant 80 : index
          %swap3A_351 = tpu.vector_load %swap3A_348[%swap3A_349, %swap3A_350] {strides = array<i32>} : memref<128x128xf32, #tpu.memory_space<vmem>>, vector<16xf32>,
          tpu.vector_store %swap3A_348[%swap3A_349, %swap3A_350], %gather3A_344 {strides = array<i32>} : memref<128x128xf32, #tpu.memory_space<vmem>>, vector<16xf32>,
          %add3A_352 = arith.constant 96 : i32
          %add3A_353 = vector.broadcast %add3A_352 : i32 to vector<16xi32>
          %add3A_354 = arith.addi %add3A_353, %iota3A : vector<16xi32>
          %add3A_355 = vector.broadcast %sub3A_191 : i32 to vector<16xi32>
          %add3A_356 = arith.addi %add3A_354, %add3A_355 : vector<16xi32>
          %jit3A_357 = arith.constant 0 : i32
          %jit3A_358 = arith.constant 255 : i32
          %max3A_359 = vector.broadcast %jit3A_357 : i32 to vector<16xi32>
          %max3A_360 = arith.maxsi %max3A_359, %add3A_356 : vector<16xi32>
          %min3A_361 = vector.broadcast %jit3A_358 : i32 to vector<16xi32>
          %min3A_362 = arith.minsi %min3A_361, %max3A_360 : vector<16xi32>
          %and3A_363 = arith.constant 31 : i32
          %and3A_364 = vector.broadcast %and3A_363 : i32 to vector<16xi32>
          %and3A_365 = arith.andi %min3A_362, %and3A_364 : vector<16xi32>
          %mul3A_366 = arith.constant 16 : i32
          %mul3A_367 = vector.broadcast %mul3A_366 : i32 to vector<16xi32>
          %mul3A_368 = arith.muli %and3A_365, %mul3A_367 : vector<16xi32>
          %add3A_369 = vector.broadcast %add3A_61 : i32 to vector<16xi32>
          %add3A_370 = arith.addi %mul3A_368, %add3A_369 : vector<16xi32>
          %gather3A_371 = tpu.vector_load_idx %arg4[%add3A_370] : memref<512xf32, #tpu.memory_space<vmem>>[vector<16xi32>], vector<16xf32>,
          %swap3A_372 = arith.constant 0 : i32
          %swap3A_373 = arith.constant 0 : i32
          %swap3A_374 = tpu.memref_slice %arg5[%while3A_170, %scan3A_132, %swap3A_372, %swap3A_373] : memref<2x2x128x128xf32, #tpu.memory_space<vmem>> -> memref<1x1x128x128xf32, #tpu.memory_space<vmem>>
          %swap3A_375 = tpu.memref_squeeze %swap3A_374 : memref<1x1x128x128xf32, #tpu.memory_space<vmem>> -> memref<128x128xf32, #tpu.memory_space<vmem>>
          %swap3A_376 = arith.index_cast %while3A_190 : i32 to index
          %swap3A_377 = arith.constant 96 : index
          %swap3A_378 = tpu.vector_load %swap3A_375[%swap3A_376, %swap3A_377] {strides = array<i32>} : memref<128x128xf32, #tpu.memory_space<vmem>>, vector<16xf32>,
          tpu.vector_store %swap3A_375[%swap3A_376, %swap3A_377], %gather3A_371 {strides = array<i32>} : memref<128x128xf32, #tpu.memory_space<vmem>>, vector<16xf32>,
          %add3A_379 = arith.constant 112 : i32
          %add3A_380 = vector.broadcast %add3A_379 : i32 to vector<16xi32>
          %add3A_381 = arith.addi %add3A_380, %iota3A : vector<16xi32>
          %add3A_382 = vector.broadcast %sub3A_191 : i32 to vector<16xi32>
          %add3A_383 = arith.addi %add3A_381, %add3A_382 : vector<16xi32>
          %jit3A_384 = arith.constant 0 : i32
          %jit3A_385 = arith.constant 255 : i32
          %max3A_386 = vector.broadcast %jit3A_384 : i32 to vector<16xi32>
          %max3A_387 = arith.maxsi %max3A_386, %add3A_383 : vector<16xi32>
          %min3A_388 = vector.broadcast %jit3A_385 : i32 to vector<16xi32>
          %min3A_389 = arith.minsi %min3A_388, %max3A_387 : vector<16xi32>
          %and3A_390 = arith.constant 31 : i32
          %and3A_391 = vector.broadcast %and3A_390 : i32 to vector<16xi32>
          %and3A_392 = arith.andi %min3A_389, %and3A_391 : vector<16xi32>
          %mul3A_393 = arith.constant 16 : i32
          %mul3A_394 = vector.broadcast %mul3A_393 : i32 to vector<16xi32>
          %mul3A_395 = arith.muli %and3A_392, %mul3A_394 : vector<16xi32>
          %add3A_396 = vector.broadcast %add3A_61 : i32 to vector<16xi32>
          %add3A_397 = arith.addi %mul3A_395, %add3A_396 : vector<16xi32>
          %gather3A_398 = tpu.vector_load_idx %arg4[%add3A_397] : memref<512xf32, #tpu.memory_space<vmem>>[vector<16xi32>], vector<16xf32>,
          %swap3A_399 = arith.constant 0 : i32
          %swap3A_400 = arith.constant 0 : i32
          %swap3A_401 = tpu.memref_slice %arg5[%while3A_170, %scan3A_132, %swap3A_399, %swap3A_400] : memref<2x2x128x128xf32, #tpu.memory_space<vmem>> -> memref<1x1x128x128xf32, #tpu.memory_space<vmem>>
          %swap3A_402 = tpu.memref_squeeze %swap3A_401 : memref<1x1x128x128xf32, #tpu.memory_space<vmem>> -> memref<128x128xf32, #tpu.memory_space<vmem>>
          %swap3A_403 = arith.index_cast %while3A_190 : i32 to index
          %swap3A_404 = arith.constant 112 : index
          %swap3A_405 = tpu.vector_load %swap3A_402[%swap3A_403, %swap3A_404] {strides = array<i32>} : memref<128x128xf32, #tpu.memory_space<vmem>>, vector<16xf32>,
          tpu.vector_store %swap3A_402[%swap3A_403, %swap3A_404], %gather3A_398 {strides = array<i32>} : memref<128x128xf32, #tpu.memory_space<vmem>>, vector<16xf32>,
        }
        %while3A_179 = arith.constant 0 : i32
        %while3A_180 = arith.constant 0 : i32
        %while3A_181 = arith.constant 128 : i32
        %while3A_182 = arith.subi %while3A_181, %min3A_151 : i32
        %while3A_183 = arith.addi %min3A_151, %while3A_182 : i32
        %while3A_184 = arith.constant 1 : i32
        %while3A_185 = arith.divsi %while3A_182, %while3A_184 : i32
        %while3A_186 = arith.muli %while3A_185, %while3A_184 : i32
        %while3A_187 = arith.addi %min3A_151, %while3A_186 : i32
        %while3A_188 = arith.constant 1 : i32
        scf.for %while3A_190 = %min3A_151 to %while3A_187 step %while3A_188  : i32 {
          %swap3A = arith.constant 0 : i32
          %swap3A_191 = arith.constant 0 : i32
          %swap3A_192 = tpu.memref_slice %arg5[%while3A_180, %scan3A_132, %swap3A, %swap3A_191] : memref<2x2x128x128xf32, #tpu.memory_space<vmem>> -> memref<1x1x128x128xf32, #tpu.memory_space<vmem>>
          %swap3A_193 = tpu.memref_squeeze %swap3A_192 : memref<1x1x128x128xf32, #tpu.memory_space<vmem>> -> memref<128x128xf32, #tpu.memory_space<vmem>>
          %swap3A_194 = arith.index_cast %while3A_190 : i32 to index
          %swap3A_195 = arith.constant 0 : index
          %swap3A_196 = tpu.vector_load %swap3A_193[%swap3A_194, %swap3A_195] {strides = array<i32>} : memref<128x128xf32, #tpu.memory_space<vmem>>, vector<16xf32>,
          tpu.vector_store %swap3A_193[%swap3A_194, %swap3A_195], %gather3A {strides = array<i32>} : memref<128x128xf32, #tpu.memory_space<vmem>>, vector<16xf32>,
          %swap3A_197 = arith.constant 0 : i32
          %swap3A_198 = arith.constant 0 : i32
          %swap3A_199 = tpu.memref_slice %arg5[%while3A_180, %scan3A_132, %swap3A_197, %swap3A_198] : memref<2x2x128x128xf32, #tpu.memory_space<vmem>> -> memref<1x1x128x128xf32, #tpu.memory_space<vmem>>
          %swap3A_200 = tpu.memref_squeeze %swap3A_199 : memref<1x1x128x128xf32, #tpu.memory_space<vmem>> -> memref<128x128xf32, #tpu.memory_space<vmem>>
          %swap3A_201 = arith.index_cast %while3A_190 : i32 to index
          %swap3A_202 = arith.constant 16 : index
          %swap3A_203 = tpu.vector_load %swap3A_200[%swap3A_201, %swap3A_202] {strides = array<i32>} : memref<128x128xf32, #tpu.memory_space<vmem>>, vector<16xf32>,
          tpu.vector_store %swap3A_200[%swap3A_201, %swap3A_202], %gather3A {strides = array<i32>} : memref<128x128xf32, #tpu.memory_space<vmem>>, vector<16xf32>,
          %swap3A_204 = arith.constant 0 : i32
          %swap3A_205 = arith.constant 0 : i32
          %swap3A_206 = tpu.memref_slice %arg5[%while3A_180, %scan3A_132, %swap3A_204, %swap3A_205] : memref<2x2x128x128xf32, #tpu.memory_space<vmem>> -> memref<1x1x128x128xf32, #tpu.memory_space<vmem>>
          %swap3A_207 = tpu.memref_squeeze %swap3A_206 : memref<1x1x128x128xf32, #tpu.memory_space<vmem>> -> memref<128x128xf32, #tpu.memory_space<vmem>>
          %swap3A_208 = arith.index_cast %while3A_190 : i32 to index
          %swap3A_209 = arith.constant 32 : index
          %swap3A_210 = tpu.vector_load %swap3A_207[%swap3A_208, %swap3A_209] {strides = array<i32>} : memref<128x128xf32, #tpu.memory_space<vmem>>, vector<16xf32>,
          tpu.vector_store %swap3A_207[%swap3A_208, %swap3A_209], %gather3A {strides = array<i32>} : memref<128x128xf32, #tpu.memory_space<vmem>>, vector<16xf32>,
          %swap3A_211 = arith.constant 0 : i32
          %swap3A_212 = arith.constant 0 : i32
          %swap3A_213 = tpu.memref_slice %arg5[%while3A_180, %scan3A_132, %swap3A_211, %swap3A_212] : memref<2x2x128x128xf32, #tpu.memory_space<vmem>> -> memref<1x1x128x128xf32, #tpu.memory_space<vmem>>
          %swap3A_214 = tpu.memref_squeeze %swap3A_213 : memref<1x1x128x128xf32, #tpu.memory_space<vmem>> -> memref<128x128xf32, #tpu.memory_space<vmem>>
          %swap3A_215 = arith.index_cast %while3A_190 : i32 to index
          %swap3A_216 = arith.constant 48 : index
          %swap3A_217 = tpu.vector_load %swap3A_214[%swap3A_215, %swap3A_216] {strides = array<i32>} : memref<128x128xf32, #tpu.memory_space<vmem>>, vector<16xf32>,
          tpu.vector_store %swap3A_214[%swap3A_215, %swap3A_216], %gather3A {strides = array<i32>} : memref<128x128xf32, #tpu.memory_space<vmem>>, vector<16xf32>,
          %swap3A_218 = arith.constant 0 : i32
          %swap3A_219 = arith.constant 0 : i32
          %swap3A_220 = tpu.memref_slice %arg5[%while3A_180, %scan3A_132, %swap3A_218, %swap3A_219] : memref<2x2x128x128xf32, #tpu.memory_space<vmem>> -> memref<1x1x128x128xf32, #tpu.memory_space<vmem>>
          %swap3A_221 = tpu.memref_squeeze %swap3A_220 : memref<1x1x128x128xf32, #tpu.memory_space<vmem>> -> memref<128x128xf32, #tpu.memory_space<vmem>>
          %swap3A_222 = arith.index_cast %while3A_190 : i32 to index
          %swap3A_223 = arith.constant 64 : index
          %swap3A_224 = tpu.vector_load %swap3A_221[%swap3A_222, %swap3A_223] {strides = array<i32>} : memref<128x128xf32, #tpu.memory_space<vmem>>, vector<16xf32>,
          tpu.vector_store %swap3A_221[%swap3A_222, %swap3A_223], %gather3A {strides = array<i32>} : memref<128x128xf32, #tpu.memory_space<vmem>>, vector<16xf32>,
          %swap3A_225 = arith.constant 0 : i32
          %swap3A_226 = arith.constant 0 : i32
          %swap3A_227 = tpu.memref_slice %arg5[%while3A_180, %scan3A_132, %swap3A_225, %swap3A_226] : memref<2x2x128x128xf32, #tpu.memory_space<vmem>> -> memref<1x1x128x128xf32, #tpu.memory_space<vmem>>
          %swap3A_228 = tpu.memref_squeeze %swap3A_227 : memref<1x1x128x128xf32, #tpu.memory_space<vmem>> -> memref<128x128xf32, #tpu.memory_space<vmem>>
          %swap3A_229 = arith.index_cast %while3A_190 : i32 to index
          %swap3A_230 = arith.constant 80 : index
          %swap3A_231 = tpu.vector_load %swap3A_228[%swap3A_229, %swap3A_230] {strides = array<i32>} : memref<128x128xf32, #tpu.memory_space<vmem>>, vector<16xf32>,
          tpu.vector_store %swap3A_228[%swap3A_229, %swap3A_230], %gather3A {strides = array<i32>} : memref<128x128xf32, #tpu.memory_space<vmem>>, vector<16xf32>,
          %swap3A_232 = arith.constant 0 : i32
          %swap3A_233 = arith.constant 0 : i32
          %swap3A_234 = tpu.memref_slice %arg5[%while3A_180, %scan3A_132, %swap3A_232, %swap3A_233] : memref<2x2x128x128xf32, #tpu.memory_space<vmem>> -> memref<1x1x128x128xf32, #tpu.memory_space<vmem>>
          %swap3A_235 = tpu.memref_squeeze %swap3A_234 : memref<1x1x128x128xf32, #tpu.memory_space<vmem>> -> memref<128x128xf32, #tpu.memory_space<vmem>>
          %swap3A_236 = arith.index_cast %while3A_190 : i32 to index
          %swap3A_237 = arith.constant 96 : index
          %swap3A_238 = tpu.vector_load %swap3A_235[%swap3A_236, %swap3A_237] {strides = array<i32>} : memref<128x128xf32, #tpu.memory_space<vmem>>, vector<16xf32>,
          tpu.vector_store %swap3A_235[%swap3A_236, %swap3A_237], %gather3A {strides = array<i32>} : memref<128x128xf32, #tpu.memory_space<vmem>>, vector<16xf32>,
          %swap3A_239 = arith.constant 0 : i32
          %swap3A_240 = arith.constant 0 : i32
          %swap3A_241 = tpu.memref_slice %arg5[%while3A_180, %scan3A_132, %swap3A_239, %swap3A_240] : memref<2x2x128x128xf32, #tpu.memory_space<vmem>> -> memref<1x1x128x128xf32, #tpu.memory_space<vmem>>
          %swap3A_242 = tpu.memref_squeeze %swap3A_241 : memref<1x1x128x128xf32, #tpu.memory_space<vmem>> -> memref<128x128xf32, #tpu.memory_space<vmem>>
          %swap3A_243 = arith.index_cast %while3A_190 : i32 to index
          %swap3A_244 = arith.constant 112 : index
          %swap3A_245 = tpu.vector_load %swap3A_242[%swap3A_243, %swap3A_244] {strides = array<i32>} : memref<128x128xf32, #tpu.memory_space<vmem>>, vector<16xf32>,
          tpu.vector_store %swap3A_242[%swap3A_243, %swap3A_244], %gather3A {strides = array<i32>} : memref<128x128xf32, #tpu.memory_space<vmem>>, vector<16xf32>,
        }
        %while3A_189 = arith.constant 1 : i32
        scf.for %while3A_190 = %while3A_187 to %while3A_183 step %while3A_189  : i32 {
          %swap3A = arith.constant 0 : i32
          %swap3A_191 = arith.constant 0 : i32
          %swap3A_192 = tpu.memref_slice %arg5[%while3A_180, %scan3A_132, %swap3A, %swap3A_191] : memref<2x2x128x128xf32, #tpu.memory_space<vmem>> -> memref<1x1x128x128xf32, #tpu.memory_space<vmem>>
          %swap3A_193 = tpu.memref_squeeze %swap3A_192 : memref<1x1x128x128xf32, #tpu.memory_space<vmem>> -> memref<128x128xf32, #tpu.memory_space<vmem>>
          %swap3A_194 = arith.index_cast %while3A_190 : i32 to index
          %swap3A_195 = arith.constant 0 : index
          %swap3A_196 = tpu.vector_load %swap3A_193[%swap3A_194, %swap3A_195] {strides = array<i32>} : memref<128x128xf32, #tpu.memory_space<vmem>>, vector<16xf32>,
          tpu.vector_store %swap3A_193[%swap3A_194, %swap3A_195], %gather3A {strides = array<i32>} : memref<128x128xf32, #tpu.memory_space<vmem>>, vector<16xf32>,
          %swap3A_197 = arith.constant 0 : i32
          %swap3A_198 = arith.constant 0 : i32
          %swap3A_199 = tpu.memref_slice %arg5[%while3A_180, %scan3A_132, %swap3A_197, %swap3A_198] : memref<2x2x128x128xf32, #tpu.memory_space<vmem>> -> memref<1x1x128x128xf32, #tpu.memory_space<vmem>>
          %swap3A_200 = tpu.memref_squeeze %swap3A_199 : memref<1x1x128x128xf32, #tpu.memory_space<vmem>> -> memref<128x128xf32, #tpu.memory_space<vmem>>
          %swap3A_201 = arith.index_cast %while3A_190 : i32 to index
          %swap3A_202 = arith.constant 16 : index
          %swap3A_203 = tpu.vector_load %swap3A_200[%swap3A_201, %swap3A_202] {strides = array<i32>} : memref<128x128xf32, #tpu.memory_space<vmem>>, vector<16xf32>,
          tpu.vector_store %swap3A_200[%swap3A_201, %swap3A_202], %gather3A {strides = array<i32>} : memref<128x128xf32, #tpu.memory_space<vmem>>, vector<16xf32>,
          %swap3A_204 = arith.constant 0 : i32
          %swap3A_205 = arith.constant 0 : i32
          %swap3A_206 = tpu.memref_slice %arg5[%while3A_180, %scan3A_132, %swap3A_204, %swap3A_205] : memref<2x2x128x128xf32, #tpu.memory_space<vmem>> -> memref<1x1x128x128xf32, #tpu.memory_space<vmem>>
          %swap3A_207 = tpu.memref_squeeze %swap3A_206 : memref<1x1x128x128xf32, #tpu.memory_space<vmem>> -> memref<128x128xf32, #tpu.memory_space<vmem>>
          %swap3A_208 = arith.index_cast %while3A_190 : i32 to index
          %swap3A_209 = arith.constant 32 : index
          %swap3A_210 = tpu.vector_load %swap3A_207[%swap3A_208, %swap3A_209] {strides = array<i32>} : memref<128x128xf32, #tpu.memory_space<vmem>>, vector<16xf32>,
          tpu.vector_store %swap3A_207[%swap3A_208, %swap3A_209], %gather3A {strides = array<i32>} : memref<128x128xf32, #tpu.memory_space<vmem>>, vector<16xf32>,
          %swap3A_211 = arith.constant 0 : i32
          %swap3A_212 = arith.constant 0 : i32
          %swap3A_213 = tpu.memref_slice %arg5[%while3A_180, %scan3A_132, %swap3A_211, %swap3A_212] : memref<2x2x128x128xf32, #tpu.memory_space<vmem>> -> memref<1x1x128x128xf32, #tpu.memory_space<vmem>>
          %swap3A_214 = tpu.memref_squeeze %swap3A_213 : memref<1x1x128x128xf32, #tpu.memory_space<vmem>> -> memref<128x128xf32, #tpu.memory_space<vmem>>
          %swap3A_215 = arith.index_cast %while3A_190 : i32 to index
          %swap3A_216 = arith.constant 48 : index
          %swap3A_217 = tpu.vector_load %swap3A_214[%swap3A_215, %swap3A_216] {strides = array<i32>} : memref<128x128xf32, #tpu.memory_space<vmem>>, vector<16xf32>,
          tpu.vector_store %swap3A_214[%swap3A_215, %swap3A_216], %gather3A {strides = array<i32>} : memref<128x128xf32, #tpu.memory_space<vmem>>, vector<16xf32>,
          %swap3A_218 = arith.constant 0 : i32
          %swap3A_219 = arith.constant 0 : i32
          %swap3A_220 = tpu.memref_slice %arg5[%while3A_180, %scan3A_132, %swap3A_218, %swap3A_219] : memref<2x2x128x128xf32, #tpu.memory_space<vmem>> -> memref<1x1x128x128xf32, #tpu.memory_space<vmem>>
          %swap3A_221 = tpu.memref_squeeze %swap3A_220 : memref<1x1x128x128xf32, #tpu.memory_space<vmem>> -> memref<128x128xf32, #tpu.memory_space<vmem>>
          %swap3A_222 = arith.index_cast %while3A_190 : i32 to index
          %swap3A_223 = arith.constant 64 : index
          %swap3A_224 = tpu.vector_load %swap3A_221[%swap3A_222, %swap3A_223] {strides = array<i32>} : memref<128x128xf32, #tpu.memory_space<vmem>>, vector<16xf32>,
          tpu.vector_store %swap3A_221[%swap3A_222, %swap3A_223], %gather3A {strides = array<i32>} : memref<128x128xf32, #tpu.memory_space<vmem>>, vector<16xf32>,
          %swap3A_225 = arith.constant 0 : i32
          %swap3A_226 = arith.constant 0 : i32
          %swap3A_227 = tpu.memref_slice %arg5[%while3A_180, %scan3A_132, %swap3A_225, %swap3A_226] : memref<2x2x128x128xf32, #tpu.memory_space<vmem>> -> memref<1x1x128x128xf32, #tpu.memory_space<vmem>>
          %swap3A_228 = tpu.memref_squeeze %swap3A_227 : memref<1x1x128x128xf32, #tpu.memory_space<vmem>> -> memref<128x128xf32, #tpu.memory_space<vmem>>
          %swap3A_229 = arith.index_cast %while3A_190 : i32 to index
          %swap3A_230 = arith.constant 80 : index
          %swap3A_231 = tpu.vector_load %swap3A_228[%swap3A_229, %swap3A_230] {strides = array<i32>} : memref<128x128xf32, #tpu.memory_space<vmem>>, vector<16xf32>,
          tpu.vector_store %swap3A_228[%swap3A_229, %swap3A_230], %gather3A {strides = array<i32>} : memref<128x128xf32, #tpu.memory_space<vmem>>, vector<16xf32>,
          %swap3A_232 = arith.constant 0 : i32
          %swap3A_233 = arith.constant 0 : i32
          %swap3A_234 = tpu.memref_slice %arg5[%while3A_180, %scan3A_132, %swap3A_232, %swap3A_233] : memref<2x2x128x128xf32, #tpu.memory_space<vmem>> -> memref<1x1x128x128xf32, #tpu.memory_space<vmem>>
          %swap3A_235 = tpu.memref_squeeze %swap3A_234 : memref<1x1x128x128xf32, #tpu.memory_space<vmem>> -> memref<128x128xf32, #tpu.memory_space<vmem>>
          %swap3A_236 = arith.index_cast %while3A_190 : i32 to index
          %swap3A_237 = arith.constant 96 : index
          %swap3A_238 = tpu.vector_load %swap3A_235[%swap3A_236, %swap3A_237] {strides = array<i32>} : memref<128x128xf32, #tpu.memory_space<vmem>>, vector<16xf32>,
          tpu.vector_store %swap3A_235[%swap3A_236, %swap3A_237], %gather3A {strides = array<i32>} : memref<128x128xf32, #tpu.memory_space<vmem>>, vector<16xf32>,
          %swap3A_239 = arith.constant 0 : i32
          %swap3A_240 = arith.constant 0 : i32
          %swap3A_241 = tpu.memref_slice %arg5[%while3A_180, %scan3A_132, %swap3A_239, %swap3A_240] : memref<2x2x128x128xf32, #tpu.memory_space<vmem>> -> memref<1x1x128x128xf32, #tpu.memory_space<vmem>>
          %swap3A_242 = tpu.memref_squeeze %swap3A_241 : memref<1x1x128x128xf32, #tpu.memory_space<vmem>> -> memref<128x128xf32, #tpu.memory_space<vmem>>
          %swap3A_243 = arith.index_cast %while3A_190 : i32 to index
          %swap3A_244 = arith.constant 112 : index
          %swap3A_245 = tpu.vector_load %swap3A_242[%swap3A_243, %swap3A_244] {strides = array<i32>} : memref<128x128xf32, #tpu.memory_space<vmem>>, vector<16xf32>,
          tpu.vector_store %swap3A_242[%swap3A_243, %swap3A_244], %gather3A {strides = array<i32>} : memref<128x128xf32, #tpu.memory_space<vmem>>, vector<16xf32>,
        }
      }
      %scan3A_67 = arith.constant 2 : i32
      %add3A_68 = arith.constant 1 : i32
      %add3A_69 = arith.addi %arg1, %add3A_68 : i32
      %while3A_70 = arith.constant 0 : i32
      %while3A_71 = arith.constant 0 : i32
      %while3A_72 = arith.subi %add3A_69, %while3A_71 : i32
      %while3A_73 = arith.addi %while3A_71, %while3A_72 : i32
      %while3A_74 = arith.constant 1 : i32
      %while3A_75 = arith.divsi %while3A_72, %while3A_74 : i32
      %while3A_76 = arith.muli %while3A_75, %while3A_74 : i32
      %while3A_77 = arith.addi %while3A_71, %while3A_76 : i32
      %while3A_78 = arith.constant 1 : i32
      scf.for %while3A_132 = %while3A_71 to %while3A_77 step %while3A_78  : i32 {
        %add3A_133 = arith.constant 15 : i32
        %add3A_134 = arith.addi %while3A_132, %add3A_133 : i32
        %sub3A = arith.subi %add3A_134, %arg1 : i32
        %mul3A_135 = arith.constant 128 : i32
        %mul3A_136 = arith.muli %sub3A, %mul3A_135 : i32
        %multiple_of3A = tpu.assume_multiple %mul3A_136, 128 : i32
        %mul3A_137 = arith.constant 128 : i32
        %mul3A_138 = arith.muli %while3A_132, %mul3A_137 : i32
        %multiple_of3A_139 = tpu.assume_multiple %mul3A_138, 128 : i32
        %dma_start3A = arith.constant 0 : i32
        %dma_start3A_140 = arith.constant 0 : i32
        %dma_start3A_141 = arith.constant 0 : i32
        %dma_start3A_142 = arith.constant 0 : i32
        %dma_start3A_143 = arith.constant 0 : i32
        %dma_start3A_144 = tpu.memref_slice %arg5[%dma_start3A, %dma_start3A_140, %dma_start3A_142, %dma_start3A_143] : memref<2x2x128x128xf32, #tpu.memory_space<vmem>> -> memref<1x1x128x128xf32, #tpu.memory_space<vmem>>
        %dma_start3A_145 = tpu.memref_squeeze %dma_start3A_144 : memref<1x1x128x128xf32, #tpu.memory_space<vmem>> -> memref<128x128xf32, #tpu.memory_space<vmem>>
        %dma_start3A_146 = tpu.memref_slice %arg3[%dma_start3A_141, %add3A_61, %multiple_of3A, %multiple_of3A_139] : memref<1x16x2048x2048xf32, #tpu.memory_space<hbm>> -> memref<1x1x128x128xf32, #tpu.memory_space<hbm>>
        %dma_start3A_147 = tpu.memref_squeeze %dma_start3A_146 : memref<1x1x128x128xf32, #tpu.memory_space<hbm>> -> memref<128x128xf32, #tpu.memory_space<hbm>>
        %dma_start3A_148 = tpu.memref_slice %arg3[%dma_start3A_141, %add3A_61, %multiple_of3A, %multiple_of3A_139] : memref<1x16x2048x2048xf32, #tpu.memory_space<hbm>> -> memref<1x1x128x128xf32, #tpu.memory_space<hbm>>
        %dma_start3A_149 = tpu.memref_squeeze %dma_start3A_148 : memref<1x1x128x128xf32, #tpu.memory_space<hbm>> -> memref<128x128xf32, #tpu.memory_space<hbm>>
        %dma_start3A_150 = arith.constant 0 : i32
        %dma_start3A_151 = arith.constant 0 : i32
        %dma_start3A_152 = tpu.memref_slice %arg5[%dma_start3A, %dma_start3A_140, %dma_start3A_150, %dma_start3A_151] : memref<2x2x128x128xf32, #tpu.memory_space<vmem>> -> memref<1x1x128x128xf32, #tpu.memory_space<vmem>>
        %dma_start3A_153 = tpu.memref_squeeze %dma_start3A_152 : memref<1x1x128x128xf32, #tpu.memory_space<vmem>> -> memref<128x128xf32, #tpu.memory_space<vmem>>
        tpu.enqueue_dma source(%dma_start3A_153 : memref<128x128xf32, #tpu.memory_space<vmem>>) target(%dma_start3A_149 : memref<128x128xf32, #tpu.memory_space<hbm>>) target_semaphore(%arg6 : memref<!tpu.dma_semaphore, #tpu.memory_space<semaphore_mem>>)
      }
      %while3A_79 = arith.constant 1 : i32
      scf.for %while3A_132 = %while3A_77 to %while3A_73 step %while3A_79  : i32 {
        %add3A_133 = arith.constant 15 : i32
        %add3A_134 = arith.addi %while3A_132, %add3A_133 : i32
        %sub3A = arith.subi %add3A_134, %arg1 : i32
        %mul3A_135 = arith.constant 128 : i32
        %mul3A_136 = arith.muli %sub3A, %mul3A_135 : i32
        %multiple_of3A = tpu.assume_multiple %mul3A_136, 128 : i32
        %mul3A_137 = arith.constant 128 : i32
        %mul3A_138 = arith.muli %while3A_132, %mul3A_137 : i32
        %multiple_of3A_139 = tpu.assume_multiple %mul3A_138, 128 : i32
        %dma_start3A = arith.constant 0 : i32
        %dma_start3A_140 = arith.constant 0 : i32
        %dma_start3A_141 = arith.constant 0 : i32
        %dma_start3A_142 = arith.constant 0 : i32
        %dma_start3A_143 = arith.constant 0 : i32
        %dma_start3A_144 = tpu.memref_slice %arg5[%dma_start3A, %dma_start3A_140, %dma_start3A_142, %dma_start3A_143] : memref<2x2x128x128xf32, #tpu.memory_space<vmem>> -> memref<1x1x128x128xf32, #tpu.memory_space<vmem>>
        %dma_start3A_145 = tpu.memref_squeeze %dma_start3A_144 : memref<1x1x128x128xf32, #tpu.memory_space<vmem>> -> memref<128x128xf32, #tpu.memory_space<vmem>>
        %dma_start3A_146 = tpu.memref_slice %arg3[%dma_start3A_141, %add3A_61, %multiple_of3A, %multiple_of3A_139] : memref<1x16x2048x2048xf32, #tpu.memory_space<hbm>> -> memref<1x1x128x128xf32, #tpu.memory_space<hbm>>
        %dma_start3A_147 = tpu.memref_squeeze %dma_start3A_146 : memref<1x1x128x128xf32, #tpu.memory_space<hbm>> -> memref<128x128xf32, #tpu.memory_space<hbm>>
        %dma_start3A_148 = tpu.memref_slice %arg3[%dma_start3A_141, %add3A_61, %multiple_of3A, %multiple_of3A_139] : memref<1x16x2048x2048xf32, #tpu.memory_space<hbm>> -> memref<1x1x128x128xf32, #tpu.memory_space<hbm>>
        %dma_start3A_149 = tpu.memref_squeeze %dma_start3A_148 : memref<1x1x128x128xf32, #tpu.memory_space<hbm>> -> memref<128x128xf32, #tpu.memory_space<hbm>>
        %dma_start3A_150 = arith.constant 0 : i32
        %dma_start3A_151 = arith.constant 0 : i32
        %dma_start3A_152 = tpu.memref_slice %arg5[%dma_start3A, %dma_start3A_140, %dma_start3A_150, %dma_start3A_151] : memref<2x2x128x128xf32, #tpu.memory_space<vmem>> -> memref<1x1x128x128xf32, #tpu.memory_space<vmem>>
        %dma_start3A_153 = tpu.memref_squeeze %dma_start3A_152 : memref<1x1x128x128xf32, #tpu.memory_space<vmem>> -> memref<128x128xf32, #tpu.memory_space<vmem>>
        tpu.enqueue_dma source(%dma_start3A_153 : memref<128x128xf32, #tpu.memory_space<vmem>>) target(%dma_start3A_149 : memref<128x128xf32, #tpu.memory_space<hbm>>) target_semaphore(%arg6 : memref<!tpu.dma_semaphore, #tpu.memory_space<semaphore_mem>>)
      }
      %add3A_80 = arith.constant 1 : i32
      %add3A_81 = arith.addi %arg1, %add3A_80 : i32
      %while3A_82 = arith.constant 0 : i32
      %while3A_83 = arith.constant 16 : i32
      %while3A_84 = arith.subi %while3A_83, %add3A_81 : i32
      %while3A_85 = arith.addi %add3A_81, %while3A_84 : i32
      %while3A_86 = arith.constant 1 : i32
      %while3A_87 = arith.divsi %while3A_84, %while3A_86 : i32
      %while3A_88 = arith.muli %while3A_87, %while3A_86 : i32
      %while3A_89 = arith.addi %add3A_81, %while3A_88 : i32
      %while3A_90 = arith.constant 1 : i32
      scf.for %while3A_132 = %add3A_81 to %while3A_89 step %while3A_90  : i32 {
        %add3A_133 = arith.constant 15 : i32
        %add3A_134 = arith.addi %while3A_132, %add3A_133 : i32
        %sub3A = arith.subi %add3A_134, %add3A_1 : i32
        %mul3A_135 = arith.constant 128 : i32
        %mul3A_136 = arith.muli %sub3A, %mul3A_135 : i32
        %multiple_of3A = tpu.assume_multiple %mul3A_136, 128 : i32
        %mul3A_137 = arith.constant 128 : i32
        %mul3A_138 = arith.muli %while3A_132, %mul3A_137 : i32
        %multiple_of3A_139 = tpu.assume_multiple %mul3A_138, 128 : i32
        %dma_start3A = arith.constant 0 : i32
        %dma_start3A_140 = arith.constant 1 : i32
        %dma_start3A_141 = arith.constant 0 : i32
        %dma_start3A_142 = arith.constant 0 : i32
        %dma_start3A_143 = arith.constant 0 : i32
        %dma_start3A_144 = tpu.memref_slice %arg5[%dma_start3A, %dma_start3A_140, %dma_start3A_142, %dma_start3A_143] : memref<2x2x128x128xf32, #tpu.memory_space<vmem>> -> memref<1x1x128x128xf32, #tpu.memory_space<vmem>>
        %dma_start3A_145 = tpu.memref_squeeze %dma_start3A_144 : memref<1x1x128x128xf32, #tpu.memory_space<vmem>> -> memref<128x128xf32, #tpu.memory_space<vmem>>
        %dma_start3A_146 = tpu.memref_slice %arg3[%dma_start3A_141, %add3A_61, %multiple_of3A, %multiple_of3A_139] : memref<1x16x2048x2048xf32, #tpu.memory_space<hbm>> -> memref<1x1x128x128xf32, #tpu.memory_space<hbm>>
        %dma_start3A_147 = tpu.memref_squeeze %dma_start3A_146 : memref<1x1x128x128xf32, #tpu.memory_space<hbm>> -> memref<128x128xf32, #tpu.memory_space<hbm>>
        %dma_start3A_148 = tpu.memref_slice %arg3[%dma_start3A_141, %add3A_61, %multiple_of3A, %multiple_of3A_139] : memref<1x16x2048x2048xf32, #tpu.memory_space<hbm>> -> memref<1x1x128x128xf32, #tpu.memory_space<hbm>>
        %dma_start3A_149 = tpu.memref_squeeze %dma_start3A_148 : memref<1x1x128x128xf32, #tpu.memory_space<hbm>> -> memref<128x128xf32, #tpu.memory_space<hbm>>
        %dma_start3A_150 = arith.constant 0 : i32
        %dma_start3A_151 = arith.constant 0 : i32
        %dma_start3A_152 = tpu.memref_slice %arg5[%dma_start3A, %dma_start3A_140, %dma_start3A_150, %dma_start3A_151] : memref<2x2x128x128xf32, #tpu.memory_space<vmem>> -> memref<1x1x128x128xf32, #tpu.memory_space<vmem>>
        %dma_start3A_153 = tpu.memref_squeeze %dma_start3A_152 : memref<1x1x128x128xf32, #tpu.memory_space<vmem>> -> memref<128x128xf32, #tpu.memory_space<vmem>>
        tpu.enqueue_dma source(%dma_start3A_153 : memref<128x128xf32, #tpu.memory_space<vmem>>) target(%dma_start3A_149 : memref<128x128xf32, #tpu.memory_space<hbm>>) target_semaphore(%arg7 : memref<!tpu.dma_semaphore, #tpu.memory_space<semaphore_mem>>)
      }
      %while3A_91 = arith.constant 1 : i32
      scf.for %while3A_132 = %while3A_89 to %while3A_85 step %while3A_91  : i32 {
        %add3A_133 = arith.constant 15 : i32
        %add3A_134 = arith.addi %while3A_132, %add3A_133 : i32
        %sub3A = arith.subi %add3A_134, %add3A_1 : i32
        %mul3A_135 = arith.constant 128 : i32
        %mul3A_136 = arith.muli %sub3A, %mul3A_135 : i32
        %multiple_of3A = tpu.assume_multiple %mul3A_136, 128 : i32
        %mul3A_137 = arith.constant 128 : i32
        %mul3A_138 = arith.muli %while3A_132, %mul3A_137 : i32
        %multiple_of3A_139 = tpu.assume_multiple %mul3A_138, 128 : i32
        %dma_start3A = arith.constant 0 : i32
        %dma_start3A_140 = arith.constant 1 : i32
        %dma_start3A_141 = arith.constant 0 : i32
        %dma_start3A_142 = arith.constant 0 : i32
        %dma_start3A_143 = arith.constant 0 : i32
        %dma_start3A_144 = tpu.memref_slice %arg5[%dma_start3A, %dma_start3A_140, %dma_start3A_142, %dma_start3A_143] : memref<2x2x128x128xf32, #tpu.memory_space<vmem>> -> memref<1x1x128x128xf32, #tpu.memory_space<vmem>>
        %dma_start3A_145 = tpu.memref_squeeze %dma_start3A_144 : memref<1x1x128x128xf32, #tpu.memory_space<vmem>> -> memref<128x128xf32, #tpu.memory_space<vmem>>
        %dma_start3A_146 = tpu.memref_slice %arg3[%dma_start3A_141, %add3A_61, %multiple_of3A, %multiple_of3A_139] : memref<1x16x2048x2048xf32, #tpu.memory_space<hbm>> -> memref<1x1x128x128xf32, #tpu.memory_space<hbm>>
        %dma_start3A_147 = tpu.memref_squeeze %dma_start3A_146 : memref<1x1x128x128xf32, #tpu.memory_space<hbm>> -> memref<128x128xf32, #tpu.memory_space<hbm>>
        %dma_start3A_148 = tpu.memref_slice %arg3[%dma_start3A_141, %add3A_61, %multiple_of3A, %multiple_of3A_139] : memref<1x16x2048x2048xf32, #tpu.memory_space<hbm>> -> memref<1x1x128x128xf32, #tpu.memory_space<hbm>>
        %dma_start3A_149 = tpu.memref_squeeze %dma_start3A_148 : memref<1x1x128x128xf32, #tpu.memory_space<hbm>> -> memref<128x128xf32, #tpu.memory_space<hbm>>
        %dma_start3A_150 = arith.constant 0 : i32
        %dma_start3A_151 = arith.constant 0 : i32
        %dma_start3A_152 = tpu.memref_slice %arg5[%dma_start3A, %dma_start3A_140, %dma_start3A_150, %dma_start3A_151] : memref<2x2x128x128xf32, #tpu.memory_space<vmem>> -> memref<1x1x128x128xf32, #tpu.memory_space<vmem>>
        %dma_start3A_153 = tpu.memref_squeeze %dma_start3A_152 : memref<1x1x128x128xf32, #tpu.memory_space<vmem>> -> memref<128x128xf32, #tpu.memory_space<vmem>>
        tpu.enqueue_dma source(%dma_start3A_153 : memref<128x128xf32, #tpu.memory_space<vmem>>) target(%dma_start3A_149 : memref<128x128xf32, #tpu.memory_space<hbm>>) target_semaphore(%arg7 : memref<!tpu.dma_semaphore, #tpu.memory_space<semaphore_mem>>)
      }
      %gt3A_92 = arith.constant 0 : i32
      %gt3A_93 = arith.cmpi sgt, %scan3A_54, %gt3A_92 : i32
      %convert_element_type3A_94 = arith.extui %gt3A_93 : i1 to i32
      %cond3A_95 = arith.constant 0 : i32
      %cond3A_96 = arith.cmpi ne, %convert_element_type3A_94, %cond3A_95 : i32
      scf.if %cond3A_96 {
        %add3A_132 = arith.constant 1 : i32
        %add3A_133 = arith.addi %arg1, %add3A_132 : i32
        %while3A_134 = arith.constant 0 : i32
        %while3A_135 = arith.constant 0 : i32
        %while3A_136 = arith.subi %add3A_133, %while3A_135 : i32
        %while3A_137 = arith.addi %while3A_135, %while3A_136 : i32
        %while3A_138 = arith.constant 1 : i32
        %while3A_139 = arith.divsi %while3A_136, %while3A_138 : i32
        %while3A_140 = arith.muli %while3A_139, %while3A_138 : i32
        %while3A_141 = arith.addi %while3A_135, %while3A_140 : i32
        %while3A_142 = arith.constant 1 : i32
        scf.for %while3A_156 = %while3A_135 to %while3A_141 step %while3A_142  : i32 {
          %add3A_157 = arith.constant 15 : i32
          %add3A_158 = arith.addi %while3A_156, %add3A_157 : i32
          %sub3A = arith.subi %add3A_158, %arg1 : i32
          %mul3A_159 = arith.constant 128 : i32
          %mul3A_160 = arith.muli %sub3A, %mul3A_159 : i32
          %multiple_of3A = tpu.assume_multiple %mul3A_160, 128 : i32
          %mul3A_161 = arith.constant 128 : i32
          %mul3A_162 = arith.muli %while3A_156, %mul3A_161 : i32
          %multiple_of3A_163 = tpu.assume_multiple %mul3A_162, 128 : i32
          %dma_wait3A = arith.constant 1 : i32
          %dma_wait3A_164 = arith.constant 0 : i32
          %dma_wait3A_165 = arith.constant 0 : i32
          %dma_wait3A_166 = arith.constant 0 : i32
          %dma_wait3A_167 = arith.constant 0 : i32
          %dma_wait3A_168 = tpu.memref_slice %arg5[%dma_wait3A, %dma_wait3A_164, %dma_wait3A_166, %dma_wait3A_167] : memref<2x2x128x128xf32, #tpu.memory_space<vmem>> -> memref<1x1x128x128xf32, #tpu.memory_space<vmem>>
          %dma_wait3A_169 = tpu.memref_squeeze %dma_wait3A_168 : memref<1x1x128x128xf32, #tpu.memory_space<vmem>> -> memref<128x128xf32, #tpu.memory_space<vmem>>
          %dma_wait3A_170 = tpu.memref_slice %arg3[%dma_wait3A_165, %mul3A_0, %multiple_of3A, %multiple_of3A_163] : memref<1x16x2048x2048xf32, #tpu.memory_space<hbm>> -> memref<1x1x128x128xf32, #tpu.memory_space<hbm>>
          %dma_wait3A_171 = tpu.memref_squeeze %dma_wait3A_170 : memref<1x1x128x128xf32, #tpu.memory_space<hbm>> -> memref<128x128xf32, #tpu.memory_space<hbm>>
          %dma_wait3A_172 = tpu.memref_slice %arg3[%dma_wait3A_165, %mul3A_0, %multiple_of3A, %multiple_of3A_163] : memref<1x16x2048x2048xf32, #tpu.memory_space<hbm>> -> memref<1x1x128x128xf32, #tpu.memory_space<hbm>>
          %dma_wait3A_173 = tpu.memref_squeeze %dma_wait3A_172 : memref<1x1x128x128xf32, #tpu.memory_space<hbm>> -> memref<128x128xf32, #tpu.memory_space<hbm>>
          %dma_wait3A_174 = arith.constant 0 : i32
          %dma_wait3A_175 = arith.constant 0 : i32
          %dma_wait3A_176 = tpu.memref_slice %arg5[%dma_wait3A, %dma_wait3A_164, %dma_wait3A_174, %dma_wait3A_175] : memref<2x2x128x128xf32, #tpu.memory_space<vmem>> -> memref<1x1x128x128xf32, #tpu.memory_space<vmem>>
          %dma_wait3A_177 = tpu.memref_squeeze %dma_wait3A_176 : memref<1x1x128x128xf32, #tpu.memory_space<vmem>> -> memref<128x128xf32, #tpu.memory_space<vmem>>
          tpu.wait_dma2 semaphore(%arg8 : memref<!tpu.dma_semaphore, #tpu.memory_space<semaphore_mem>>) src(%dma_wait3A_177 : memref<128x128xf32, #tpu.memory_space<vmem>>) dst(%dma_wait3A_173 : memref<128x128xf32, #tpu.memory_space<hbm>>)
        }
        %while3A_143 = arith.constant 1 : i32
        scf.for %while3A_156 = %while3A_141 to %while3A_137 step %while3A_143  : i32 {
          %add3A_157 = arith.constant 15 : i32
          %add3A_158 = arith.addi %while3A_156, %add3A_157 : i32
          %sub3A = arith.subi %add3A_158, %arg1 : i32
          %mul3A_159 = arith.constant 128 : i32
          %mul3A_160 = arith.muli %sub3A, %mul3A_159 : i32
          %multiple_of3A = tpu.assume_multiple %mul3A_160, 128 : i32
          %mul3A_161 = arith.constant 128 : i32
          %mul3A_162 = arith.muli %while3A_156, %mul3A_161 : i32
          %multiple_of3A_163 = tpu.assume_multiple %mul3A_162, 128 : i32
          %dma_wait3A = arith.constant 1 : i32
          %dma_wait3A_164 = arith.constant 0 : i32
          %dma_wait3A_165 = arith.constant 0 : i32
          %dma_wait3A_166 = arith.constant 0 : i32
          %dma_wait3A_167 = arith.constant 0 : i32
          %dma_wait3A_168 = tpu.memref_slice %arg5[%dma_wait3A, %dma_wait3A_164, %dma_wait3A_166, %dma_wait3A_167] : memref<2x2x128x128xf32, #tpu.memory_space<vmem>> -> memref<1x1x128x128xf32, #tpu.memory_space<vmem>>
          %dma_wait3A_169 = tpu.memref_squeeze %dma_wait3A_168 : memref<1x1x128x128xf32, #tpu.memory_space<vmem>> -> memref<128x128xf32, #tpu.memory_space<vmem>>
          %dma_wait3A_170 = tpu.memref_slice %arg3[%dma_wait3A_165, %mul3A_0, %multiple_of3A, %multiple_of3A_163] : memref<1x16x2048x2048xf32, #tpu.memory_space<hbm>> -> memref<1x1x128x128xf32, #tpu.memory_space<hbm>>
          %dma_wait3A_171 = tpu.memref_squeeze %dma_wait3A_170 : memref<1x1x128x128xf32, #tpu.memory_space<hbm>> -> memref<128x128xf32, #tpu.memory_space<hbm>>
          %dma_wait3A_172 = tpu.memref_slice %arg3[%dma_wait3A_165, %mul3A_0, %multiple_of3A, %multiple_of3A_163] : memref<1x16x2048x2048xf32, #tpu.memory_space<hbm>> -> memref<1x1x128x128xf32, #tpu.memory_space<hbm>>
          %dma_wait3A_173 = tpu.memref_squeeze %dma_wait3A_172 : memref<1x1x128x128xf32, #tpu.memory_space<hbm>> -> memref<128x128xf32, #tpu.memory_space<hbm>>
          %dma_wait3A_174 = arith.constant 0 : i32
          %dma_wait3A_175 = arith.constant 0 : i32
          %dma_wait3A_176 = tpu.memref_slice %arg5[%dma_wait3A, %dma_wait3A_164, %dma_wait3A_174, %dma_wait3A_175] : memref<2x2x128x128xf32, #tpu.memory_space<vmem>> -> memref<1x1x128x128xf32, #tpu.memory_space<vmem>>
          %dma_wait3A_177 = tpu.memref_squeeze %dma_wait3A_176 : memref<1x1x128x128xf32, #tpu.memory_space<vmem>> -> memref<128x128xf32, #tpu.memory_space<vmem>>
          tpu.wait_dma2 semaphore(%arg8 : memref<!tpu.dma_semaphore, #tpu.memory_space<semaphore_mem>>) src(%dma_wait3A_177 : memref<128x128xf32, #tpu.memory_space<vmem>>) dst(%dma_wait3A_173 : memref<128x128xf32, #tpu.memory_space<hbm>>)
        }
        %add3A_144 = arith.constant 1 : i32
        %add3A_145 = arith.addi %arg1, %add3A_144 : i32
        %while3A_146 = arith.constant 0 : i32
        %while3A_147 = arith.constant 16 : i32
        %while3A_148 = arith.subi %while3A_147, %add3A_145 : i32
        %while3A_149 = arith.addi %add3A_145, %while3A_148 : i32
        %while3A_150 = arith.constant 1 : i32
        %while3A_151 = arith.divsi %while3A_148, %while3A_150 : i32
        %while3A_152 = arith.muli %while3A_151, %while3A_150 : i32
        %while3A_153 = arith.addi %add3A_145, %while3A_152 : i32
        %while3A_154 = arith.constant 1 : i32
        scf.for %while3A_156 = %add3A_145 to %while3A_153 step %while3A_154  : i32 {
          %add3A_157 = arith.constant 15 : i32
          %add3A_158 = arith.addi %while3A_156, %add3A_157 : i32
          %sub3A = arith.subi %add3A_158, %add3A_1 : i32
          %mul3A_159 = arith.constant 128 : i32
          %mul3A_160 = arith.muli %sub3A, %mul3A_159 : i32
          %multiple_of3A = tpu.assume_multiple %mul3A_160, 128 : i32
          %mul3A_161 = arith.constant 128 : i32
          %mul3A_162 = arith.muli %while3A_156, %mul3A_161 : i32
          %multiple_of3A_163 = tpu.assume_multiple %mul3A_162, 128 : i32
          %dma_wait3A = arith.constant 1 : i32
          %dma_wait3A_164 = arith.constant 1 : i32
          %dma_wait3A_165 = arith.constant 0 : i32
          %dma_wait3A_166 = arith.constant 0 : i32
          %dma_wait3A_167 = arith.constant 0 : i32
          %dma_wait3A_168 = tpu.memref_slice %arg5[%dma_wait3A, %dma_wait3A_164, %dma_wait3A_166, %dma_wait3A_167] : memref<2x2x128x128xf32, #tpu.memory_space<vmem>> -> memref<1x1x128x128xf32, #tpu.memory_space<vmem>>
          %dma_wait3A_169 = tpu.memref_squeeze %dma_wait3A_168 : memref<1x1x128x128xf32, #tpu.memory_space<vmem>> -> memref<128x128xf32, #tpu.memory_space<vmem>>
          %dma_wait3A_170 = tpu.memref_slice %arg3[%dma_wait3A_165, %mul3A_0, %multiple_of3A, %multiple_of3A_163] : memref<1x16x2048x2048xf32, #tpu.memory_space<hbm>> -> memref<1x1x128x128xf32, #tpu.memory_space<hbm>>
          %dma_wait3A_171 = tpu.memref_squeeze %dma_wait3A_170 : memref<1x1x128x128xf32, #tpu.memory_space<hbm>> -> memref<128x128xf32, #tpu.memory_space<hbm>>
          %dma_wait3A_172 = tpu.memref_slice %arg3[%dma_wait3A_165, %mul3A_0, %multiple_of3A, %multiple_of3A_163] : memref<1x16x2048x2048xf32, #tpu.memory_space<hbm>> -> memref<1x1x128x128xf32, #tpu.memory_space<hbm>>
          %dma_wait3A_173 = tpu.memref_squeeze %dma_wait3A_172 : memref<1x1x128x128xf32, #tpu.memory_space<hbm>> -> memref<128x128xf32, #tpu.memory_space<hbm>>
          %dma_wait3A_174 = arith.constant 0 : i32
          %dma_wait3A_175 = arith.constant 0 : i32
          %dma_wait3A_176 = tpu.memref_slice %arg5[%dma_wait3A, %dma_wait3A_164, %dma_wait3A_174, %dma_wait3A_175] : memref<2x2x128x128xf32, #tpu.memory_space<vmem>> -> memref<1x1x128x128xf32, #tpu.memory_space<vmem>>
          %dma_wait3A_177 = tpu.memref_squeeze %dma_wait3A_176 : memref<1x1x128x128xf32, #tpu.memory_space<vmem>> -> memref<128x128xf32, #tpu.memory_space<vmem>>
          tpu.wait_dma2 semaphore(%arg9 : memref<!tpu.dma_semaphore, #tpu.memory_space<semaphore_mem>>) src(%dma_wait3A_177 : memref<128x128xf32, #tpu.memory_space<vmem>>) dst(%dma_wait3A_173 : memref<128x128xf32, #tpu.memory_space<hbm>>)
        }
        %while3A_155 = arith.constant 1 : i32
        scf.for %while3A_156 = %while3A_153 to %while3A_149 step %while3A_155  : i32 {
          %add3A_157 = arith.constant 15 : i32
          %add3A_158 = arith.addi %while3A_156, %add3A_157 : i32
          %sub3A = arith.subi %add3A_158, %add3A_1 : i32
          %mul3A_159 = arith.constant 128 : i32
          %mul3A_160 = arith.muli %sub3A, %mul3A_159 : i32
          %multiple_of3A = tpu.assume_multiple %mul3A_160, 128 : i32
          %mul3A_161 = arith.constant 128 : i32
          %mul3A_162 = arith.muli %while3A_156, %mul3A_161 : i32
          %multiple_of3A_163 = tpu.assume_multiple %mul3A_162, 128 : i32
          %dma_wait3A = arith.constant 1 : i32
          %dma_wait3A_164 = arith.constant 1 : i32
          %dma_wait3A_165 = arith.constant 0 : i32
          %dma_wait3A_166 = arith.constant 0 : i32
          %dma_wait3A_167 = arith.constant 0 : i32
          %dma_wait3A_168 = tpu.memref_slice %arg5[%dma_wait3A, %dma_wait3A_164, %dma_wait3A_166, %dma_wait3A_167] : memref<2x2x128x128xf32, #tpu.memory_space<vmem>> -> memref<1x1x128x128xf32, #tpu.memory_space<vmem>>
          %dma_wait3A_169 = tpu.memref_squeeze %dma_wait3A_168 : memref<1x1x128x128xf32, #tpu.memory_space<vmem>> -> memref<128x128xf32, #tpu.memory_space<vmem>>
          %dma_wait3A_170 = tpu.memref_slice %arg3[%dma_wait3A_165, %mul3A_0, %multiple_of3A, %multiple_of3A_163] : memref<1x16x2048x2048xf32, #tpu.memory_space<hbm>> -> memref<1x1x128x128xf32, #tpu.memory_space<hbm>>
          %dma_wait3A_171 = tpu.memref_squeeze %dma_wait3A_170 : memref<1x1x128x128xf32, #tpu.memory_space<hbm>> -> memref<128x128xf32, #tpu.memory_space<hbm>>
          %dma_wait3A_172 = tpu.memref_slice %arg3[%dma_wait3A_165, %mul3A_0, %multiple_of3A, %multiple_of3A_163] : memref<1x16x2048x2048xf32, #tpu.memory_space<hbm>> -> memref<1x1x128x128xf32, #tpu.memory_space<hbm>>
          %dma_wait3A_173 = tpu.memref_squeeze %dma_wait3A_172 : memref<1x1x128x128xf32, #tpu.memory_space<hbm>> -> memref<128x128xf32, #tpu.memory_space<hbm>>
          %dma_wait3A_174 = arith.constant 0 : i32
          %dma_wait3A_175 = arith.constant 0 : i32
          %dma_wait3A_176 = tpu.memref_slice %arg5[%dma_wait3A, %dma_wait3A_164, %dma_wait3A_174, %dma_wait3A_175] : memref<2x2x128x128xf32, #tpu.memory_space<vmem>> -> memref<1x1x128x128xf32, #tpu.memory_space<vmem>>
          %dma_wait3A_177 = tpu.memref_squeeze %dma_wait3A_176 : memref<1x1x128x128xf32, #tpu.memory_space<vmem>> -> memref<128x128xf32, #tpu.memory_space<vmem>>
          tpu.wait_dma2 semaphore(%arg9 : memref<!tpu.dma_semaphore, #tpu.memory_space<semaphore_mem>>) src(%dma_wait3A_177 : memref<128x128xf32, #tpu.memory_space<vmem>>) dst(%dma_wait3A_173 : memref<128x128xf32, #tpu.memory_space<hbm>>)
        }
      } else {
      }
      %mul3A_97 = arith.constant 2 : i32
      %mul3A_98 = arith.muli %mul3A_97, %scan3A_54 : i32
      %add3A_99 = arith.constant 1 : i32
      %add3A_100 = arith.addi %mul3A_98, %add3A_99 : i32
      %add3A_101 = arith.addi %mul3A_0, %add3A_100 : i32
      %scan3A_102 = arith.constant 0 : i32
      %scan3A_103 = arith.constant 0 : i32
      %scan3A_104 = arith.constant 2 : i32
      %scan3A_105 = arith.addi %scan3A_103, %scan3A_104 : i32
      %scan3A_106 = arith.constant 1 : i32
      scf.for %scan3A_132 = %scan3A_103 to %scan3A_105 step %scan3A_106  : i32 {
        %mul3A_133 = arith.constant 16 : i32
        %mul3A_134 = arith.muli %scan3A_132, %mul3A_133 : i32
        %add3A_135 = arith.addi %arg1, %mul3A_134 : i32
        %broadcast_in_dim3A = vector.broadcast %add3A_101 : i32 to vector<16xi32>
        %gather3A = tpu.vector_load_idx %arg4[%broadcast_in_dim3A] : memref<512xf32, #tpu.memory_space<vmem>>[vector<16xi32>], vector<16xf32>,
        %add3A_136 = arith.constant 496 : i32
        %add3A_137 = arith.addi %add3A_136, %add3A_101 : i32
        %broadcast_in_dim3A_138 = vector.broadcast %add3A_137 : i32 to vector<16xi32>
        %gather3A_139 = tpu.vector_load_idx %arg4[%broadcast_in_dim3A_138] : memref<512xf32, #tpu.memory_space<vmem>>[vector<16xi32>], vector<16xf32>,
        %mul3A_140 = arith.constant 128 : i32
        %mul3A_141 = arith.muli %mul3A_140, %add3A_135 : i32
        %sub3A = arith.constant 2047 : i32
        %sub3A_142 = arith.subi %mul3A_141, %sub3A : i32
        %jit3A = arith.constant 0 : i32
        %jit3A_143 = arith.constant 128 : i32
        %max3A = arith.maxsi %jit3A, %sub3A_142 : i32
        %min3A = arith.minsi %jit3A_143, %max3A : i32
        %mul3A_144 = arith.constant 128 : i32
        %mul3A_145 = arith.muli %mul3A_144, %add3A_135 : i32
        %sub3A_146 = arith.constant 1664 : i32
        %sub3A_147 = arith.subi %mul3A_145, %sub3A_146 : i32
        %jit3A_148 = arith.constant 0 : i32
        %jit3A_149 = arith.constant 128 : i32
        %max3A_150 = arith.maxsi %jit3A_148, %sub3A_147 : i32
        %min3A_151 = arith.minsi %jit3A_149, %max3A_150 : i32
        %mul3A_152 = arith.constant 128 : i32
        %mul3A_153 = arith.muli %mul3A_152, %add3A_135 : i32
        %add3A_154 = arith.constant 127 : i32
        %add3A_155 = arith.addi %mul3A_153, %add3A_154 : i32
        %sub3A_156 = arith.constant 1919 : i32
        %sub3A_157 = arith.subi %add3A_155, %sub3A_156 : i32
        %while3A_158 = arith.constant 0 : i32
        %while3A_159 = arith.constant 1 : i32
        %while3A_160 = arith.constant 0 : i32
        %while3A_161 = arith.subi %min3A, %while3A_160 : i32
        %while3A_162 = arith.addi %while3A_160, %while3A_161 : i32
        %while3A_163 = arith.constant 1 : i32
        %while3A_164 = arith.divsi %while3A_161, %while3A_163 : i32
        %while3A_165 = arith.muli %while3A_164, %while3A_163 : i32
        %while3A_166 = arith.addi %while3A_160, %while3A_165 : i32
        %while3A_167 = arith.constant 1 : i32
        scf.for %while3A_190 = %while3A_160 to %while3A_166 step %while3A_167  : i32 {
          %swap3A = arith.constant 0 : i32
          %swap3A_191 = arith.constant 0 : i32
          %swap3A_192 = tpu.memref_slice %arg5[%while3A_159, %scan3A_132, %swap3A, %swap3A_191] : memref<2x2x128x128xf32, #tpu.memory_space<vmem>> -> memref<1x1x128x128xf32, #tpu.memory_space<vmem>>
          %swap3A_193 = tpu.memref_squeeze %swap3A_192 : memref<1x1x128x128xf32, #tpu.memory_space<vmem>> -> memref<128x128xf32, #tpu.memory_space<vmem>>
          %swap3A_194 = arith.index_cast %while3A_190 : i32 to index
          %swap3A_195 = arith.constant 0 : index
          %swap3A_196 = tpu.vector_load %swap3A_193[%swap3A_194, %swap3A_195] {strides = array<i32>} : memref<128x128xf32, #tpu.memory_space<vmem>>, vector<16xf32>,
          tpu.vector_store %swap3A_193[%swap3A_194, %swap3A_195], %gather3A_139 {strides = array<i32>} : memref<128x128xf32, #tpu.memory_space<vmem>>, vector<16xf32>,
          %swap3A_197 = arith.constant 0 : i32
          %swap3A_198 = arith.constant 0 : i32
          %swap3A_199 = tpu.memref_slice %arg5[%while3A_159, %scan3A_132, %swap3A_197, %swap3A_198] : memref<2x2x128x128xf32, #tpu.memory_space<vmem>> -> memref<1x1x128x128xf32, #tpu.memory_space<vmem>>
          %swap3A_200 = tpu.memref_squeeze %swap3A_199 : memref<1x1x128x128xf32, #tpu.memory_space<vmem>> -> memref<128x128xf32, #tpu.memory_space<vmem>>
          %swap3A_201 = arith.index_cast %while3A_190 : i32 to index
          %swap3A_202 = arith.constant 16 : index
          %swap3A_203 = tpu.vector_load %swap3A_200[%swap3A_201, %swap3A_202] {strides = array<i32>} : memref<128x128xf32, #tpu.memory_space<vmem>>, vector<16xf32>,
          tpu.vector_store %swap3A_200[%swap3A_201, %swap3A_202], %gather3A_139 {strides = array<i32>} : memref<128x128xf32, #tpu.memory_space<vmem>>, vector<16xf32>,
          %swap3A_204 = arith.constant 0 : i32
          %swap3A_205 = arith.constant 0 : i32
          %swap3A_206 = tpu.memref_slice %arg5[%while3A_159, %scan3A_132, %swap3A_204, %swap3A_205] : memref<2x2x128x128xf32, #tpu.memory_space<vmem>> -> memref<1x1x128x128xf32, #tpu.memory_space<vmem>>
          %swap3A_207 = tpu.memref_squeeze %swap3A_206 : memref<1x1x128x128xf32, #tpu.memory_space<vmem>> -> memref<128x128xf32, #tpu.memory_space<vmem>>
          %swap3A_208 = arith.index_cast %while3A_190 : i32 to index
          %swap3A_209 = arith.constant 32 : index
          %swap3A_210 = tpu.vector_load %swap3A_207[%swap3A_208, %swap3A_209] {strides = array<i32>} : memref<128x128xf32, #tpu.memory_space<vmem>>, vector<16xf32>,
          tpu.vector_store %swap3A_207[%swap3A_208, %swap3A_209], %gather3A_139 {strides = array<i32>} : memref<128x128xf32, #tpu.memory_space<vmem>>, vector<16xf32>,
          %swap3A_211 = arith.constant 0 : i32
          %swap3A_212 = arith.constant 0 : i32
          %swap3A_213 = tpu.memref_slice %arg5[%while3A_159, %scan3A_132, %swap3A_211, %swap3A_212] : memref<2x2x128x128xf32, #tpu.memory_space<vmem>> -> memref<1x1x128x128xf32, #tpu.memory_space<vmem>>
          %swap3A_214 = tpu.memref_squeeze %swap3A_213 : memref<1x1x128x128xf32, #tpu.memory_space<vmem>> -> memref<128x128xf32, #tpu.memory_space<vmem>>
          %swap3A_215 = arith.index_cast %while3A_190 : i32 to index
          %swap3A_216 = arith.constant 48 : index
          %swap3A_217 = tpu.vector_load %swap3A_214[%swap3A_215, %swap3A_216] {strides = array<i32>} : memref<128x128xf32, #tpu.memory_space<vmem>>, vector<16xf32>,
          tpu.vector_store %swap3A_214[%swap3A_215, %swap3A_216], %gather3A_139 {strides = array<i32>} : memref<128x128xf32, #tpu.memory_space<vmem>>, vector<16xf32>,
          %swap3A_218 = arith.constant 0 : i32
          %swap3A_219 = arith.constant 0 : i32
          %swap3A_220 = tpu.memref_slice %arg5[%while3A_159, %scan3A_132, %swap3A_218, %swap3A_219] : memref<2x2x128x128xf32, #tpu.memory_space<vmem>> -> memref<1x1x128x128xf32, #tpu.memory_space<vmem>>
          %swap3A_221 = tpu.memref_squeeze %swap3A_220 : memref<1x1x128x128xf32, #tpu.memory_space<vmem>> -> memref<128x128xf32, #tpu.memory_space<vmem>>
          %swap3A_222 = arith.index_cast %while3A_190 : i32 to index
          %swap3A_223 = arith.constant 64 : index
          %swap3A_224 = tpu.vector_load %swap3A_221[%swap3A_222, %swap3A_223] {strides = array<i32>} : memref<128x128xf32, #tpu.memory_space<vmem>>, vector<16xf32>,
          tpu.vector_store %swap3A_221[%swap3A_222, %swap3A_223], %gather3A_139 {strides = array<i32>} : memref<128x128xf32, #tpu.memory_space<vmem>>, vector<16xf32>,
          %swap3A_225 = arith.constant 0 : i32
          %swap3A_226 = arith.constant 0 : i32
          %swap3A_227 = tpu.memref_slice %arg5[%while3A_159, %scan3A_132, %swap3A_225, %swap3A_226] : memref<2x2x128x128xf32, #tpu.memory_space<vmem>> -> memref<1x1x128x128xf32, #tpu.memory_space<vmem>>
          %swap3A_228 = tpu.memref_squeeze %swap3A_227 : memref<1x1x128x128xf32, #tpu.memory_space<vmem>> -> memref<128x128xf32, #tpu.memory_space<vmem>>
          %swap3A_229 = arith.index_cast %while3A_190 : i32 to index
          %swap3A_230 = arith.constant 80 : index
          %swap3A_231 = tpu.vector_load %swap3A_228[%swap3A_229, %swap3A_230] {strides = array<i32>} : memref<128x128xf32, #tpu.memory_space<vmem>>, vector<16xf32>,
          tpu.vector_store %swap3A_228[%swap3A_229, %swap3A_230], %gather3A_139 {strides = array<i32>} : memref<128x128xf32, #tpu.memory_space<vmem>>, vector<16xf32>,
          %swap3A_232 = arith.constant 0 : i32
          %swap3A_233 = arith.constant 0 : i32
          %swap3A_234 = tpu.memref_slice %arg5[%while3A_159, %scan3A_132, %swap3A_232, %swap3A_233] : memref<2x2x128x128xf32, #tpu.memory_space<vmem>> -> memref<1x1x128x128xf32, #tpu.memory_space<vmem>>
          %swap3A_235 = tpu.memref_squeeze %swap3A_234 : memref<1x1x128x128xf32, #tpu.memory_space<vmem>> -> memref<128x128xf32, #tpu.memory_space<vmem>>
          %swap3A_236 = arith.index_cast %while3A_190 : i32 to index
          %swap3A_237 = arith.constant 96 : index
          %swap3A_238 = tpu.vector_load %swap3A_235[%swap3A_236, %swap3A_237] {strides = array<i32>} : memref<128x128xf32, #tpu.memory_space<vmem>>, vector<16xf32>,
          tpu.vector_store %swap3A_235[%swap3A_236, %swap3A_237], %gather3A_139 {strides = array<i32>} : memref<128x128xf32, #tpu.memory_space<vmem>>, vector<16xf32>,
          %swap3A_239 = arith.constant 0 : i32
          %swap3A_240 = arith.constant 0 : i32
          %swap3A_241 = tpu.memref_slice %arg5[%while3A_159, %scan3A_132, %swap3A_239, %swap3A_240] : memref<2x2x128x128xf32, #tpu.memory_space<vmem>> -> memref<1x1x128x128xf32, #tpu.memory_space<vmem>>
          %swap3A_242 = tpu.memref_squeeze %swap3A_241 : memref<1x1x128x128xf32, #tpu.memory_space<vmem>> -> memref<128x128xf32, #tpu.memory_space<vmem>>
          %swap3A_243 = arith.index_cast %while3A_190 : i32 to index
          %swap3A_244 = arith.constant 112 : index
          %swap3A_245 = tpu.vector_load %swap3A_242[%swap3A_243, %swap3A_244] {strides = array<i32>} : memref<128x128xf32, #tpu.memory_space<vmem>>, vector<16xf32>,
          tpu.vector_store %swap3A_242[%swap3A_243, %swap3A_244], %gather3A_139 {strides = array<i32>} : memref<128x128xf32, #tpu.memory_space<vmem>>, vector<16xf32>,
        }
        %while3A_168 = arith.constant 1 : i32
        scf.for %while3A_190 = %while3A_166 to %while3A_162 step %while3A_168  : i32 {
          %swap3A = arith.constant 0 : i32
          %swap3A_191 = arith.constant 0 : i32
          %swap3A_192 = tpu.memref_slice %arg5[%while3A_159, %scan3A_132, %swap3A, %swap3A_191] : memref<2x2x128x128xf32, #tpu.memory_space<vmem>> -> memref<1x1x128x128xf32, #tpu.memory_space<vmem>>
          %swap3A_193 = tpu.memref_squeeze %swap3A_192 : memref<1x1x128x128xf32, #tpu.memory_space<vmem>> -> memref<128x128xf32, #tpu.memory_space<vmem>>
          %swap3A_194 = arith.index_cast %while3A_190 : i32 to index
          %swap3A_195 = arith.constant 0 : index
          %swap3A_196 = tpu.vector_load %swap3A_193[%swap3A_194, %swap3A_195] {strides = array<i32>} : memref<128x128xf32, #tpu.memory_space<vmem>>, vector<16xf32>,
          tpu.vector_store %swap3A_193[%swap3A_194, %swap3A_195], %gather3A_139 {strides = array<i32>} : memref<128x128xf32, #tpu.memory_space<vmem>>, vector<16xf32>,
          %swap3A_197 = arith.constant 0 : i32
          %swap3A_198 = arith.constant 0 : i32
          %swap3A_199 = tpu.memref_slice %arg5[%while3A_159, %scan3A_132, %swap3A_197, %swap3A_198] : memref<2x2x128x128xf32, #tpu.memory_space<vmem>> -> memref<1x1x128x128xf32, #tpu.memory_space<vmem>>
          %swap3A_200 = tpu.memref_squeeze %swap3A_199 : memref<1x1x128x128xf32, #tpu.memory_space<vmem>> -> memref<128x128xf32, #tpu.memory_space<vmem>>
          %swap3A_201 = arith.index_cast %while3A_190 : i32 to index
          %swap3A_202 = arith.constant 16 : index
          %swap3A_203 = tpu.vector_load %swap3A_200[%swap3A_201, %swap3A_202] {strides = array<i32>} : memref<128x128xf32, #tpu.memory_space<vmem>>, vector<16xf32>,
          tpu.vector_store %swap3A_200[%swap3A_201, %swap3A_202], %gather3A_139 {strides = array<i32>} : memref<128x128xf32, #tpu.memory_space<vmem>>, vector<16xf32>,
          %swap3A_204 = arith.constant 0 : i32
          %swap3A_205 = arith.constant 0 : i32
          %swap3A_206 = tpu.memref_slice %arg5[%while3A_159, %scan3A_132, %swap3A_204, %swap3A_205] : memref<2x2x128x128xf32, #tpu.memory_space<vmem>> -> memref<1x1x128x128xf32, #tpu.memory_space<vmem>>
          %swap3A_207 = tpu.memref_squeeze %swap3A_206 : memref<1x1x128x128xf32, #tpu.memory_space<vmem>> -> memref<128x128xf32, #tpu.memory_space<vmem>>
          %swap3A_208 = arith.index_cast %while3A_190 : i32 to index
          %swap3A_209 = arith.constant 32 : index
          %swap3A_210 = tpu.vector_load %swap3A_207[%swap3A_208, %swap3A_209] {strides = array<i32>} : memref<128x128xf32, #tpu.memory_space<vmem>>, vector<16xf32>,
          tpu.vector_store %swap3A_207[%swap3A_208, %swap3A_209], %gather3A_139 {strides = array<i32>} : memref<128x128xf32, #tpu.memory_space<vmem>>, vector<16xf32>,
          %swap3A_211 = arith.constant 0 : i32
          %swap3A_212 = arith.constant 0 : i32
          %swap3A_213 = tpu.memref_slice %arg5[%while3A_159, %scan3A_132, %swap3A_211, %swap3A_212] : memref<2x2x128x128xf32, #tpu.memory_space<vmem>> -> memref<1x1x128x128xf32, #tpu.memory_space<vmem>>
          %swap3A_214 = tpu.memref_squeeze %swap3A_213 : memref<1x1x128x128xf32, #tpu.memory_space<vmem>> -> memref<128x128xf32, #tpu.memory_space<vmem>>
          %swap3A_215 = arith.index_cast %while3A_190 : i32 to index
          %swap3A_216 = arith.constant 48 : index
          %swap3A_217 = tpu.vector_load %swap3A_214[%swap3A_215, %swap3A_216] {strides = array<i32>} : memref<128x128xf32, #tpu.memory_space<vmem>>, vector<16xf32>,
          tpu.vector_store %swap3A_214[%swap3A_215, %swap3A_216], %gather3A_139 {strides = array<i32>} : memref<128x128xf32, #tpu.memory_space<vmem>>, vector<16xf32>,
          %swap3A_218 = arith.constant 0 : i32
          %swap3A_219 = arith.constant 0 : i32
          %swap3A_220 = tpu.memref_slice %arg5[%while3A_159, %scan3A_132, %swap3A_218, %swap3A_219] : memref<2x2x128x128xf32, #tpu.memory_space<vmem>> -> memref<1x1x128x128xf32, #tpu.memory_space<vmem>>
          %swap3A_221 = tpu.memref_squeeze %swap3A_220 : memref<1x1x128x128xf32, #tpu.memory_space<vmem>> -> memref<128x128xf32, #tpu.memory_space<vmem>>
          %swap3A_222 = arith.index_cast %while3A_190 : i32 to index
          %swap3A_223 = arith.constant 64 : index
          %swap3A_224 = tpu.vector_load %swap3A_221[%swap3A_222, %swap3A_223] {strides = array<i32>} : memref<128x128xf32, #tpu.memory_space<vmem>>, vector<16xf32>,
          tpu.vector_store %swap3A_221[%swap3A_222, %swap3A_223], %gather3A_139 {strides = array<i32>} : memref<128x128xf32, #tpu.memory_space<vmem>>, vector<16xf32>,
          %swap3A_225 = arith.constant 0 : i32
          %swap3A_226 = arith.constant 0 : i32
          %swap3A_227 = tpu.memref_slice %arg5[%while3A_159, %scan3A_132, %swap3A_225, %swap3A_226] : memref<2x2x128x128xf32, #tpu.memory_space<vmem>> -> memref<1x1x128x128xf32, #tpu.memory_space<vmem>>
          %swap3A_228 = tpu.memref_squeeze %swap3A_227 : memref<1x1x128x128xf32, #tpu.memory_space<vmem>> -> memref<128x128xf32, #tpu.memory_space<vmem>>
          %swap3A_229 = arith.index_cast %while3A_190 : i32 to index
          %swap3A_230 = arith.constant 80 : index
          %swap3A_231 = tpu.vector_load %swap3A_228[%swap3A_229, %swap3A_230] {strides = array<i32>} : memref<128x128xf32, #tpu.memory_space<vmem>>, vector<16xf32>,
          tpu.vector_store %swap3A_228[%swap3A_229, %swap3A_230], %gather3A_139 {strides = array<i32>} : memref<128x128xf32, #tpu.memory_space<vmem>>, vector<16xf32>,
          %swap3A_232 = arith.constant 0 : i32
          %swap3A_233 = arith.constant 0 : i32
          %swap3A_234 = tpu.memref_slice %arg5[%while3A_159, %scan3A_132, %swap3A_232, %swap3A_233] : memref<2x2x128x128xf32, #tpu.memory_space<vmem>> -> memref<1x1x128x128xf32, #tpu.memory_space<vmem>>
          %swap3A_235 = tpu.memref_squeeze %swap3A_234 : memref<1x1x128x128xf32, #tpu.memory_space<vmem>> -> memref<128x128xf32, #tpu.memory_space<vmem>>
          %swap3A_236 = arith.index_cast %while3A_190 : i32 to index
          %swap3A_237 = arith.constant 96 : index
          %swap3A_238 = tpu.vector_load %swap3A_235[%swap3A_236, %swap3A_237] {strides = array<i32>} : memref<128x128xf32, #tpu.memory_space<vmem>>, vector<16xf32>,
          tpu.vector_store %swap3A_235[%swap3A_236, %swap3A_237], %gather3A_139 {strides = array<i32>} : memref<128x128xf32, #tpu.memory_space<vmem>>, vector<16xf32>,
          %swap3A_239 = arith.constant 0 : i32
          %swap3A_240 = arith.constant 0 : i32
          %swap3A_241 = tpu.memref_slice %arg5[%while3A_159, %scan3A_132, %swap3A_239, %swap3A_240] : memref<2x2x128x128xf32, #tpu.memory_space<vmem>> -> memref<1x1x128x128xf32, #tpu.memory_space<vmem>>
          %swap3A_242 = tpu.memref_squeeze %swap3A_241 : memref<1x1x128x128xf32, #tpu.memory_space<vmem>> -> memref<128x128xf32, #tpu.memory_space<vmem>>
          %swap3A_243 = arith.index_cast %while3A_190 : i32 to index
          %swap3A_244 = arith.constant 112 : index
          %swap3A_245 = tpu.vector_load %swap3A_242[%swap3A_243, %swap3A_244] {strides = array<i32>} : memref<128x128xf32, #tpu.memory_space<vmem>>, vector<16xf32>,
          tpu.vector_store %swap3A_242[%swap3A_243, %swap3A_244], %gather3A_139 {strides = array<i32>} : memref<128x128xf32, #tpu.memory_space<vmem>>, vector<16xf32>,
        }
        %while3A_169 = arith.constant 0 : i32
        %while3A_170 = arith.constant 1 : i32
        %while3A_171 = arith.subi %min3A_151, %min3A : i32
        %while3A_172 = arith.addi %min3A, %while3A_171 : i32
        %while3A_173 = arith.constant 1 : i32
        %while3A_174 = arith.divsi %while3A_171, %while3A_173 : i32
        %while3A_175 = arith.muli %while3A_174, %while3A_173 : i32
        %while3A_176 = arith.addi %min3A, %while3A_175 : i32
        %while3A_177 = arith.constant 1 : i32
        scf.for %while3A_190 = %min3A to %while3A_176 step %while3A_177  : i32 {
          %sub3A_191 = arith.subi %sub3A_157, %while3A_190 : i32
          %add3A_192 = arith.constant 0 : i32
          %add3A_193 = vector.broadcast %add3A_192 : i32 to vector<16xi32>
          %add3A_194 = arith.addi %add3A_193, %iota3A : vector<16xi32>
          %add3A_195 = vector.broadcast %sub3A_191 : i32 to vector<16xi32>
          %add3A_196 = arith.addi %add3A_194, %add3A_195 : vector<16xi32>
          %jit3A_197 = arith.constant 0 : i32
          %jit3A_198 = arith.constant 255 : i32
          %max3A_199 = vector.broadcast %jit3A_197 : i32 to vector<16xi32>
          %max3A_200 = arith.maxsi %max3A_199, %add3A_196 : vector<16xi32>
          %min3A_201 = vector.broadcast %jit3A_198 : i32 to vector<16xi32>
          %min3A_202 = arith.minsi %min3A_201, %max3A_200 : vector<16xi32>
          %and3A = arith.constant 31 : i32
          %and3A_203 = vector.broadcast %and3A : i32 to vector<16xi32>
          %and3A_204 = arith.andi %min3A_202, %and3A_203 : vector<16xi32>
          %mul3A_205 = arith.constant 16 : i32
          %mul3A_206 = vector.broadcast %mul3A_205 : i32 to vector<16xi32>
          %mul3A_207 = arith.muli %and3A_204, %mul3A_206 : vector<16xi32>
          %add3A_208 = vector.broadcast %add3A_101 : i32 to vector<16xi32>
          %add3A_209 = arith.addi %mul3A_207, %add3A_208 : vector<16xi32>
          %gather3A_210 = tpu.vector_load_idx %arg4[%add3A_209] : memref<512xf32, #tpu.memory_space<vmem>>[vector<16xi32>], vector<16xf32>,
          %swap3A = arith.constant 0 : i32
          %swap3A_211 = arith.constant 0 : i32
          %swap3A_212 = tpu.memref_slice %arg5[%while3A_170, %scan3A_132, %swap3A, %swap3A_211] : memref<2x2x128x128xf32, #tpu.memory_space<vmem>> -> memref<1x1x128x128xf32, #tpu.memory_space<vmem>>
          %swap3A_213 = tpu.memref_squeeze %swap3A_212 : memref<1x1x128x128xf32, #tpu.memory_space<vmem>> -> memref<128x128xf32, #tpu.memory_space<vmem>>
          %swap3A_214 = arith.index_cast %while3A_190 : i32 to index
          %swap3A_215 = arith.constant 0 : index
          %swap3A_216 = tpu.vector_load %swap3A_213[%swap3A_214, %swap3A_215] {strides = array<i32>} : memref<128x128xf32, #tpu.memory_space<vmem>>, vector<16xf32>,
          tpu.vector_store %swap3A_213[%swap3A_214, %swap3A_215], %gather3A_210 {strides = array<i32>} : memref<128x128xf32, #tpu.memory_space<vmem>>, vector<16xf32>,
          %add3A_217 = arith.constant 16 : i32
          %add3A_218 = vector.broadcast %add3A_217 : i32 to vector<16xi32>
          %add3A_219 = arith.addi %add3A_218, %iota3A : vector<16xi32>
          %add3A_220 = vector.broadcast %sub3A_191 : i32 to vector<16xi32>
          %add3A_221 = arith.addi %add3A_219, %add3A_220 : vector<16xi32>
          %jit3A_222 = arith.constant 0 : i32
          %jit3A_223 = arith.constant 255 : i32
          %max3A_224 = vector.broadcast %jit3A_222 : i32 to vector<16xi32>
          %max3A_225 = arith.maxsi %max3A_224, %add3A_221 : vector<16xi32>
          %min3A_226 = vector.broadcast %jit3A_223 : i32 to vector<16xi32>
          %min3A_227 = arith.minsi %min3A_226, %max3A_225 : vector<16xi32>
          %and3A_228 = arith.constant 31 : i32
          %and3A_229 = vector.broadcast %and3A_228 : i32 to vector<16xi32>
          %and3A_230 = arith.andi %min3A_227, %and3A_229 : vector<16xi32>
          %mul3A_231 = arith.constant 16 : i32
          %mul3A_232 = vector.broadcast %mul3A_231 : i32 to vector<16xi32>
          %mul3A_233 = arith.muli %and3A_230, %mul3A_232 : vector<16xi32>
          %add3A_234 = vector.broadcast %add3A_101 : i32 to vector<16xi32>
          %add3A_235 = arith.addi %mul3A_233, %add3A_234 : vector<16xi32>
          %gather3A_236 = tpu.vector_load_idx %arg4[%add3A_235] : memref<512xf32, #tpu.memory_space<vmem>>[vector<16xi32>], vector<16xf32>,
          %swap3A_237 = arith.constant 0 : i32
          %swap3A_238 = arith.constant 0 : i32
          %swap3A_239 = tpu.memref_slice %arg5[%while3A_170, %scan3A_132, %swap3A_237, %swap3A_238] : memref<2x2x128x128xf32, #tpu.memory_space<vmem>> -> memref<1x1x128x128xf32, #tpu.memory_space<vmem>>
          %swap3A_240 = tpu.memref_squeeze %swap3A_239 : memref<1x1x128x128xf32, #tpu.memory_space<vmem>> -> memref<128x128xf32, #tpu.memory_space<vmem>>
          %swap3A_241 = arith.index_cast %while3A_190 : i32 to index
          %swap3A_242 = arith.constant 16 : index
          %swap3A_243 = tpu.vector_load %swap3A_240[%swap3A_241, %swap3A_242] {strides = array<i32>} : memref<128x128xf32, #tpu.memory_space<vmem>>, vector<16xf32>,
          tpu.vector_store %swap3A_240[%swap3A_241, %swap3A_242], %gather3A_236 {strides = array<i32>} : memref<128x128xf32, #tpu.memory_space<vmem>>, vector<16xf32>,
          %add3A_244 = arith.constant 32 : i32
          %add3A_245 = vector.broadcast %add3A_244 : i32 to vector<16xi32>
          %add3A_246 = arith.addi %add3A_245, %iota3A : vector<16xi32>
          %add3A_247 = vector.broadcast %sub3A_191 : i32 to vector<16xi32>
          %add3A_248 = arith.addi %add3A_246, %add3A_247 : vector<16xi32>
          %jit3A_249 = arith.constant 0 : i32
          %jit3A_250 = arith.constant 255 : i32
          %max3A_251 = vector.broadcast %jit3A_249 : i32 to vector<16xi32>
          %max3A_252 = arith.maxsi %max3A_251, %add3A_248 : vector<16xi32>
          %min3A_253 = vector.broadcast %jit3A_250 : i32 to vector<16xi32>
          %min3A_254 = arith.minsi %min3A_253, %max3A_252 : vector<16xi32>
          %and3A_255 = arith.constant 31 : i32
          %and3A_256 = vector.broadcast %and3A_255 : i32 to vector<16xi32>
          %and3A_257 = arith.andi %min3A_254, %and3A_256 : vector<16xi32>
          %mul3A_258 = arith.constant 16 : i32
          %mul3A_259 = vector.broadcast %mul3A_258 : i32 to vector<16xi32>
          %mul3A_260 = arith.muli %and3A_257, %mul3A_259 : vector<16xi32>
          %add3A_261 = vector.broadcast %add3A_101 : i32 to vector<16xi32>
          %add3A_262 = arith.addi %mul3A_260, %add3A_261 : vector<16xi32>
          %gather3A_263 = tpu.vector_load_idx %arg4[%add3A_262] : memref<512xf32, #tpu.memory_space<vmem>>[vector<16xi32>], vector<16xf32>,
          %swap3A_264 = arith.constant 0 : i32
          %swap3A_265 = arith.constant 0 : i32
          %swap3A_266 = tpu.memref_slice %arg5[%while3A_170, %scan3A_132, %swap3A_264, %swap3A_265] : memref<2x2x128x128xf32, #tpu.memory_space<vmem>> -> memref<1x1x128x128xf32, #tpu.memory_space<vmem>>
          %swap3A_267 = tpu.memref_squeeze %swap3A_266 : memref<1x1x128x128xf32, #tpu.memory_space<vmem>> -> memref<128x128xf32, #tpu.memory_space<vmem>>
          %swap3A_268 = arith.index_cast %while3A_190 : i32 to index
          %swap3A_269 = arith.constant 32 : index
          %swap3A_270 = tpu.vector_load %swap3A_267[%swap3A_268, %swap3A_269] {strides = array<i32>} : memref<128x128xf32, #tpu.memory_space<vmem>>, vector<16xf32>,
          tpu.vector_store %swap3A_267[%swap3A_268, %swap3A_269], %gather3A_263 {strides = array<i32>} : memref<128x128xf32, #tpu.memory_space<vmem>>, vector<16xf32>,
          %add3A_271 = arith.constant 48 : i32
          %add3A_272 = vector.broadcast %add3A_271 : i32 to vector<16xi32>
          %add3A_273 = arith.addi %add3A_272, %iota3A : vector<16xi32>
          %add3A_274 = vector.broadcast %sub3A_191 : i32 to vector<16xi32>
          %add3A_275 = arith.addi %add3A_273, %add3A_274 : vector<16xi32>
          %jit3A_276 = arith.constant 0 : i32
          %jit3A_277 = arith.constant 255 : i32
          %max3A_278 = vector.broadcast %jit3A_276 : i32 to vector<16xi32>
          %max3A_279 = arith.maxsi %max3A_278, %add3A_275 : vector<16xi32>
          %min3A_280 = vector.broadcast %jit3A_277 : i32 to vector<16xi32>
          %min3A_281 = arith.minsi %min3A_280, %max3A_279 : vector<16xi32>
          %and3A_282 = arith.constant 31 : i32
          %and3A_283 = vector.broadcast %and3A_282 : i32 to vector<16xi32>
          %and3A_284 = arith.andi %min3A_281, %and3A_283 : vector<16xi32>
          %mul3A_285 = arith.constant 16 : i32
          %mul3A_286 = vector.broadcast %mul3A_285 : i32 to vector<16xi32>
          %mul3A_287 = arith.muli %and3A_284, %mul3A_286 : vector<16xi32>
          %add3A_288 = vector.broadcast %add3A_101 : i32 to vector<16xi32>
          %add3A_289 = arith.addi %mul3A_287, %add3A_288 : vector<16xi32>
          %gather3A_290 = tpu.vector_load_idx %arg4[%add3A_289] : memref<512xf32, #tpu.memory_space<vmem>>[vector<16xi32>], vector<16xf32>,
          %swap3A_291 = arith.constant 0 : i32
          %swap3A_292 = arith.constant 0 : i32
          %swap3A_293 = tpu.memref_slice %arg5[%while3A_170, %scan3A_132, %swap3A_291, %swap3A_292] : memref<2x2x128x128xf32, #tpu.memory_space<vmem>> -> memref<1x1x128x128xf32, #tpu.memory_space<vmem>>
          %swap3A_294 = tpu.memref_squeeze %swap3A_293 : memref<1x1x128x128xf32, #tpu.memory_space<vmem>> -> memref<128x128xf32, #tpu.memory_space<vmem>>
          %swap3A_295 = arith.index_cast %while3A_190 : i32 to index
          %swap3A_296 = arith.constant 48 : index
          %swap3A_297 = tpu.vector_load %swap3A_294[%swap3A_295, %swap3A_296] {strides = array<i32>} : memref<128x128xf32, #tpu.memory_space<vmem>>, vector<16xf32>,
          tpu.vector_store %swap3A_294[%swap3A_295, %swap3A_296], %gather3A_290 {strides = array<i32>} : memref<128x128xf32, #tpu.memory_space<vmem>>, vector<16xf32>,
          %add3A_298 = arith.constant 64 : i32
          %add3A_299 = vector.broadcast %add3A_298 : i32 to vector<16xi32>
          %add3A_300 = arith.addi %add3A_299, %iota3A : vector<16xi32>
          %add3A_301 = vector.broadcast %sub3A_191 : i32 to vector<16xi32>
          %add3A_302 = arith.addi %add3A_300, %add3A_301 : vector<16xi32>
          %jit3A_303 = arith.constant 0 : i32
          %jit3A_304 = arith.constant 255 : i32
          %max3A_305 = vector.broadcast %jit3A_303 : i32 to vector<16xi32>
          %max3A_306 = arith.maxsi %max3A_305, %add3A_302 : vector<16xi32>
          %min3A_307 = vector.broadcast %jit3A_304 : i32 to vector<16xi32>
          %min3A_308 = arith.minsi %min3A_307, %max3A_306 : vector<16xi32>
          %and3A_309 = arith.constant 31 : i32
          %and3A_310 = vector.broadcast %and3A_309 : i32 to vector<16xi32>
          %and3A_311 = arith.andi %min3A_308, %and3A_310 : vector<16xi32>
          %mul3A_312 = arith.constant 16 : i32
          %mul3A_313 = vector.broadcast %mul3A_312 : i32 to vector<16xi32>
          %mul3A_314 = arith.muli %and3A_311, %mul3A_313 : vector<16xi32>
          %add3A_315 = vector.broadcast %add3A_101 : i32 to vector<16xi32>
          %add3A_316 = arith.addi %mul3A_314, %add3A_315 : vector<16xi32>
          %gather3A_317 = tpu.vector_load_idx %arg4[%add3A_316] : memref<512xf32, #tpu.memory_space<vmem>>[vector<16xi32>], vector<16xf32>,
          %swap3A_318 = arith.constant 0 : i32
          %swap3A_319 = arith.constant 0 : i32
          %swap3A_320 = tpu.memref_slice %arg5[%while3A_170, %scan3A_132, %swap3A_318, %swap3A_319] : memref<2x2x128x128xf32, #tpu.memory_space<vmem>> -> memref<1x1x128x128xf32, #tpu.memory_space<vmem>>
          %swap3A_321 = tpu.memref_squeeze %swap3A_320 : memref<1x1x128x128xf32, #tpu.memory_space<vmem>> -> memref<128x128xf32, #tpu.memory_space<vmem>>
          %swap3A_322 = arith.index_cast %while3A_190 : i32 to index
          %swap3A_323 = arith.constant 64 : index
          %swap3A_324 = tpu.vector_load %swap3A_321[%swap3A_322, %swap3A_323] {strides = array<i32>} : memref<128x128xf32, #tpu.memory_space<vmem>>, vector<16xf32>,
          tpu.vector_store %swap3A_321[%swap3A_322, %swap3A_323], %gather3A_317 {strides = array<i32>} : memref<128x128xf32, #tpu.memory_space<vmem>>, vector<16xf32>,
          %add3A_325 = arith.constant 80 : i32
          %add3A_326 = vector.broadcast %add3A_325 : i32 to vector<16xi32>
          %add3A_327 = arith.addi %add3A_326, %iota3A : vector<16xi32>
          %add3A_328 = vector.broadcast %sub3A_191 : i32 to vector<16xi32>
          %add3A_329 = arith.addi %add3A_327, %add3A_328 : vector<16xi32>
          %jit3A_330 = arith.constant 0 : i32
          %jit3A_331 = arith.constant 255 : i32
          %max3A_332 = vector.broadcast %jit3A_330 : i32 to vector<16xi32>
          %max3A_333 = arith.maxsi %max3A_332, %add3A_329 : vector<16xi32>
          %min3A_334 = vector.broadcast %jit3A_331 : i32 to vector<16xi32>
          %min3A_335 = arith.minsi %min3A_334, %max3A_333 : vector<16xi32>
          %and3A_336 = arith.constant 31 : i32
          %and3A_337 = vector.broadcast %and3A_336 : i32 to vector<16xi32>
          %and3A_338 = arith.andi %min3A_335, %and3A_337 : vector<16xi32>
          %mul3A_339 = arith.constant 16 : i32
          %mul3A_340 = vector.broadcast %mul3A_339 : i32 to vector<16xi32>
          %mul3A_341 = arith.muli %and3A_338, %mul3A_340 : vector<16xi32>
          %add3A_342 = vector.broadcast %add3A_101 : i32 to vector<16xi32>
          %add3A_343 = arith.addi %mul3A_341, %add3A_342 : vector<16xi32>
          %gather3A_344 = tpu.vector_load_idx %arg4[%add3A_343] : memref<512xf32, #tpu.memory_space<vmem>>[vector<16xi32>], vector<16xf32>,
          %swap3A_345 = arith.constant 0 : i32
          %swap3A_346 = arith.constant 0 : i32
          %swap3A_347 = tpu.memref_slice %arg5[%while3A_170, %scan3A_132, %swap3A_345, %swap3A_346] : memref<2x2x128x128xf32, #tpu.memory_space<vmem>> -> memref<1x1x128x128xf32, #tpu.memory_space<vmem>>
          %swap3A_348 = tpu.memref_squeeze %swap3A_347 : memref<1x1x128x128xf32, #tpu.memory_space<vmem>> -> memref<128x128xf32, #tpu.memory_space<vmem>>
          %swap3A_349 = arith.index_cast %while3A_190 : i32 to index
          %swap3A_350 = arith.constant 80 : index
          %swap3A_351 = tpu.vector_load %swap3A_348[%swap3A_349, %swap3A_350] {strides = array<i32>} : memref<128x128xf32, #tpu.memory_space<vmem>>, vector<16xf32>,
          tpu.vector_store %swap3A_348[%swap3A_349, %swap3A_350], %gather3A_344 {strides = array<i32>} : memref<128x128xf32, #tpu.memory_space<vmem>>, vector<16xf32>,
          %add3A_352 = arith.constant 96 : i32
          %add3A_353 = vector.broadcast %add3A_352 : i32 to vector<16xi32>
          %add3A_354 = arith.addi %add3A_353, %iota3A : vector<16xi32>
          %add3A_355 = vector.broadcast %sub3A_191 : i32 to vector<16xi32>
          %add3A_356 = arith.addi %add3A_354, %add3A_355 : vector<16xi32>
          %jit3A_357 = arith.constant 0 : i32
          %jit3A_358 = arith.constant 255 : i32
          %max3A_359 = vector.broadcast %jit3A_357 : i32 to vector<16xi32>
          %max3A_360 = arith.maxsi %max3A_359, %add3A_356 : vector<16xi32>
          %min3A_361 = vector.broadcast %jit3A_358 : i32 to vector<16xi32>
          %min3A_362 = arith.minsi %min3A_361, %max3A_360 : vector<16xi32>
          %and3A_363 = arith.constant 31 : i32
          %and3A_364 = vector.broadcast %and3A_363 : i32 to vector<16xi32>
          %and3A_365 = arith.andi %min3A_362, %and3A_364 : vector<16xi32>
          %mul3A_366 = arith.constant 16 : i32
          %mul3A_367 = vector.broadcast %mul3A_366 : i32 to vector<16xi32>
          %mul3A_368 = arith.muli %and3A_365, %mul3A_367 : vector<16xi32>
          %add3A_369 = vector.broadcast %add3A_101 : i32 to vector<16xi32>
          %add3A_370 = arith.addi %mul3A_368, %add3A_369 : vector<16xi32>
          %gather3A_371 = tpu.vector_load_idx %arg4[%add3A_370] : memref<512xf32, #tpu.memory_space<vmem>>[vector<16xi32>], vector<16xf32>,
          %swap3A_372 = arith.constant 0 : i32
          %swap3A_373 = arith.constant 0 : i32
          %swap3A_374 = tpu.memref_slice %arg5[%while3A_170, %scan3A_132, %swap3A_372, %swap3A_373] : memref<2x2x128x128xf32, #tpu.memory_space<vmem>> -> memref<1x1x128x128xf32, #tpu.memory_space<vmem>>
          %swap3A_375 = tpu.memref_squeeze %swap3A_374 : memref<1x1x128x128xf32, #tpu.memory_space<vmem>> -> memref<128x128xf32, #tpu.memory_space<vmem>>
          %swap3A_376 = arith.index_cast %while3A_190 : i32 to index
          %swap3A_377 = arith.constant 96 : index
          %swap3A_378 = tpu.vector_load %swap3A_375[%swap3A_376, %swap3A_377] {strides = array<i32>} : memref<128x128xf32, #tpu.memory_space<vmem>>, vector<16xf32>,
          tpu.vector_store %swap3A_375[%swap3A_376, %swap3A_377], %gather3A_371 {strides = array<i32>} : memref<128x128xf32, #tpu.memory_space<vmem>>, vector<16xf32>,
          %add3A_379 = arith.constant 112 : i32
          %add3A_380 = vector.broadcast %add3A_379 : i32 to vector<16xi32>
          %add3A_381 = arith.addi %add3A_380, %iota3A : vector<16xi32>
          %add3A_382 = vector.broadcast %sub3A_191 : i32 to vector<16xi32>
          %add3A_383 = arith.addi %add3A_381, %add3A_382 : vector<16xi32>
          %jit3A_384 = arith.constant 0 : i32
          %jit3A_385 = arith.constant 255 : i32
          %max3A_386 = vector.broadcast %jit3A_384 : i32 to vector<16xi32>
          %max3A_387 = arith.maxsi %max3A_386, %add3A_383 : vector<16xi32>
          %min3A_388 = vector.broadcast %jit3A_385 : i32 to vector<16xi32>
          %min3A_389 = arith.minsi %min3A_388, %max3A_387 : vector<16xi32>
          %and3A_390 = arith.constant 31 : i32
          %and3A_391 = vector.broadcast %and3A_390 : i32 to vector<16xi32>
          %and3A_392 = arith.andi %min3A_389, %and3A_391 : vector<16xi32>
          %mul3A_393 = arith.constant 16 : i32
          %mul3A_394 = vector.broadcast %mul3A_393 : i32 to vector<16xi32>
          %mul3A_395 = arith.muli %and3A_392, %mul3A_394 : vector<16xi32>
          %add3A_396 = vector.broadcast %add3A_101 : i32 to vector<16xi32>
          %add3A_397 = arith.addi %mul3A_395, %add3A_396 : vector<16xi32>
          %gather3A_398 = tpu.vector_load_idx %arg4[%add3A_397] : memref<512xf32, #tpu.memory_space<vmem>>[vector<16xi32>], vector<16xf32>,
          %swap3A_399 = arith.constant 0 : i32
          %swap3A_400 = arith.constant 0 : i32
          %swap3A_401 = tpu.memref_slice %arg5[%while3A_170, %scan3A_132, %swap3A_399, %swap3A_400] : memref<2x2x128x128xf32, #tpu.memory_space<vmem>> -> memref<1x1x128x128xf32, #tpu.memory_space<vmem>>
          %swap3A_402 = tpu.memref_squeeze %swap3A_401 : memref<1x1x128x128xf32, #tpu.memory_space<vmem>> -> memref<128x128xf32, #tpu.memory_space<vmem>>
          %swap3A_403 = arith.index_cast %while3A_190 : i32 to index
          %swap3A_404 = arith.constant 112 : index
          %swap3A_405 = tpu.vector_load %swap3A_402[%swap3A_403, %swap3A_404] {strides = array<i32>} : memref<128x128xf32, #tpu.memory_space<vmem>>, vector<16xf32>,
          tpu.vector_store %swap3A_402[%swap3A_403, %swap3A_404], %gather3A_398 {strides = array<i32>} : memref<128x128xf32, #tpu.memory_space<vmem>>, vector<16xf32>,
        }
        %while3A_178 = arith.constant 1 : i32
        scf.for %while3A_190 = %while3A_176 to %while3A_172 step %while3A_178  : i32 {
          %sub3A_191 = arith.subi %sub3A_157, %while3A_190 : i32
          %add3A_192 = arith.constant 0 : i32
          %add3A_193 = vector.broadcast %add3A_192 : i32 to vector<16xi32>
          %add3A_194 = arith.addi %add3A_193, %iota3A : vector<16xi32>
          %add3A_195 = vector.broadcast %sub3A_191 : i32 to vector<16xi32>
          %add3A_196 = arith.addi %add3A_194, %add3A_195 : vector<16xi32>
          %jit3A_197 = arith.constant 0 : i32
          %jit3A_198 = arith.constant 255 : i32
          %max3A_199 = vector.broadcast %jit3A_197 : i32 to vector<16xi32>
          %max3A_200 = arith.maxsi %max3A_199, %add3A_196 : vector<16xi32>
          %min3A_201 = vector.broadcast %jit3A_198 : i32 to vector<16xi32>
          %min3A_202 = arith.minsi %min3A_201, %max3A_200 : vector<16xi32>
          %and3A = arith.constant 31 : i32
          %and3A_203 = vector.broadcast %and3A : i32 to vector<16xi32>
          %and3A_204 = arith.andi %min3A_202, %and3A_203 : vector<16xi32>
          %mul3A_205 = arith.constant 16 : i32
          %mul3A_206 = vector.broadcast %mul3A_205 : i32 to vector<16xi32>
          %mul3A_207 = arith.muli %and3A_204, %mul3A_206 : vector<16xi32>
          %add3A_208 = vector.broadcast %add3A_101 : i32 to vector<16xi32>
          %add3A_209 = arith.addi %mul3A_207, %add3A_208 : vector<16xi32>
          %gather3A_210 = tpu.vector_load_idx %arg4[%add3A_209] : memref<512xf32, #tpu.memory_space<vmem>>[vector<16xi32>], vector<16xf32>,
          %swap3A = arith.constant 0 : i32
          %swap3A_211 = arith.constant 0 : i32
          %swap3A_212 = tpu.memref_slice %arg5[%while3A_170, %scan3A_132, %swap3A, %swap3A_211] : memref<2x2x128x128xf32, #tpu.memory_space<vmem>> -> memref<1x1x128x128xf32, #tpu.memory_space<vmem>>
          %swap3A_213 = tpu.memref_squeeze %swap3A_212 : memref<1x1x128x128xf32, #tpu.memory_space<vmem>> -> memref<128x128xf32, #tpu.memory_space<vmem>>
          %swap3A_214 = arith.index_cast %while3A_190 : i32 to index
          %swap3A_215 = arith.constant 0 : index
          %swap3A_216 = tpu.vector_load %swap3A_213[%swap3A_214, %swap3A_215] {strides = array<i32>} : memref<128x128xf32, #tpu.memory_space<vmem>>, vector<16xf32>,
          tpu.vector_store %swap3A_213[%swap3A_214, %swap3A_215], %gather3A_210 {strides = array<i32>} : memref<128x128xf32, #tpu.memory_space<vmem>>, vector<16xf32>,
          %add3A_217 = arith.constant 16 : i32
          %add3A_218 = vector.broadcast %add3A_217 : i32 to vector<16xi32>
          %add3A_219 = arith.addi %add3A_218, %iota3A : vector<16xi32>
          %add3A_220 = vector.broadcast %sub3A_191 : i32 to vector<16xi32>
          %add3A_221 = arith.addi %add3A_219, %add3A_220 : vector<16xi32>
          %jit3A_222 = arith.constant 0 : i32
          %jit3A_223 = arith.constant 255 : i32
          %max3A_224 = vector.broadcast %jit3A_222 : i32 to vector<16xi32>
          %max3A_225 = arith.maxsi %max3A_224, %add3A_221 : vector<16xi32>
          %min3A_226 = vector.broadcast %jit3A_223 : i32 to vector<16xi32>
          %min3A_227 = arith.minsi %min3A_226, %max3A_225 : vector<16xi32>
          %and3A_228 = arith.constant 31 : i32
          %and3A_229 = vector.broadcast %and3A_228 : i32 to vector<16xi32>
          %and3A_230 = arith.andi %min3A_227, %and3A_229 : vector<16xi32>
          %mul3A_231 = arith.constant 16 : i32
          %mul3A_232 = vector.broadcast %mul3A_231 : i32 to vector<16xi32>
          %mul3A_233 = arith.muli %and3A_230, %mul3A_232 : vector<16xi32>
          %add3A_234 = vector.broadcast %add3A_101 : i32 to vector<16xi32>
          %add3A_235 = arith.addi %mul3A_233, %add3A_234 : vector<16xi32>
          %gather3A_236 = tpu.vector_load_idx %arg4[%add3A_235] : memref<512xf32, #tpu.memory_space<vmem>>[vector<16xi32>], vector<16xf32>,
          %swap3A_237 = arith.constant 0 : i32
          %swap3A_238 = arith.constant 0 : i32
          %swap3A_239 = tpu.memref_slice %arg5[%while3A_170, %scan3A_132, %swap3A_237, %swap3A_238] : memref<2x2x128x128xf32, #tpu.memory_space<vmem>> -> memref<1x1x128x128xf32, #tpu.memory_space<vmem>>
          %swap3A_240 = tpu.memref_squeeze %swap3A_239 : memref<1x1x128x128xf32, #tpu.memory_space<vmem>> -> memref<128x128xf32, #tpu.memory_space<vmem>>
          %swap3A_241 = arith.index_cast %while3A_190 : i32 to index
          %swap3A_242 = arith.constant 16 : index
          %swap3A_243 = tpu.vector_load %swap3A_240[%swap3A_241, %swap3A_242] {strides = array<i32>} : memref<128x128xf32, #tpu.memory_space<vmem>>, vector<16xf32>,
          tpu.vector_store %swap3A_240[%swap3A_241, %swap3A_242], %gather3A_236 {strides = array<i32>} : memref<128x128xf32, #tpu.memory_space<vmem>>, vector<16xf32>,
          %add3A_244 = arith.constant 32 : i32
          %add3A_245 = vector.broadcast %add3A_244 : i32 to vector<16xi32>
          %add3A_246 = arith.addi %add3A_245, %iota3A : vector<16xi32>
          %add3A_247 = vector.broadcast %sub3A_191 : i32 to vector<16xi32>
          %add3A_248 = arith.addi %add3A_246, %add3A_247 : vector<16xi32>
          %jit3A_249 = arith.constant 0 : i32
          %jit3A_250 = arith.constant 255 : i32
          %max3A_251 = vector.broadcast %jit3A_249 : i32 to vector<16xi32>
          %max3A_252 = arith.maxsi %max3A_251, %add3A_248 : vector<16xi32>
          %min3A_253 = vector.broadcast %jit3A_250 : i32 to vector<16xi32>
          %min3A_254 = arith.minsi %min3A_253, %max3A_252 : vector<16xi32>
          %and3A_255 = arith.constant 31 : i32
          %and3A_256 = vector.broadcast %and3A_255 : i32 to vector<16xi32>
          %and3A_257 = arith.andi %min3A_254, %and3A_256 : vector<16xi32>
          %mul3A_258 = arith.constant 16 : i32
          %mul3A_259 = vector.broadcast %mul3A_258 : i32 to vector<16xi32>
          %mul3A_260 = arith.muli %and3A_257, %mul3A_259 : vector<16xi32>
          %add3A_261 = vector.broadcast %add3A_101 : i32 to vector<16xi32>
          %add3A_262 = arith.addi %mul3A_260, %add3A_261 : vector<16xi32>
          %gather3A_263 = tpu.vector_load_idx %arg4[%add3A_262] : memref<512xf32, #tpu.memory_space<vmem>>[vector<16xi32>], vector<16xf32>,
          %swap3A_264 = arith.constant 0 : i32
          %swap3A_265 = arith.constant 0 : i32
          %swap3A_266 = tpu.memref_slice %arg5[%while3A_170, %scan3A_132, %swap3A_264, %swap3A_265] : memref<2x2x128x128xf32, #tpu.memory_space<vmem>> -> memref<1x1x128x128xf32, #tpu.memory_space<vmem>>
          %swap3A_267 = tpu.memref_squeeze %swap3A_266 : memref<1x1x128x128xf32, #tpu.memory_space<vmem>> -> memref<128x128xf32, #tpu.memory_space<vmem>>
          %swap3A_268 = arith.index_cast %while3A_190 : i32 to index
          %swap3A_269 = arith.constant 32 : index
          %swap3A_270 = tpu.vector_load %swap3A_267[%swap3A_268, %swap3A_269] {strides = array<i32>} : memref<128x128xf32, #tpu.memory_space<vmem>>, vector<16xf32>,
          tpu.vector_store %swap3A_267[%swap3A_268, %swap3A_269], %gather3A_263 {strides = array<i32>} : memref<128x128xf32, #tpu.memory_space<vmem>>, vector<16xf32>,
          %add3A_271 = arith.constant 48 : i32
          %add3A_272 = vector.broadcast %add3A_271 : i32 to vector<16xi32>
          %add3A_273 = arith.addi %add3A_272, %iota3A : vector<16xi32>
          %add3A_274 = vector.broadcast %sub3A_191 : i32 to vector<16xi32>
          %add3A_275 = arith.addi %add3A_273, %add3A_274 : vector<16xi32>
          %jit3A_276 = arith.constant 0 : i32
          %jit3A_277 = arith.constant 255 : i32
          %max3A_278 = vector.broadcast %jit3A_276 : i32 to vector<16xi32>
          %max3A_279 = arith.maxsi %max3A_278, %add3A_275 : vector<16xi32>
          %min3A_280 = vector.broadcast %jit3A_277 : i32 to vector<16xi32>
          %min3A_281 = arith.minsi %min3A_280, %max3A_279 : vector<16xi32>
          %and3A_282 = arith.constant 31 : i32
          %and3A_283 = vector.broadcast %and3A_282 : i32 to vector<16xi32>
          %and3A_284 = arith.andi %min3A_281, %and3A_283 : vector<16xi32>
          %mul3A_285 = arith.constant 16 : i32
          %mul3A_286 = vector.broadcast %mul3A_285 : i32 to vector<16xi32>
          %mul3A_287 = arith.muli %and3A_284, %mul3A_286 : vector<16xi32>
          %add3A_288 = vector.broadcast %add3A_101 : i32 to vector<16xi32>
          %add3A_289 = arith.addi %mul3A_287, %add3A_288 : vector<16xi32>
          %gather3A_290 = tpu.vector_load_idx %arg4[%add3A_289] : memref<512xf32, #tpu.memory_space<vmem>>[vector<16xi32>], vector<16xf32>,
          %swap3A_291 = arith.constant 0 : i32
          %swap3A_292 = arith.constant 0 : i32
          %swap3A_293 = tpu.memref_slice %arg5[%while3A_170, %scan3A_132, %swap3A_291, %swap3A_292] : memref<2x2x128x128xf32, #tpu.memory_space<vmem>> -> memref<1x1x128x128xf32, #tpu.memory_space<vmem>>
          %swap3A_294 = tpu.memref_squeeze %swap3A_293 : memref<1x1x128x128xf32, #tpu.memory_space<vmem>> -> memref<128x128xf32, #tpu.memory_space<vmem>>
          %swap3A_295 = arith.index_cast %while3A_190 : i32 to index
          %swap3A_296 = arith.constant 48 : index
          %swap3A_297 = tpu.vector_load %swap3A_294[%swap3A_295, %swap3A_296] {strides = array<i32>} : memref<128x128xf32, #tpu.memory_space<vmem>>, vector<16xf32>,
          tpu.vector_store %swap3A_294[%swap3A_295, %swap3A_296], %gather3A_290 {strides = array<i32>} : memref<128x128xf32, #tpu.memory_space<vmem>>, vector<16xf32>,
          %add3A_298 = arith.constant 64 : i32
          %add3A_299 = vector.broadcast %add3A_298 : i32 to vector<16xi32>
          %add3A_300 = arith.addi %add3A_299, %iota3A : vector<16xi32>
          %add3A_301 = vector.broadcast %sub3A_191 : i32 to vector<16xi32>
          %add3A_302 = arith.addi %add3A_300, %add3A_301 : vector<16xi32>
          %jit3A_303 = arith.constant 0 : i32
          %jit3A_304 = arith.constant 255 : i32
          %max3A_305 = vector.broadcast %jit3A_303 : i32 to vector<16xi32>
          %max3A_306 = arith.maxsi %max3A_305, %add3A_302 : vector<16xi32>
          %min3A_307 = vector.broadcast %jit3A_304 : i32 to vector<16xi32>
          %min3A_308 = arith.minsi %min3A_307, %max3A_306 : vector<16xi32>
          %and3A_309 = arith.constant 31 : i32
          %and3A_310 = vector.broadcast %and3A_309 : i32 to vector<16xi32>
          %and3A_311 = arith.andi %min3A_308, %and3A_310 : vector<16xi32>
          %mul3A_312 = arith.constant 16 : i32
          %mul3A_313 = vector.broadcast %mul3A_312 : i32 to vector<16xi32>
          %mul3A_314 = arith.muli %and3A_311, %mul3A_313 : vector<16xi32>
          %add3A_315 = vector.broadcast %add3A_101 : i32 to vector<16xi32>
          %add3A_316 = arith.addi %mul3A_314, %add3A_315 : vector<16xi32>
          %gather3A_317 = tpu.vector_load_idx %arg4[%add3A_316] : memref<512xf32, #tpu.memory_space<vmem>>[vector<16xi32>], vector<16xf32>,
          %swap3A_318 = arith.constant 0 : i32
          %swap3A_319 = arith.constant 0 : i32
          %swap3A_320 = tpu.memref_slice %arg5[%while3A_170, %scan3A_132, %swap3A_318, %swap3A_319] : memref<2x2x128x128xf32, #tpu.memory_space<vmem>> -> memref<1x1x128x128xf32, #tpu.memory_space<vmem>>
          %swap3A_321 = tpu.memref_squeeze %swap3A_320 : memref<1x1x128x128xf32, #tpu.memory_space<vmem>> -> memref<128x128xf32, #tpu.memory_space<vmem>>
          %swap3A_322 = arith.index_cast %while3A_190 : i32 to index
          %swap3A_323 = arith.constant 64 : index
          %swap3A_324 = tpu.vector_load %swap3A_321[%swap3A_322, %swap3A_323] {strides = array<i32>} : memref<128x128xf32, #tpu.memory_space<vmem>>, vector<16xf32>,
          tpu.vector_store %swap3A_321[%swap3A_322, %swap3A_323], %gather3A_317 {strides = array<i32>} : memref<128x128xf32, #tpu.memory_space<vmem>>, vector<16xf32>,
          %add3A_325 = arith.constant 80 : i32
          %add3A_326 = vector.broadcast %add3A_325 : i32 to vector<16xi32>
          %add3A_327 = arith.addi %add3A_326, %iota3A : vector<16xi32>
          %add3A_328 = vector.broadcast %sub3A_191 : i32 to vector<16xi32>
          %add3A_329 = arith.addi %add3A_327, %add3A_328 : vector<16xi32>
          %jit3A_330 = arith.constant 0 : i32
          %jit3A_331 = arith.constant 255 : i32
          %max3A_332 = vector.broadcast %jit3A_330 : i32 to vector<16xi32>
          %max3A_333 = arith.maxsi %max3A_332, %add3A_329 : vector<16xi32>
          %min3A_334 = vector.broadcast %jit3A_331 : i32 to vector<16xi32>
          %min3A_335 = arith.minsi %min3A_334, %max3A_333 : vector<16xi32>
          %and3A_336 = arith.constant 31 : i32
          %and3A_337 = vector.broadcast %and3A_336 : i32 to vector<16xi32>
          %and3A_338 = arith.andi %min3A_335, %and3A_337 : vector<16xi32>
          %mul3A_339 = arith.constant 16 : i32
          %mul3A_340 = vector.broadcast %mul3A_339 : i32 to vector<16xi32>
          %mul3A_341 = arith.muli %and3A_338, %mul3A_340 : vector<16xi32>
          %add3A_342 = vector.broadcast %add3A_101 : i32 to vector<16xi32>
          %add3A_343 = arith.addi %mul3A_341, %add3A_342 : vector<16xi32>
          %gather3A_344 = tpu.vector_load_idx %arg4[%add3A_343] : memref<512xf32, #tpu.memory_space<vmem>>[vector<16xi32>], vector<16xf32>,
          %swap3A_345 = arith.constant 0 : i32
          %swap3A_346 = arith.constant 0 : i32
          %swap3A_347 = tpu.memref_slice %arg5[%while3A_170, %scan3A_132, %swap3A_345, %swap3A_346] : memref<2x2x128x128xf32, #tpu.memory_space<vmem>> -> memref<1x1x128x128xf32, #tpu.memory_space<vmem>>
          %swap3A_348 = tpu.memref_squeeze %swap3A_347 : memref<1x1x128x128xf32, #tpu.memory_space<vmem>> -> memref<128x128xf32, #tpu.memory_space<vmem>>
          %swap3A_349 = arith.index_cast %while3A_190 : i32 to index
          %swap3A_350 = arith.constant 80 : index
          %swap3A_351 = tpu.vector_load %swap3A_348[%swap3A_349, %swap3A_350] {strides = array<i32>} : memref<128x128xf32, #tpu.memory_space<vmem>>, vector<16xf32>,
          tpu.vector_store %swap3A_348[%swap3A_349, %swap3A_350], %gather3A_344 {strides = array<i32>} : memref<128x128xf32, #tpu.memory_space<vmem>>, vector<16xf32>,
          %add3A_352 = arith.constant 96 : i32
          %add3A_353 = vector.broadcast %add3A_352 : i32 to vector<16xi32>
          %add3A_354 = arith.addi %add3A_353, %iota3A : vector<16xi32>
          %add3A_355 = vector.broadcast %sub3A_191 : i32 to vector<16xi32>
          %add3A_356 = arith.addi %add3A_354, %add3A_355 : vector<16xi32>
          %jit3A_357 = arith.constant 0 : i32
          %jit3A_358 = arith.constant 255 : i32
          %max3A_359 = vector.broadcast %jit3A_357 : i32 to vector<16xi32>
          %max3A_360 = arith.maxsi %max3A_359, %add3A_356 : vector<16xi32>
          %min3A_361 = vector.broadcast %jit3A_358 : i32 to vector<16xi32>
          %min3A_362 = arith.minsi %min3A_361, %max3A_360 : vector<16xi32>
          %and3A_363 = arith.constant 31 : i32
          %and3A_364 = vector.broadcast %and3A_363 : i32 to vector<16xi32>
          %and3A_365 = arith.andi %min3A_362, %and3A_364 : vector<16xi32>
          %mul3A_366 = arith.constant 16 : i32
          %mul3A_367 = vector.broadcast %mul3A_366 : i32 to vector<16xi32>
          %mul3A_368 = arith.muli %and3A_365, %mul3A_367 : vector<16xi32>
          %add3A_369 = vector.broadcast %add3A_101 : i32 to vector<16xi32>
          %add3A_370 = arith.addi %mul3A_368, %add3A_369 : vector<16xi32>
          %gather3A_371 = tpu.vector_load_idx %arg4[%add3A_370] : memref<512xf32, #tpu.memory_space<vmem>>[vector<16xi32>], vector<16xf32>,
          %swap3A_372 = arith.constant 0 : i32
          %swap3A_373 = arith.constant 0 : i32
          %swap3A_374 = tpu.memref_slice %arg5[%while3A_170, %scan3A_132, %swap3A_372, %swap3A_373] : memref<2x2x128x128xf32, #tpu.memory_space<vmem>> -> memref<1x1x128x128xf32, #tpu.memory_space<vmem>>
          %swap3A_375 = tpu.memref_squeeze %swap3A_374 : memref<1x1x128x128xf32, #tpu.memory_space<vmem>> -> memref<128x128xf32, #tpu.memory_space<vmem>>
          %swap3A_376 = arith.index_cast %while3A_190 : i32 to index
          %swap3A_377 = arith.constant 96 : index
          %swap3A_378 = tpu.vector_load %swap3A_375[%swap3A_376, %swap3A_377] {strides = array<i32>} : memref<128x128xf32, #tpu.memory_space<vmem>>, vector<16xf32>,
          tpu.vector_store %swap3A_375[%swap3A_376, %swap3A_377], %gather3A_371 {strides = array<i32>} : memref<128x128xf32, #tpu.memory_space<vmem>>, vector<16xf32>,
          %add3A_379 = arith.constant 112 : i32
          %add3A_380 = vector.broadcast %add3A_379 : i32 to vector<16xi32>
          %add3A_381 = arith.addi %add3A_380, %iota3A : vector<16xi32>
          %add3A_382 = vector.broadcast %sub3A_191 : i32 to vector<16xi32>
          %add3A_383 = arith.addi %add3A_381, %add3A_382 : vector<16xi32>
          %jit3A_384 = arith.constant 0 : i32
          %jit3A_385 = arith.constant 255 : i32
          %max3A_386 = vector.broadcast %jit3A_384 : i32 to vector<16xi32>
          %max3A_387 = arith.maxsi %max3A_386, %add3A_383 : vector<16xi32>
          %min3A_388 = vector.broadcast %jit3A_385 : i32 to vector<16xi32>
          %min3A_389 = arith.minsi %min3A_388, %max3A_387 : vector<16xi32>
          %and3A_390 = arith.constant 31 : i32
          %and3A_391 = vector.broadcast %and3A_390 : i32 to vector<16xi32>
          %and3A_392 = arith.andi %min3A_389, %and3A_391 : vector<16xi32>
          %mul3A_393 = arith.constant 16 : i32
          %mul3A_394 = vector.broadcast %mul3A_393 : i32 to vector<16xi32>
          %mul3A_395 = arith.muli %and3A_392, %mul3A_394 : vector<16xi32>
          %add3A_396 = vector.broadcast %add3A_101 : i32 to vector<16xi32>
          %add3A_397 = arith.addi %mul3A_395, %add3A_396 : vector<16xi32>
          %gather3A_398 = tpu.vector_load_idx %arg4[%add3A_397] : memref<512xf32, #tpu.memory_space<vmem>>[vector<16xi32>], vector<16xf32>,
          %swap3A_399 = arith.constant 0 : i32
          %swap3A_400 = arith.constant 0 : i32
          %swap3A_401 = tpu.memref_slice %arg5[%while3A_170, %scan3A_132, %swap3A_399, %swap3A_400] : memref<2x2x128x128xf32, #tpu.memory_space<vmem>> -> memref<1x1x128x128xf32, #tpu.memory_space<vmem>>
          %swap3A_402 = tpu.memref_squeeze %swap3A_401 : memref<1x1x128x128xf32, #tpu.memory_space<vmem>> -> memref<128x128xf32, #tpu.memory_space<vmem>>
          %swap3A_403 = arith.index_cast %while3A_190 : i32 to index
          %swap3A_404 = arith.constant 112 : index
          %swap3A_405 = tpu.vector_load %swap3A_402[%swap3A_403, %swap3A_404] {strides = array<i32>} : memref<128x128xf32, #tpu.memory_space<vmem>>, vector<16xf32>,
          tpu.vector_store %swap3A_402[%swap3A_403, %swap3A_404], %gather3A_398 {strides = array<i32>} : memref<128x128xf32, #tpu.memory_space<vmem>>, vector<16xf32>,
        }
        %while3A_179 = arith.constant 0 : i32
        %while3A_180 = arith.constant 1 : i32
        %while3A_181 = arith.constant 128 : i32
        %while3A_182 = arith.subi %while3A_181, %min3A_151 : i32
        %while3A_183 = arith.addi %min3A_151, %while3A_182 : i32
        %while3A_184 = arith.constant 1 : i32
        %while3A_185 = arith.divsi %while3A_182, %while3A_184 : i32
        %while3A_186 = arith.muli %while3A_185, %while3A_184 : i32
        %while3A_187 = arith.addi %min3A_151, %while3A_186 : i32
        %while3A_188 = arith.constant 1 : i32
        scf.for %while3A_190 = %min3A_151 to %while3A_187 step %while3A_188  : i32 {
          %swap3A = arith.constant 0 : i32
          %swap3A_191 = arith.constant 0 : i32
          %swap3A_192 = tpu.memref_slice %arg5[%while3A_180, %scan3A_132, %swap3A, %swap3A_191] : memref<2x2x128x128xf32, #tpu.memory_space<vmem>> -> memref<1x1x128x128xf32, #tpu.memory_space<vmem>>
          %swap3A_193 = tpu.memref_squeeze %swap3A_192 : memref<1x1x128x128xf32, #tpu.memory_space<vmem>> -> memref<128x128xf32, #tpu.memory_space<vmem>>
          %swap3A_194 = arith.index_cast %while3A_190 : i32 to index
          %swap3A_195 = arith.constant 0 : index
          %swap3A_196 = tpu.vector_load %swap3A_193[%swap3A_194, %swap3A_195] {strides = array<i32>} : memref<128x128xf32, #tpu.memory_space<vmem>>, vector<16xf32>,
          tpu.vector_store %swap3A_193[%swap3A_194, %swap3A_195], %gather3A {strides = array<i32>} : memref<128x128xf32, #tpu.memory_space<vmem>>, vector<16xf32>,
          %swap3A_197 = arith.constant 0 : i32
          %swap3A_198 = arith.constant 0 : i32
          %swap3A_199 = tpu.memref_slice %arg5[%while3A_180, %scan3A_132, %swap3A_197, %swap3A_198] : memref<2x2x128x128xf32, #tpu.memory_space<vmem>> -> memref<1x1x128x128xf32, #tpu.memory_space<vmem>>
          %swap3A_200 = tpu.memref_squeeze %swap3A_199 : memref<1x1x128x128xf32, #tpu.memory_space<vmem>> -> memref<128x128xf32, #tpu.memory_space<vmem>>
          %swap3A_201 = arith.index_cast %while3A_190 : i32 to index
          %swap3A_202 = arith.constant 16 : index
          %swap3A_203 = tpu.vector_load %swap3A_200[%swap3A_201, %swap3A_202] {strides = array<i32>} : memref<128x128xf32, #tpu.memory_space<vmem>>, vector<16xf32>,
          tpu.vector_store %swap3A_200[%swap3A_201, %swap3A_202], %gather3A {strides = array<i32>} : memref<128x128xf32, #tpu.memory_space<vmem>>, vector<16xf32>,
          %swap3A_204 = arith.constant 0 : i32
          %swap3A_205 = arith.constant 0 : i32
          %swap3A_206 = tpu.memref_slice %arg5[%while3A_180, %scan3A_132, %swap3A_204, %swap3A_205] : memref<2x2x128x128xf32, #tpu.memory_space<vmem>> -> memref<1x1x128x128xf32, #tpu.memory_space<vmem>>
          %swap3A_207 = tpu.memref_squeeze %swap3A_206 : memref<1x1x128x128xf32, #tpu.memory_space<vmem>> -> memref<128x128xf32, #tpu.memory_space<vmem>>
          %swap3A_208 = arith.index_cast %while3A_190 : i32 to index
          %swap3A_209 = arith.constant 32 : index
          %swap3A_210 = tpu.vector_load %swap3A_207[%swap3A_208, %swap3A_209] {strides = array<i32>} : memref<128x128xf32, #tpu.memory_space<vmem>>, vector<16xf32>,
          tpu.vector_store %swap3A_207[%swap3A_208, %swap3A_209], %gather3A {strides = array<i32>} : memref<128x128xf32, #tpu.memory_space<vmem>>, vector<16xf32>,
          %swap3A_211 = arith.constant 0 : i32
          %swap3A_212 = arith.constant 0 : i32
          %swap3A_213 = tpu.memref_slice %arg5[%while3A_180, %scan3A_132, %swap3A_211, %swap3A_212] : memref<2x2x128x128xf32, #tpu.memory_space<vmem>> -> memref<1x1x128x128xf32, #tpu.memory_space<vmem>>
          %swap3A_214 = tpu.memref_squeeze %swap3A_213 : memref<1x1x128x128xf32, #tpu.memory_space<vmem>> -> memref<128x128xf32, #tpu.memory_space<vmem>>
          %swap3A_215 = arith.index_cast %while3A_190 : i32 to index
          %swap3A_216 = arith.constant 48 : index
          %swap3A_217 = tpu.vector_load %swap3A_214[%swap3A_215, %swap3A_216] {strides = array<i32>} : memref<128x128xf32, #tpu.memory_space<vmem>>, vector<16xf32>,
          tpu.vector_store %swap3A_214[%swap3A_215, %swap3A_216], %gather3A {strides = array<i32>} : memref<128x128xf32, #tpu.memory_space<vmem>>, vector<16xf32>,
          %swap3A_218 = arith.constant 0 : i32
          %swap3A_219 = arith.constant 0 : i32
          %swap3A_220 = tpu.memref_slice %arg5[%while3A_180, %scan3A_132, %swap3A_218, %swap3A_219] : memref<2x2x128x128xf32, #tpu.memory_space<vmem>> -> memref<1x1x128x128xf32, #tpu.memory_space<vmem>>
          %swap3A_221 = tpu.memref_squeeze %swap3A_220 : memref<1x1x128x128xf32, #tpu.memory_space<vmem>> -> memref<128x128xf32, #tpu.memory_space<vmem>>
          %swap3A_222 = arith.index_cast %while3A_190 : i32 to index
          %swap3A_223 = arith.constant 64 : index
          %swap3A_224 = tpu.vector_load %swap3A_221[%swap3A_222, %swap3A_223] {strides = array<i32>} : memref<128x128xf32, #tpu.memory_space<vmem>>, vector<16xf32>,
          tpu.vector_store %swap3A_221[%swap3A_222, %swap3A_223], %gather3A {strides = array<i32>} : memref<128x128xf32, #tpu.memory_space<vmem>>, vector<16xf32>,
          %swap3A_225 = arith.constant 0 : i32
          %swap3A_226 = arith.constant 0 : i32
          %swap3A_227 = tpu.memref_slice %arg5[%while3A_180, %scan3A_132, %swap3A_225, %swap3A_226] : memref<2x2x128x128xf32, #tpu.memory_space<vmem>> -> memref<1x1x128x128xf32, #tpu.memory_space<vmem>>
          %swap3A_228 = tpu.memref_squeeze %swap3A_227 : memref<1x1x128x128xf32, #tpu.memory_space<vmem>> -> memref<128x128xf32, #tpu.memory_space<vmem>>
          %swap3A_229 = arith.index_cast %while3A_190 : i32 to index
          %swap3A_230 = arith.constant 80 : index
          %swap3A_231 = tpu.vector_load %swap3A_228[%swap3A_229, %swap3A_230] {strides = array<i32>} : memref<128x128xf32, #tpu.memory_space<vmem>>, vector<16xf32>,
          tpu.vector_store %swap3A_228[%swap3A_229, %swap3A_230], %gather3A {strides = array<i32>} : memref<128x128xf32, #tpu.memory_space<vmem>>, vector<16xf32>,
          %swap3A_232 = arith.constant 0 : i32
          %swap3A_233 = arith.constant 0 : i32
          %swap3A_234 = tpu.memref_slice %arg5[%while3A_180, %scan3A_132, %swap3A_232, %swap3A_233] : memref<2x2x128x128xf32, #tpu.memory_space<vmem>> -> memref<1x1x128x128xf32, #tpu.memory_space<vmem>>
          %swap3A_235 = tpu.memref_squeeze %swap3A_234 : memref<1x1x128x128xf32, #tpu.memory_space<vmem>> -> memref<128x128xf32, #tpu.memory_space<vmem>>
          %swap3A_236 = arith.index_cast %while3A_190 : i32 to index
          %swap3A_237 = arith.constant 96 : index
          %swap3A_238 = tpu.vector_load %swap3A_235[%swap3A_236, %swap3A_237] {strides = array<i32>} : memref<128x128xf32, #tpu.memory_space<vmem>>, vector<16xf32>,
          tpu.vector_store %swap3A_235[%swap3A_236, %swap3A_237], %gather3A {strides = array<i32>} : memref<128x128xf32, #tpu.memory_space<vmem>>, vector<16xf32>,
          %swap3A_239 = arith.constant 0 : i32
          %swap3A_240 = arith.constant 0 : i32
          %swap3A_241 = tpu.memref_slice %arg5[%while3A_180, %scan3A_132, %swap3A_239, %swap3A_240] : memref<2x2x128x128xf32, #tpu.memory_space<vmem>> -> memref<1x1x128x128xf32, #tpu.memory_space<vmem>>
          %swap3A_242 = tpu.memref_squeeze %swap3A_241 : memref<1x1x128x128xf32, #tpu.memory_space<vmem>> -> memref<128x128xf32, #tpu.memory_space<vmem>>
          %swap3A_243 = arith.index_cast %while3A_190 : i32 to index
          %swap3A_244 = arith.constant 112 : index
          %swap3A_245 = tpu.vector_load %swap3A_242[%swap3A_243, %swap3A_244] {strides = array<i32>} : memref<128x128xf32, #tpu.memory_space<vmem>>, vector<16xf32>,
          tpu.vector_store %swap3A_242[%swap3A_243, %swap3A_244], %gather3A {strides = array<i32>} : memref<128x128xf32, #tpu.memory_space<vmem>>, vector<16xf32>,
        }
        %while3A_189 = arith.constant 1 : i32
        scf.for %while3A_190 = %while3A_187 to %while3A_183 step %while3A_189  : i32 {
          %swap3A = arith.constant 0 : i32
          %swap3A_191 = arith.constant 0 : i32
          %swap3A_192 = tpu.memref_slice %arg5[%while3A_180, %scan3A_132, %swap3A, %swap3A_191] : memref<2x2x128x128xf32, #tpu.memory_space<vmem>> -> memref<1x1x128x128xf32, #tpu.memory_space<vmem>>
          %swap3A_193 = tpu.memref_squeeze %swap3A_192 : memref<1x1x128x128xf32, #tpu.memory_space<vmem>> -> memref<128x128xf32, #tpu.memory_space<vmem>>
          %swap3A_194 = arith.index_cast %while3A_190 : i32 to index
          %swap3A_195 = arith.constant 0 : index
          %swap3A_196 = tpu.vector_load %swap3A_193[%swap3A_194, %swap3A_195] {strides = array<i32>} : memref<128x128xf32, #tpu.memory_space<vmem>>, vector<16xf32>,
          tpu.vector_store %swap3A_193[%swap3A_194, %swap3A_195], %gather3A {strides = array<i32>} : memref<128x128xf32, #tpu.memory_space<vmem>>, vector<16xf32>,
          %swap3A_197 = arith.constant 0 : i32
          %swap3A_198 = arith.constant 0 : i32
          %swap3A_199 = tpu.memref_slice %arg5[%while3A_180, %scan3A_132, %swap3A_197, %swap3A_198] : memref<2x2x128x128xf32, #tpu.memory_space<vmem>> -> memref<1x1x128x128xf32, #tpu.memory_space<vmem>>
          %swap3A_200 = tpu.memref_squeeze %swap3A_199 : memref<1x1x128x128xf32, #tpu.memory_space<vmem>> -> memref<128x128xf32, #tpu.memory_space<vmem>>
          %swap3A_201 = arith.index_cast %while3A_190 : i32 to index
          %swap3A_202 = arith.constant 16 : index
          %swap3A_203 = tpu.vector_load %swap3A_200[%swap3A_201, %swap3A_202] {strides = array<i32>} : memref<128x128xf32, #tpu.memory_space<vmem>>, vector<16xf32>,
          tpu.vector_store %swap3A_200[%swap3A_201, %swap3A_202], %gather3A {strides = array<i32>} : memref<128x128xf32, #tpu.memory_space<vmem>>, vector<16xf32>,
          %swap3A_204 = arith.constant 0 : i32
          %swap3A_205 = arith.constant 0 : i32
          %swap3A_206 = tpu.memref_slice %arg5[%while3A_180, %scan3A_132, %swap3A_204, %swap3A_205] : memref<2x2x128x128xf32, #tpu.memory_space<vmem>> -> memref<1x1x128x128xf32, #tpu.memory_space<vmem>>
          %swap3A_207 = tpu.memref_squeeze %swap3A_206 : memref<1x1x128x128xf32, #tpu.memory_space<vmem>> -> memref<128x128xf32, #tpu.memory_space<vmem>>
          %swap3A_208 = arith.index_cast %while3A_190 : i32 to index
          %swap3A_209 = arith.constant 32 : index
          %swap3A_210 = tpu.vector_load %swap3A_207[%swap3A_208, %swap3A_209] {strides = array<i32>} : memref<128x128xf32, #tpu.memory_space<vmem>>, vector<16xf32>,
          tpu.vector_store %swap3A_207[%swap3A_208, %swap3A_209], %gather3A {strides = array<i32>} : memref<128x128xf32, #tpu.memory_space<vmem>>, vector<16xf32>,
          %swap3A_211 = arith.constant 0 : i32
          %swap3A_212 = arith.constant 0 : i32
          %swap3A_213 = tpu.memref_slice %arg5[%while3A_180, %scan3A_132, %swap3A_211, %swap3A_212] : memref<2x2x128x128xf32, #tpu.memory_space<vmem>> -> memref<1x1x128x128xf32, #tpu.memory_space<vmem>>
          %swap3A_214 = tpu.memref_squeeze %swap3A_213 : memref<1x1x128x128xf32, #tpu.memory_space<vmem>> -> memref<128x128xf32, #tpu.memory_space<vmem>>
          %swap3A_215 = arith.index_cast %while3A_190 : i32 to index
          %swap3A_216 = arith.constant 48 : index
          %swap3A_217 = tpu.vector_load %swap3A_214[%swap3A_215, %swap3A_216] {strides = array<i32>} : memref<128x128xf32, #tpu.memory_space<vmem>>, vector<16xf32>,
          tpu.vector_store %swap3A_214[%swap3A_215, %swap3A_216], %gather3A {strides = array<i32>} : memref<128x128xf32, #tpu.memory_space<vmem>>, vector<16xf32>,
          %swap3A_218 = arith.constant 0 : i32
          %swap3A_219 = arith.constant 0 : i32
          %swap3A_220 = tpu.memref_slice %arg5[%while3A_180, %scan3A_132, %swap3A_218, %swap3A_219] : memref<2x2x128x128xf32, #tpu.memory_space<vmem>> -> memref<1x1x128x128xf32, #tpu.memory_space<vmem>>
          %swap3A_221 = tpu.memref_squeeze %swap3A_220 : memref<1x1x128x128xf32, #tpu.memory_space<vmem>> -> memref<128x128xf32, #tpu.memory_space<vmem>>
          %swap3A_222 = arith.index_cast %while3A_190 : i32 to index
          %swap3A_223 = arith.constant 64 : index
          %swap3A_224 = tpu.vector_load %swap3A_221[%swap3A_222, %swap3A_223] {strides = array<i32>} : memref<128x128xf32, #tpu.memory_space<vmem>>, vector<16xf32>,
          tpu.vector_store %swap3A_221[%swap3A_222, %swap3A_223], %gather3A {strides = array<i32>} : memref<128x128xf32, #tpu.memory_space<vmem>>, vector<16xf32>,
          %swap3A_225 = arith.constant 0 : i32
          %swap3A_226 = arith.constant 0 : i32
          %swap3A_227 = tpu.memref_slice %arg5[%while3A_180, %scan3A_132, %swap3A_225, %swap3A_226] : memref<2x2x128x128xf32, #tpu.memory_space<vmem>> -> memref<1x1x128x128xf32, #tpu.memory_space<vmem>>
          %swap3A_228 = tpu.memref_squeeze %swap3A_227 : memref<1x1x128x128xf32, #tpu.memory_space<vmem>> -> memref<128x128xf32, #tpu.memory_space<vmem>>
          %swap3A_229 = arith.index_cast %while3A_190 : i32 to index
          %swap3A_230 = arith.constant 80 : index
          %swap3A_231 = tpu.vector_load %swap3A_228[%swap3A_229, %swap3A_230] {strides = array<i32>} : memref<128x128xf32, #tpu.memory_space<vmem>>, vector<16xf32>,
          tpu.vector_store %swap3A_228[%swap3A_229, %swap3A_230], %gather3A {strides = array<i32>} : memref<128x128xf32, #tpu.memory_space<vmem>>, vector<16xf32>,
          %swap3A_232 = arith.constant 0 : i32
          %swap3A_233 = arith.constant 0 : i32
          %swap3A_234 = tpu.memref_slice %arg5[%while3A_180, %scan3A_132, %swap3A_232, %swap3A_233] : memref<2x2x128x128xf32, #tpu.memory_space<vmem>> -> memref<1x1x128x128xf32, #tpu.memory_space<vmem>>
          %swap3A_235 = tpu.memref_squeeze %swap3A_234 : memref<1x1x128x128xf32, #tpu.memory_space<vmem>> -> memref<128x128xf32, #tpu.memory_space<vmem>>
          %swap3A_236 = arith.index_cast %while3A_190 : i32 to index
          %swap3A_237 = arith.constant 96 : index
          %swap3A_238 = tpu.vector_load %swap3A_235[%swap3A_236, %swap3A_237] {strides = array<i32>} : memref<128x128xf32, #tpu.memory_space<vmem>>, vector<16xf32>,
          tpu.vector_store %swap3A_235[%swap3A_236, %swap3A_237], %gather3A {strides = array<i32>} : memref<128x128xf32, #tpu.memory_space<vmem>>, vector<16xf32>,
          %swap3A_239 = arith.constant 0 : i32
          %swap3A_240 = arith.constant 0 : i32
          %swap3A_241 = tpu.memref_slice %arg5[%while3A_180, %scan3A_132, %swap3A_239, %swap3A_240] : memref<2x2x128x128xf32, #tpu.memory_space<vmem>> -> memref<1x1x128x128xf32, #tpu.memory_space<vmem>>
          %swap3A_242 = tpu.memref_squeeze %swap3A_241 : memref<1x1x128x128xf32, #tpu.memory_space<vmem>> -> memref<128x128xf32, #tpu.memory_space<vmem>>
          %swap3A_243 = arith.index_cast %while3A_190 : i32 to index
          %swap3A_244 = arith.constant 112 : index
          %swap3A_245 = tpu.vector_load %swap3A_242[%swap3A_243, %swap3A_244] {strides = array<i32>} : memref<128x128xf32, #tpu.memory_space<vmem>>, vector<16xf32>,
          tpu.vector_store %swap3A_242[%swap3A_243, %swap3A_244], %gather3A {strides = array<i32>} : memref<128x128xf32, #tpu.memory_space<vmem>>, vector<16xf32>,
        }
      }
      %scan3A_107 = arith.constant 2 : i32
      %add3A_108 = arith.constant 1 : i32
      %add3A_109 = arith.addi %arg1, %add3A_108 : i32
      %while3A_110 = arith.constant 0 : i32
      %while3A_111 = arith.constant 0 : i32
      %while3A_112 = arith.subi %add3A_109, %while3A_111 : i32
      %while3A_113 = arith.addi %while3A_111, %while3A_112 : i32
      %while3A_114 = arith.constant 1 : i32
      %while3A_115 = arith.divsi %while3A_112, %while3A_114 : i32
      %while3A_116 = arith.muli %while3A_115, %while3A_114 : i32
      %while3A_117 = arith.addi %while3A_111, %while3A_116 : i32
      %while3A_118 = arith.constant 1 : i32
      scf.for %while3A_132 = %while3A_111 to %while3A_117 step %while3A_118  : i32 {
        %add3A_133 = arith.constant 15 : i32
        %add3A_134 = arith.addi %while3A_132, %add3A_133 : i32
        %sub3A = arith.subi %add3A_134, %arg1 : i32
        %mul3A_135 = arith.constant 128 : i32
        %mul3A_136 = arith.muli %sub3A, %mul3A_135 : i32
        %multiple_of3A = tpu.assume_multiple %mul3A_136, 128 : i32
        %mul3A_137 = arith.constant 128 : i32
        %mul3A_138 = arith.muli %while3A_132, %mul3A_137 : i32
        %multiple_of3A_139 = tpu.assume_multiple %mul3A_138, 128 : i32
        %dma_start3A = arith.constant 1 : i32
        %dma_start3A_140 = arith.constant 0 : i32
        %dma_start3A_141 = arith.constant 0 : i32
        %dma_start3A_142 = arith.constant 0 : i32
        %dma_start3A_143 = arith.constant 0 : i32
        %dma_start3A_144 = tpu.memref_slice %arg5[%dma_start3A, %dma_start3A_140, %dma_start3A_142, %dma_start3A_143] : memref<2x2x128x128xf32, #tpu.memory_space<vmem>> -> memref<1x1x128x128xf32, #tpu.memory_space<vmem>>
        %dma_start3A_145 = tpu.memref_squeeze %dma_start3A_144 : memref<1x1x128x128xf32, #tpu.memory_space<vmem>> -> memref<128x128xf32, #tpu.memory_space<vmem>>
        %dma_start3A_146 = tpu.memref_slice %arg3[%dma_start3A_141, %add3A_101, %multiple_of3A, %multiple_of3A_139] : memref<1x16x2048x2048xf32, #tpu.memory_space<hbm>> -> memref<1x1x128x128xf32, #tpu.memory_space<hbm>>
        %dma_start3A_147 = tpu.memref_squeeze %dma_start3A_146 : memref<1x1x128x128xf32, #tpu.memory_space<hbm>> -> memref<128x128xf32, #tpu.memory_space<hbm>>
        %dma_start3A_148 = tpu.memref_slice %arg3[%dma_start3A_141, %add3A_101, %multiple_of3A, %multiple_of3A_139] : memref<1x16x2048x2048xf32, #tpu.memory_space<hbm>> -> memref<1x1x128x128xf32, #tpu.memory_space<hbm>>
        %dma_start3A_149 = tpu.memref_squeeze %dma_start3A_148 : memref<1x1x128x128xf32, #tpu.memory_space<hbm>> -> memref<128x128xf32, #tpu.memory_space<hbm>>
        %dma_start3A_150 = arith.constant 0 : i32
        %dma_start3A_151 = arith.constant 0 : i32
        %dma_start3A_152 = tpu.memref_slice %arg5[%dma_start3A, %dma_start3A_140, %dma_start3A_150, %dma_start3A_151] : memref<2x2x128x128xf32, #tpu.memory_space<vmem>> -> memref<1x1x128x128xf32, #tpu.memory_space<vmem>>
        %dma_start3A_153 = tpu.memref_squeeze %dma_start3A_152 : memref<1x1x128x128xf32, #tpu.memory_space<vmem>> -> memref<128x128xf32, #tpu.memory_space<vmem>>
        tpu.enqueue_dma source(%dma_start3A_153 : memref<128x128xf32, #tpu.memory_space<vmem>>) target(%dma_start3A_149 : memref<128x128xf32, #tpu.memory_space<hbm>>) target_semaphore(%arg8 : memref<!tpu.dma_semaphore, #tpu.memory_space<semaphore_mem>>)
      }
      %while3A_119 = arith.constant 1 : i32
      scf.for %while3A_132 = %while3A_117 to %while3A_113 step %while3A_119  : i32 {
        %add3A_133 = arith.constant 15 : i32
        %add3A_134 = arith.addi %while3A_132, %add3A_133 : i32
        %sub3A = arith.subi %add3A_134, %arg1 : i32
        %mul3A_135 = arith.constant 128 : i32
        %mul3A_136 = arith.muli %sub3A, %mul3A_135 : i32
        %multiple_of3A = tpu.assume_multiple %mul3A_136, 128 : i32
        %mul3A_137 = arith.constant 128 : i32
        %mul3A_138 = arith.muli %while3A_132, %mul3A_137 : i32
        %multiple_of3A_139 = tpu.assume_multiple %mul3A_138, 128 : i32
        %dma_start3A = arith.constant 1 : i32
        %dma_start3A_140 = arith.constant 0 : i32
        %dma_start3A_141 = arith.constant 0 : i32
        %dma_start3A_142 = arith.constant 0 : i32
        %dma_start3A_143 = arith.constant 0 : i32
        %dma_start3A_144 = tpu.memref_slice %arg5[%dma_start3A, %dma_start3A_140, %dma_start3A_142, %dma_start3A_143] : memref<2x2x128x128xf32, #tpu.memory_space<vmem>> -> memref<1x1x128x128xf32, #tpu.memory_space<vmem>>
        %dma_start3A_145 = tpu.memref_squeeze %dma_start3A_144 : memref<1x1x128x128xf32, #tpu.memory_space<vmem>> -> memref<128x128xf32, #tpu.memory_space<vmem>>
        %dma_start3A_146 = tpu.memref_slice %arg3[%dma_start3A_141, %add3A_101, %multiple_of3A, %multiple_of3A_139] : memref<1x16x2048x2048xf32, #tpu.memory_space<hbm>> -> memref<1x1x128x128xf32, #tpu.memory_space<hbm>>
        %dma_start3A_147 = tpu.memref_squeeze %dma_start3A_146 : memref<1x1x128x128xf32, #tpu.memory_space<hbm>> -> memref<128x128xf32, #tpu.memory_space<hbm>>
        %dma_start3A_148 = tpu.memref_slice %arg3[%dma_start3A_141, %add3A_101, %multiple_of3A, %multiple_of3A_139] : memref<1x16x2048x2048xf32, #tpu.memory_space<hbm>> -> memref<1x1x128x128xf32, #tpu.memory_space<hbm>>
        %dma_start3A_149 = tpu.memref_squeeze %dma_start3A_148 : memref<1x1x128x128xf32, #tpu.memory_space<hbm>> -> memref<128x128xf32, #tpu.memory_space<hbm>>
        %dma_start3A_150 = arith.constant 0 : i32
        %dma_start3A_151 = arith.constant 0 : i32
        %dma_start3A_152 = tpu.memref_slice %arg5[%dma_start3A, %dma_start3A_140, %dma_start3A_150, %dma_start3A_151] : memref<2x2x128x128xf32, #tpu.memory_space<vmem>> -> memref<1x1x128x128xf32, #tpu.memory_space<vmem>>
        %dma_start3A_153 = tpu.memref_squeeze %dma_start3A_152 : memref<1x1x128x128xf32, #tpu.memory_space<vmem>> -> memref<128x128xf32, #tpu.memory_space<vmem>>
        tpu.enqueue_dma source(%dma_start3A_153 : memref<128x128xf32, #tpu.memory_space<vmem>>) target(%dma_start3A_149 : memref<128x128xf32, #tpu.memory_space<hbm>>) target_semaphore(%arg8 : memref<!tpu.dma_semaphore, #tpu.memory_space<semaphore_mem>>)
      }
      %add3A_120 = arith.constant 1 : i32
      %add3A_121 = arith.addi %arg1, %add3A_120 : i32
      %while3A_122 = arith.constant 0 : i32
      %while3A_123 = arith.constant 16 : i32
      %while3A_124 = arith.subi %while3A_123, %add3A_121 : i32
      %while3A_125 = arith.addi %add3A_121, %while3A_124 : i32
      %while3A_126 = arith.constant 1 : i32
      %while3A_127 = arith.divsi %while3A_124, %while3A_126 : i32
      %while3A_128 = arith.muli %while3A_127, %while3A_126 : i32
      %while3A_129 = arith.addi %add3A_121, %while3A_128 : i32
      %while3A_130 = arith.constant 1 : i32
      scf.for %while3A_132 = %add3A_121 to %while3A_129 step %while3A_130  : i32 {
        %add3A_133 = arith.constant 15 : i32
        %add3A_134 = arith.addi %while3A_132, %add3A_133 : i32
        %sub3A = arith.subi %add3A_134, %add3A_1 : i32
        %mul3A_135 = arith.constant 128 : i32
        %mul3A_136 = arith.muli %sub3A, %mul3A_135 : i32
        %multiple_of3A = tpu.assume_multiple %mul3A_136, 128 : i32
        %mul3A_137 = arith.constant 128 : i32
        %mul3A_138 = arith.muli %while3A_132, %mul3A_137 : i32
        %multiple_of3A_139 = tpu.assume_multiple %mul3A_138, 128 : i32
        %dma_start3A = arith.constant 1 : i32
        %dma_start3A_140 = arith.constant 1 : i32
        %dma_start3A_141 = arith.constant 0 : i32
        %dma_start3A_142 = arith.constant 0 : i32
        %dma_start3A_143 = arith.constant 0 : i32
        %dma_start3A_144 = tpu.memref_slice %arg5[%dma_start3A, %dma_start3A_140, %dma_start3A_142, %dma_start3A_143] : memref<2x2x128x128xf32, #tpu.memory_space<vmem>> -> memref<1x1x128x128xf32, #tpu.memory_space<vmem>>
        %dma_start3A_145 = tpu.memref_squeeze %dma_start3A_144 : memref<1x1x128x128xf32, #tpu.memory_space<vmem>> -> memref<128x128xf32, #tpu.memory_space<vmem>>
        %dma_start3A_146 = tpu.memref_slice %arg3[%dma_start3A_141, %add3A_101, %multiple_of3A, %multiple_of3A_139] : memref<1x16x2048x2048xf32, #tpu.memory_space<hbm>> -> memref<1x1x128x128xf32, #tpu.memory_space<hbm>>
        %dma_start3A_147 = tpu.memref_squeeze %dma_start3A_146 : memref<1x1x128x128xf32, #tpu.memory_space<hbm>> -> memref<128x128xf32, #tpu.memory_space<hbm>>
        %dma_start3A_148 = tpu.memref_slice %arg3[%dma_start3A_141, %add3A_101, %multiple_of3A, %multiple_of3A_139] : memref<1x16x2048x2048xf32, #tpu.memory_space<hbm>> -> memref<1x1x128x128xf32, #tpu.memory_space<hbm>>
        %dma_start3A_149 = tpu.memref_squeeze %dma_start3A_148 : memref<1x1x128x128xf32, #tpu.memory_space<hbm>> -> memref<128x128xf32, #tpu.memory_space<hbm>>
        %dma_start3A_150 = arith.constant 0 : i32
        %dma_start3A_151 = arith.constant 0 : i32
        %dma_start3A_152 = tpu.memref_slice %arg5[%dma_start3A, %dma_start3A_140, %dma_start3A_150, %dma_start3A_151] : memref<2x2x128x128xf32, #tpu.memory_space<vmem>> -> memref<1x1x128x128xf32, #tpu.memory_space<vmem>>
        %dma_start3A_153 = tpu.memref_squeeze %dma_start3A_152 : memref<1x1x128x128xf32, #tpu.memory_space<vmem>> -> memref<128x128xf32, #tpu.memory_space<vmem>>
        tpu.enqueue_dma source(%dma_start3A_153 : memref<128x128xf32, #tpu.memory_space<vmem>>) target(%dma_start3A_149 : memref<128x128xf32, #tpu.memory_space<hbm>>) target_semaphore(%arg9 : memref<!tpu.dma_semaphore, #tpu.memory_space<semaphore_mem>>)
      }
      %while3A_131 = arith.constant 1 : i32
      scf.for %while3A_132 = %while3A_129 to %while3A_125 step %while3A_131  : i32 {
        %add3A_133 = arith.constant 15 : i32
        %add3A_134 = arith.addi %while3A_132, %add3A_133 : i32
        %sub3A = arith.subi %add3A_134, %add3A_1 : i32
        %mul3A_135 = arith.constant 128 : i32
        %mul3A_136 = arith.muli %sub3A, %mul3A_135 : i32
        %multiple_of3A = tpu.assume_multiple %mul3A_136, 128 : i32
        %mul3A_137 = arith.constant 128 : i32
        %mul3A_138 = arith.muli %while3A_132, %mul3A_137 : i32
        %multiple_of3A_139 = tpu.assume_multiple %mul3A_138, 128 : i32
        %dma_start3A = arith.constant 1 : i32
        %dma_start3A_140 = arith.constant 1 : i32
        %dma_start3A_141 = arith.constant 0 : i32
        %dma_start3A_142 = arith.constant 0 : i32
        %dma_start3A_143 = arith.constant 0 : i32
        %dma_start3A_144 = tpu.memref_slice %arg5[%dma_start3A, %dma_start3A_140, %dma_start3A_142, %dma_start3A_143] : memref<2x2x128x128xf32, #tpu.memory_space<vmem>> -> memref<1x1x128x128xf32, #tpu.memory_space<vmem>>
        %dma_start3A_145 = tpu.memref_squeeze %dma_start3A_144 : memref<1x1x128x128xf32, #tpu.memory_space<vmem>> -> memref<128x128xf32, #tpu.memory_space<vmem>>
        %dma_start3A_146 = tpu.memref_slice %arg3[%dma_start3A_141, %add3A_101, %multiple_of3A, %multiple_of3A_139] : memref<1x16x2048x2048xf32, #tpu.memory_space<hbm>> -> memref<1x1x128x128xf32, #tpu.memory_space<hbm>>
        %dma_start3A_147 = tpu.memref_squeeze %dma_start3A_146 : memref<1x1x128x128xf32, #tpu.memory_space<hbm>> -> memref<128x128xf32, #tpu.memory_space<hbm>>
        %dma_start3A_148 = tpu.memref_slice %arg3[%dma_start3A_141, %add3A_101, %multiple_of3A, %multiple_of3A_139] : memref<1x16x2048x2048xf32, #tpu.memory_space<hbm>> -> memref<1x1x128x128xf32, #tpu.memory_space<hbm>>
        %dma_start3A_149 = tpu.memref_squeeze %dma_start3A_148 : memref<1x1x128x128xf32, #tpu.memory_space<hbm>> -> memref<128x128xf32, #tpu.memory_space<hbm>>
        %dma_start3A_150 = arith.constant 0 : i32
        %dma_start3A_151 = arith.constant 0 : i32
        %dma_start3A_152 = tpu.memref_slice %arg5[%dma_start3A, %dma_start3A_140, %dma_start3A_150, %dma_start3A_151] : memref<2x2x128x128xf32, #tpu.memory_space<vmem>> -> memref<1x1x128x128xf32, #tpu.memory_space<vmem>>
        %dma_start3A_153 = tpu.memref_squeeze %dma_start3A_152 : memref<1x1x128x128xf32, #tpu.memory_space<vmem>> -> memref<128x128xf32, #tpu.memory_space<vmem>>
        tpu.enqueue_dma source(%dma_start3A_153 : memref<128x128xf32, #tpu.memory_space<vmem>>) target(%dma_start3A_149 : memref<128x128xf32, #tpu.memory_space<hbm>>) target_semaphore(%arg9 : memref<!tpu.dma_semaphore, #tpu.memory_space<semaphore_mem>>)
      }
    }
    %scan3A_6 = arith.constant 4 : i32
    %add3A_7 = arith.constant 1 : i32
    %add3A_8 = arith.addi %arg1, %add3A_7 : i32
    %while3A = arith.constant 0 : i32
    %while3A_9 = arith.constant 0 : i32
    %while3A_10 = arith.subi %add3A_8, %while3A_9 : i32
    %while3A_11 = arith.addi %while3A_9, %while3A_10 : i32
    %while3A_12 = arith.constant 1 : i32
    %while3A_13 = arith.divsi %while3A_10, %while3A_12 : i32
    %while3A_14 = arith.muli %while3A_13, %while3A_12 : i32
    %while3A_15 = arith.addi %while3A_9, %while3A_14 : i32
    %while3A_16 = arith.constant 1 : i32
    scf.for %while3A_54 = %while3A_9 to %while3A_15 step %while3A_16  : i32 {
      %add3A_55 = arith.constant 15 : i32
      %add3A_56 = arith.addi %while3A_54, %add3A_55 : i32
      %sub3A = arith.subi %add3A_56, %arg1 : i32
      %mul3A_57 = arith.constant 128 : i32
      %mul3A_58 = arith.muli %sub3A, %mul3A_57 : i32
      %multiple_of3A = tpu.assume_multiple %mul3A_58, 128 : i32
      %mul3A_59 = arith.constant 128 : i32
      %mul3A_60 = arith.muli %while3A_54, %mul3A_59 : i32
      %multiple_of3A_61 = tpu.assume_multiple %mul3A_60, 128 : i32
      %dma_wait3A = arith.constant 0 : i32
      %dma_wait3A_62 = arith.constant 0 : i32
      %dma_wait3A_63 = arith.constant 0 : i32
      %dma_wait3A_64 = arith.constant 0 : i32
      %dma_wait3A_65 = arith.constant 0 : i32
      %dma_wait3A_66 = tpu.memref_slice %arg5[%dma_wait3A, %dma_wait3A_62, %dma_wait3A_64, %dma_wait3A_65] : memref<2x2x128x128xf32, #tpu.memory_space<vmem>> -> memref<1x1x128x128xf32, #tpu.memory_space<vmem>>
      %dma_wait3A_67 = tpu.memref_squeeze %dma_wait3A_66 : memref<1x1x128x128xf32, #tpu.memory_space<vmem>> -> memref<128x128xf32, #tpu.memory_space<vmem>>
      %dma_wait3A_68 = tpu.memref_slice %arg3[%dma_wait3A_63, %mul3A_0, %multiple_of3A, %multiple_of3A_61] : memref<1x16x2048x2048xf32, #tpu.memory_space<hbm>> -> memref<1x1x128x128xf32, #tpu.memory_space<hbm>>
      %dma_wait3A_69 = tpu.memref_squeeze %dma_wait3A_68 : memref<1x1x128x128xf32, #tpu.memory_space<hbm>> -> memref<128x128xf32, #tpu.memory_space<hbm>>
      %dma_wait3A_70 = tpu.memref_slice %arg3[%dma_wait3A_63, %mul3A_0, %multiple_of3A, %multiple_of3A_61] : memref<1x16x2048x2048xf32, #tpu.memory_space<hbm>> -> memref<1x1x128x128xf32, #tpu.memory_space<hbm>>
      %dma_wait3A_71 = tpu.memref_squeeze %dma_wait3A_70 : memref<1x1x128x128xf32, #tpu.memory_space<hbm>> -> memref<128x128xf32, #tpu.memory_space<hbm>>
      %dma_wait3A_72 = arith.constant 0 : i32
      %dma_wait3A_73 = arith.constant 0 : i32
      %dma_wait3A_74 = tpu.memref_slice %arg5[%dma_wait3A, %dma_wait3A_62, %dma_wait3A_72, %dma_wait3A_73] : memref<2x2x128x128xf32, #tpu.memory_space<vmem>> -> memref<1x1x128x128xf32, #tpu.memory_space<vmem>>
      %dma_wait3A_75 = tpu.memref_squeeze %dma_wait3A_74 : memref<1x1x128x128xf32, #tpu.memory_space<vmem>> -> memref<128x128xf32, #tpu.memory_space<vmem>>
      tpu.wait_dma2 semaphore(%arg6 : memref<!tpu.dma_semaphore, #tpu.memory_space<semaphore_mem>>) src(%dma_wait3A_75 : memref<128x128xf32, #tpu.memory_space<vmem>>) dst(%dma_wait3A_71 : memref<128x128xf32, #tpu.memory_space<hbm>>)
    }
    %while3A_17 = arith.constant 1 : i32
    scf.for %while3A_54 = %while3A_15 to %while3A_11 step %while3A_17  : i32 {
      %add3A_55 = arith.constant 15 : i32
      %add3A_56 = arith.addi %while3A_54, %add3A_55 : i32
      %sub3A = arith.subi %add3A_56, %arg1 : i32
      %mul3A_57 = arith.constant 128 : i32
      %mul3A_58 = arith.muli %sub3A, %mul3A_57 : i32
      %multiple_of3A = tpu.assume_multiple %mul3A_58, 128 : i32
      %mul3A_59 = arith.constant 128 : i32
      %mul3A_60 = arith.muli %while3A_54, %mul3A_59 : i32
      %multiple_of3A_61 = tpu.assume_multiple %mul3A_60, 128 : i32
      %dma_wait3A = arith.constant 0 : i32
      %dma_wait3A_62 = arith.constant 0 : i32
      %dma_wait3A_63 = arith.constant 0 : i32
      %dma_wait3A_64 = arith.constant 0 : i32
      %dma_wait3A_65 = arith.constant 0 : i32
      %dma_wait3A_66 = tpu.memref_slice %arg5[%dma_wait3A, %dma_wait3A_62, %dma_wait3A_64, %dma_wait3A_65] : memref<2x2x128x128xf32, #tpu.memory_space<vmem>> -> memref<1x1x128x128xf32, #tpu.memory_space<vmem>>
      %dma_wait3A_67 = tpu.memref_squeeze %dma_wait3A_66 : memref<1x1x128x128xf32, #tpu.memory_space<vmem>> -> memref<128x128xf32, #tpu.memory_space<vmem>>
      %dma_wait3A_68 = tpu.memref_slice %arg3[%dma_wait3A_63, %mul3A_0, %multiple_of3A, %multiple_of3A_61] : memref<1x16x2048x2048xf32, #tpu.memory_space<hbm>> -> memref<1x1x128x128xf32, #tpu.memory_space<hbm>>
      %dma_wait3A_69 = tpu.memref_squeeze %dma_wait3A_68 : memref<1x1x128x128xf32, #tpu.memory_space<hbm>> -> memref<128x128xf32, #tpu.memory_space<hbm>>
      %dma_wait3A_70 = tpu.memref_slice %arg3[%dma_wait3A_63, %mul3A_0, %multiple_of3A, %multiple_of3A_61] : memref<1x16x2048x2048xf32, #tpu.memory_space<hbm>> -> memref<1x1x128x128xf32, #tpu.memory_space<hbm>>
      %dma_wait3A_71 = tpu.memref_squeeze %dma_wait3A_70 : memref<1x1x128x128xf32, #tpu.memory_space<hbm>> -> memref<128x128xf32, #tpu.memory_space<hbm>>
      %dma_wait3A_72 = arith.constant 0 : i32
      %dma_wait3A_73 = arith.constant 0 : i32
      %dma_wait3A_74 = tpu.memref_slice %arg5[%dma_wait3A, %dma_wait3A_62, %dma_wait3A_72, %dma_wait3A_73] : memref<2x2x128x128xf32, #tpu.memory_space<vmem>> -> memref<1x1x128x128xf32, #tpu.memory_space<vmem>>
      %dma_wait3A_75 = tpu.memref_squeeze %dma_wait3A_74 : memref<1x1x128x128xf32, #tpu.memory_space<vmem>> -> memref<128x128xf32, #tpu.memory_space<vmem>>
      tpu.wait_dma2 semaphore(%arg6 : memref<!tpu.dma_semaphore, #tpu.memory_space<semaphore_mem>>) src(%dma_wait3A_75 : memref<128x128xf32, #tpu.memory_space<vmem>>) dst(%dma_wait3A_71 : memref<128x128xf32, #tpu.memory_space<hbm>>)
    }
    %add3A_18 = arith.constant 1 : i32
    %add3A_19 = arith.addi %arg1, %add3A_18 : i32
    %while3A_20 = arith.constant 0 : i32
    %while3A_21 = arith.constant 16 : i32
    %while3A_22 = arith.subi %while3A_21, %add3A_19 : i32
    %while3A_23 = arith.addi %add3A_19, %while3A_22 : i32
    %while3A_24 = arith.constant 1 : i32
    %while3A_25 = arith.divsi %while3A_22, %while3A_24 : i32
    %while3A_26 = arith.muli %while3A_25, %while3A_24 : i32
    %while3A_27 = arith.addi %add3A_19, %while3A_26 : i32
    %while3A_28 = arith.constant 1 : i32
    scf.for %while3A_54 = %add3A_19 to %while3A_27 step %while3A_28  : i32 {
      %add3A_55 = arith.constant 15 : i32
      %add3A_56 = arith.addi %while3A_54, %add3A_55 : i32
      %sub3A = arith.subi %add3A_56, %add3A_1 : i32
      %mul3A_57 = arith.constant 128 : i32
      %mul3A_58 = arith.muli %sub3A, %mul3A_57 : i32
      %multiple_of3A = tpu.assume_multiple %mul3A_58, 128 : i32
      %mul3A_59 = arith.constant 128 : i32
      %mul3A_60 = arith.muli %while3A_54, %mul3A_59 : i32
      %multiple_of3A_61 = tpu.assume_multiple %mul3A_60, 128 : i32
      %dma_wait3A = arith.constant 0 : i32
      %dma_wait3A_62 = arith.constant 1 : i32
      %dma_wait3A_63 = arith.constant 0 : i32
      %dma_wait3A_64 = arith.constant 0 : i32
      %dma_wait3A_65 = arith.constant 0 : i32
      %dma_wait3A_66 = tpu.memref_slice %arg5[%dma_wait3A, %dma_wait3A_62, %dma_wait3A_64, %dma_wait3A_65] : memref<2x2x128x128xf32, #tpu.memory_space<vmem>> -> memref<1x1x128x128xf32, #tpu.memory_space<vmem>>
      %dma_wait3A_67 = tpu.memref_squeeze %dma_wait3A_66 : memref<1x1x128x128xf32, #tpu.memory_space<vmem>> -> memref<128x128xf32, #tpu.memory_space<vmem>>
      %dma_wait3A_68 = tpu.memref_slice %arg3[%dma_wait3A_63, %mul3A_0, %multiple_of3A, %multiple_of3A_61] : memref<1x16x2048x2048xf32, #tpu.memory_space<hbm>> -> memref<1x1x128x128xf32, #tpu.memory_space<hbm>>
      %dma_wait3A_69 = tpu.memref_squeeze %dma_wait3A_68 : memref<1x1x128x128xf32, #tpu.memory_space<hbm>> -> memref<128x128xf32, #tpu.memory_space<hbm>>
      %dma_wait3A_70 = tpu.memref_slice %arg3[%dma_wait3A_63, %mul3A_0, %multiple_of3A, %multiple_of3A_61] : memref<1x16x2048x2048xf32, #tpu.memory_space<hbm>> -> memref<1x1x128x128xf32, #tpu.memory_space<hbm>>
      %dma_wait3A_71 = tpu.memref_squeeze %dma_wait3A_70 : memref<1x1x128x128xf32, #tpu.memory_space<hbm>> -> memref<128x128xf32, #tpu.memory_space<hbm>>
      %dma_wait3A_72 = arith.constant 0 : i32
      %dma_wait3A_73 = arith.constant 0 : i32
      %dma_wait3A_74 = tpu.memref_slice %arg5[%dma_wait3A, %dma_wait3A_62, %dma_wait3A_72, %dma_wait3A_73] : memref<2x2x128x128xf32, #tpu.memory_space<vmem>> -> memref<1x1x128x128xf32, #tpu.memory_space<vmem>>
      %dma_wait3A_75 = tpu.memref_squeeze %dma_wait3A_74 : memref<1x1x128x128xf32, #tpu.memory_space<vmem>> -> memref<128x128xf32, #tpu.memory_space<vmem>>
      tpu.wait_dma2 semaphore(%arg7 : memref<!tpu.dma_semaphore, #tpu.memory_space<semaphore_mem>>) src(%dma_wait3A_75 : memref<128x128xf32, #tpu.memory_space<vmem>>) dst(%dma_wait3A_71 : memref<128x128xf32, #tpu.memory_space<hbm>>)
    }
    %while3A_29 = arith.constant 1 : i32
    scf.for %while3A_54 = %while3A_27 to %while3A_23 step %while3A_29  : i32 {
      %add3A_55 = arith.constant 15 : i32
      %add3A_56 = arith.addi %while3A_54, %add3A_55 : i32
      %sub3A = arith.subi %add3A_56, %add3A_1 : i32
      %mul3A_57 = arith.constant 128 : i32
      %mul3A_58 = arith.muli %sub3A, %mul3A_57 : i32
      %multiple_of3A = tpu.assume_multiple %mul3A_58, 128 : i32
      %mul3A_59 = arith.constant 128 : i32
      %mul3A_60 = arith.muli %while3A_54, %mul3A_59 : i32
      %multiple_of3A_61 = tpu.assume_multiple %mul3A_60, 128 : i32
      %dma_wait3A = arith.constant 0 : i32
      %dma_wait3A_62 = arith.constant 1 : i32
      %dma_wait3A_63 = arith.constant 0 : i32
      %dma_wait3A_64 = arith.constant 0 : i32
      %dma_wait3A_65 = arith.constant 0 : i32
      %dma_wait3A_66 = tpu.memref_slice %arg5[%dma_wait3A, %dma_wait3A_62, %dma_wait3A_64, %dma_wait3A_65] : memref<2x2x128x128xf32, #tpu.memory_space<vmem>> -> memref<1x1x128x128xf32, #tpu.memory_space<vmem>>
      %dma_wait3A_67 = tpu.memref_squeeze %dma_wait3A_66 : memref<1x1x128x128xf32, #tpu.memory_space<vmem>> -> memref<128x128xf32, #tpu.memory_space<vmem>>
      %dma_wait3A_68 = tpu.memref_slice %arg3[%dma_wait3A_63, %mul3A_0, %multiple_of3A, %multiple_of3A_61] : memref<1x16x2048x2048xf32, #tpu.memory_space<hbm>> -> memref<1x1x128x128xf32, #tpu.memory_space<hbm>>
      %dma_wait3A_69 = tpu.memref_squeeze %dma_wait3A_68 : memref<1x1x128x128xf32, #tpu.memory_space<hbm>> -> memref<128x128xf32, #tpu.memory_space<hbm>>
      %dma_wait3A_70 = tpu.memref_slice %arg3[%dma_wait3A_63, %mul3A_0, %multiple_of3A, %multiple_of3A_61] : memref<1x16x2048x2048xf32, #tpu.memory_space<hbm>> -> memref<1x1x128x128xf32, #tpu.memory_space<hbm>>
      %dma_wait3A_71 = tpu.memref_squeeze %dma_wait3A_70 : memref<1x1x128x128xf32, #tpu.memory_space<hbm>> -> memref<128x128xf32, #tpu.memory_space<hbm>>
      %dma_wait3A_72 = arith.constant 0 : i32
      %dma_wait3A_73 = arith.constant 0 : i32
      %dma_wait3A_74 = tpu.memref_slice %arg5[%dma_wait3A, %dma_wait3A_62, %dma_wait3A_72, %dma_wait3A_73] : memref<2x2x128x128xf32, #tpu.memory_space<vmem>> -> memref<1x1x128x128xf32, #tpu.memory_space<vmem>>
      %dma_wait3A_75 = tpu.memref_squeeze %dma_wait3A_74 : memref<1x1x128x128xf32, #tpu.memory_space<vmem>> -> memref<128x128xf32, #tpu.memory_space<vmem>>
      tpu.wait_dma2 semaphore(%arg7 : memref<!tpu.dma_semaphore, #tpu.memory_space<semaphore_mem>>) src(%dma_wait3A_75 : memref<128x128xf32, #tpu.memory_space<vmem>>) dst(%dma_wait3A_71 : memref<128x128xf32, #tpu.memory_space<hbm>>)
    }
    %add3A_30 = arith.constant 1 : i32
    %add3A_31 = arith.addi %arg1, %add3A_30 : i32
    %while3A_32 = arith.constant 0 : i32
    %while3A_33 = arith.constant 0 : i32
    %while3A_34 = arith.subi %add3A_31, %while3A_33 : i32
    %while3A_35 = arith.addi %while3A_33, %while3A_34 : i32
    %while3A_36 = arith.constant 1 : i32
    %while3A_37 = arith.divsi %while3A_34, %while3A_36 : i32
    %while3A_38 = arith.muli %while3A_37, %while3A_36 : i32
    %while3A_39 = arith.addi %while3A_33, %while3A_38 : i32
    %while3A_40 = arith.constant 1 : i32
    scf.for %while3A_54 = %while3A_33 to %while3A_39 step %while3A_40  : i32 {
      %add3A_55 = arith.constant 15 : i32
      %add3A_56 = arith.addi %while3A_54, %add3A_55 : i32
      %sub3A = arith.subi %add3A_56, %arg1 : i32
      %mul3A_57 = arith.constant 128 : i32
      %mul3A_58 = arith.muli %sub3A, %mul3A_57 : i32
      %multiple_of3A = tpu.assume_multiple %mul3A_58, 128 : i32
      %mul3A_59 = arith.constant 128 : i32
      %mul3A_60 = arith.muli %while3A_54, %mul3A_59 : i32
      %multiple_of3A_61 = tpu.assume_multiple %mul3A_60, 128 : i32
      %dma_wait3A = arith.constant 1 : i32
      %dma_wait3A_62 = arith.constant 0 : i32
      %dma_wait3A_63 = arith.constant 0 : i32
      %dma_wait3A_64 = arith.constant 0 : i32
      %dma_wait3A_65 = arith.constant 0 : i32
      %dma_wait3A_66 = tpu.memref_slice %arg5[%dma_wait3A, %dma_wait3A_62, %dma_wait3A_64, %dma_wait3A_65] : memref<2x2x128x128xf32, #tpu.memory_space<vmem>> -> memref<1x1x128x128xf32, #tpu.memory_space<vmem>>
      %dma_wait3A_67 = tpu.memref_squeeze %dma_wait3A_66 : memref<1x1x128x128xf32, #tpu.memory_space<vmem>> -> memref<128x128xf32, #tpu.memory_space<vmem>>
      %dma_wait3A_68 = tpu.memref_slice %arg3[%dma_wait3A_63, %mul3A_0, %multiple_of3A, %multiple_of3A_61] : memref<1x16x2048x2048xf32, #tpu.memory_space<hbm>> -> memref<1x1x128x128xf32, #tpu.memory_space<hbm>>
      %dma_wait3A_69 = tpu.memref_squeeze %dma_wait3A_68 : memref<1x1x128x128xf32, #tpu.memory_space<hbm>> -> memref<128x128xf32, #tpu.memory_space<hbm>>
      %dma_wait3A_70 = tpu.memref_slice %arg3[%dma_wait3A_63, %mul3A_0, %multiple_of3A, %multiple_of3A_61] : memref<1x16x2048x2048xf32, #tpu.memory_space<hbm>> -> memref<1x1x128x128xf32, #tpu.memory_space<hbm>>
      %dma_wait3A_71 = tpu.memref_squeeze %dma_wait3A_70 : memref<1x1x128x128xf32, #tpu.memory_space<hbm>> -> memref<128x128xf32, #tpu.memory_space<hbm>>
      %dma_wait3A_72 = arith.constant 0 : i32
      %dma_wait3A_73 = arith.constant 0 : i32
      %dma_wait3A_74 = tpu.memref_slice %arg5[%dma_wait3A, %dma_wait3A_62, %dma_wait3A_72, %dma_wait3A_73] : memref<2x2x128x128xf32, #tpu.memory_space<vmem>> -> memref<1x1x128x128xf32, #tpu.memory_space<vmem>>
      %dma_wait3A_75 = tpu.memref_squeeze %dma_wait3A_74 : memref<1x1x128x128xf32, #tpu.memory_space<vmem>> -> memref<128x128xf32, #tpu.memory_space<vmem>>
      tpu.wait_dma2 semaphore(%arg8 : memref<!tpu.dma_semaphore, #tpu.memory_space<semaphore_mem>>) src(%dma_wait3A_75 : memref<128x128xf32, #tpu.memory_space<vmem>>) dst(%dma_wait3A_71 : memref<128x128xf32, #tpu.memory_space<hbm>>)
    }
    %while3A_41 = arith.constant 1 : i32
    scf.for %while3A_54 = %while3A_39 to %while3A_35 step %while3A_41  : i32 {
      %add3A_55 = arith.constant 15 : i32
      %add3A_56 = arith.addi %while3A_54, %add3A_55 : i32
      %sub3A = arith.subi %add3A_56, %arg1 : i32
      %mul3A_57 = arith.constant 128 : i32
      %mul3A_58 = arith.muli %sub3A, %mul3A_57 : i32
      %multiple_of3A = tpu.assume_multiple %mul3A_58, 128 : i32
      %mul3A_59 = arith.constant 128 : i32
      %mul3A_60 = arith.muli %while3A_54, %mul3A_59 : i32
      %multiple_of3A_61 = tpu.assume_multiple %mul3A_60, 128 : i32
      %dma_wait3A = arith.constant 1 : i32
      %dma_wait3A_62 = arith.constant 0 : i32
      %dma_wait3A_63 = arith.constant 0 : i32
      %dma_wait3A_64 = arith.constant 0 : i32
      %dma_wait3A_65 = arith.constant 0 : i32
      %dma_wait3A_66 = tpu.memref_slice %arg5[%dma_wait3A, %dma_wait3A_62, %dma_wait3A_64, %dma_wait3A_65] : memref<2x2x128x128xf32, #tpu.memory_space<vmem>> -> memref<1x1x128x128xf32, #tpu.memory_space<vmem>>
      %dma_wait3A_67 = tpu.memref_squeeze %dma_wait3A_66 : memref<1x1x128x128xf32, #tpu.memory_space<vmem>> -> memref<128x128xf32, #tpu.memory_space<vmem>>
      %dma_wait3A_68 = tpu.memref_slice %arg3[%dma_wait3A_63, %mul3A_0, %multiple_of3A, %multiple_of3A_61] : memref<1x16x2048x2048xf32, #tpu.memory_space<hbm>> -> memref<1x1x128x128xf32, #tpu.memory_space<hbm>>
      %dma_wait3A_69 = tpu.memref_squeeze %dma_wait3A_68 : memref<1x1x128x128xf32, #tpu.memory_space<hbm>> -> memref<128x128xf32, #tpu.memory_space<hbm>>
      %dma_wait3A_70 = tpu.memref_slice %arg3[%dma_wait3A_63, %mul3A_0, %multiple_of3A, %multiple_of3A_61] : memref<1x16x2048x2048xf32, #tpu.memory_space<hbm>> -> memref<1x1x128x128xf32, #tpu.memory_space<hbm>>
      %dma_wait3A_71 = tpu.memref_squeeze %dma_wait3A_70 : memref<1x1x128x128xf32, #tpu.memory_space<hbm>> -> memref<128x128xf32, #tpu.memory_space<hbm>>
      %dma_wait3A_72 = arith.constant 0 : i32
      %dma_wait3A_73 = arith.constant 0 : i32
      %dma_wait3A_74 = tpu.memref_slice %arg5[%dma_wait3A, %dma_wait3A_62, %dma_wait3A_72, %dma_wait3A_73] : memref<2x2x128x128xf32, #tpu.memory_space<vmem>> -> memref<1x1x128x128xf32, #tpu.memory_space<vmem>>
      %dma_wait3A_75 = tpu.memref_squeeze %dma_wait3A_74 : memref<1x1x128x128xf32, #tpu.memory_space<vmem>> -> memref<128x128xf32, #tpu.memory_space<vmem>>
      tpu.wait_dma2 semaphore(%arg8 : memref<!tpu.dma_semaphore, #tpu.memory_space<semaphore_mem>>) src(%dma_wait3A_75 : memref<128x128xf32, #tpu.memory_space<vmem>>) dst(%dma_wait3A_71 : memref<128x128xf32, #tpu.memory_space<hbm>>)
    }
    %add3A_42 = arith.constant 1 : i32
    %add3A_43 = arith.addi %arg1, %add3A_42 : i32
    %while3A_44 = arith.constant 0 : i32
    %while3A_45 = arith.constant 16 : i32
    %while3A_46 = arith.subi %while3A_45, %add3A_43 : i32
    %while3A_47 = arith.addi %add3A_43, %while3A_46 : i32
    %while3A_48 = arith.constant 1 : i32
    %while3A_49 = arith.divsi %while3A_46, %while3A_48 : i32
    %while3A_50 = arith.muli %while3A_49, %while3A_48 : i32
    %while3A_51 = arith.addi %add3A_43, %while3A_50 : i32
    %while3A_52 = arith.constant 1 : i32
    scf.for %while3A_54 = %add3A_43 to %while3A_51 step %while3A_52  : i32 {
      %add3A_55 = arith.constant 15 : i32
      %add3A_56 = arith.addi %while3A_54, %add3A_55 : i32
      %sub3A = arith.subi %add3A_56, %add3A_1 : i32
      %mul3A_57 = arith.constant 128 : i32
      %mul3A_58 = arith.muli %sub3A, %mul3A_57 : i32
      %multiple_of3A = tpu.assume_multiple %mul3A_58, 128 : i32
      %mul3A_59 = arith.constant 128 : i32
      %mul3A_60 = arith.muli %while3A_54, %mul3A_59 : i32
      %multiple_of3A_61 = tpu.assume_multiple %mul3A_60, 128 : i32
      %dma_wait3A = arith.constant 1 : i32
      %dma_wait3A_62 = arith.constant 1 : i32
      %dma_wait3A_63 = arith.constant 0 : i32
      %dma_wait3A_64 = arith.constant 0 : i32
      %dma_wait3A_65 = arith.constant 0 : i32
      %dma_wait3A_66 = tpu.memref_slice %arg5[%dma_wait3A, %dma_wait3A_62, %dma_wait3A_64, %dma_wait3A_65] : memref<2x2x128x128xf32, #tpu.memory_space<vmem>> -> memref<1x1x128x128xf32, #tpu.memory_space<vmem>>
      %dma_wait3A_67 = tpu.memref_squeeze %dma_wait3A_66 : memref<1x1x128x128xf32, #tpu.memory_space<vmem>> -> memref<128x128xf32, #tpu.memory_space<vmem>>
      %dma_wait3A_68 = tpu.memref_slice %arg3[%dma_wait3A_63, %mul3A_0, %multiple_of3A, %multiple_of3A_61] : memref<1x16x2048x2048xf32, #tpu.memory_space<hbm>> -> memref<1x1x128x128xf32, #tpu.memory_space<hbm>>
      %dma_wait3A_69 = tpu.memref_squeeze %dma_wait3A_68 : memref<1x1x128x128xf32, #tpu.memory_space<hbm>> -> memref<128x128xf32, #tpu.memory_space<hbm>>
      %dma_wait3A_70 = tpu.memref_slice %arg3[%dma_wait3A_63, %mul3A_0, %multiple_of3A, %multiple_of3A_61] : memref<1x16x2048x2048xf32, #tpu.memory_space<hbm>> -> memref<1x1x128x128xf32, #tpu.memory_space<hbm>>
      %dma_wait3A_71 = tpu.memref_squeeze %dma_wait3A_70 : memref<1x1x128x128xf32, #tpu.memory_space<hbm>> -> memref<128x128xf32, #tpu.memory_space<hbm>>
      %dma_wait3A_72 = arith.constant 0 : i32
      %dma_wait3A_73 = arith.constant 0 : i32
      %dma_wait3A_74 = tpu.memref_slice %arg5[%dma_wait3A, %dma_wait3A_62, %dma_wait3A_72, %dma_wait3A_73] : memref<2x2x128x128xf32, #tpu.memory_space<vmem>> -> memref<1x1x128x128xf32, #tpu.memory_space<vmem>>
      %dma_wait3A_75 = tpu.memref_squeeze %dma_wait3A_74 : memref<1x1x128x128xf32, #tpu.memory_space<vmem>> -> memref<128x128xf32, #tpu.memory_space<vmem>>
      tpu.wait_dma2 semaphore(%arg9 : memref<!tpu.dma_semaphore, #tpu.memory_space<semaphore_mem>>) src(%dma_wait3A_75 : memref<128x128xf32, #tpu.memory_space<vmem>>) dst(%dma_wait3A_71 : memref<128x128xf32, #tpu.memory_space<hbm>>)
    }
    %while3A_53 = arith.constant 1 : i32
    scf.for %while3A_54 = %while3A_51 to %while3A_47 step %while3A_53  : i32 {
      %add3A_55 = arith.constant 15 : i32
      %add3A_56 = arith.addi %while3A_54, %add3A_55 : i32
      %sub3A = arith.subi %add3A_56, %add3A_1 : i32
      %mul3A_57 = arith.constant 128 : i32
      %mul3A_58 = arith.muli %sub3A, %mul3A_57 : i32
      %multiple_of3A = tpu.assume_multiple %mul3A_58, 128 : i32
      %mul3A_59 = arith.constant 128 : i32
      %mul3A_60 = arith.muli %while3A_54, %mul3A_59 : i32
      %multiple_of3A_61 = tpu.assume_multiple %mul3A_60, 128 : i32
      %dma_wait3A = arith.constant 1 : i32
      %dma_wait3A_62 = arith.constant 1 : i32
      %dma_wait3A_63 = arith.constant 0 : i32
      %dma_wait3A_64 = arith.constant 0 : i32
      %dma_wait3A_65 = arith.constant 0 : i32
      %dma_wait3A_66 = tpu.memref_slice %arg5[%dma_wait3A, %dma_wait3A_62, %dma_wait3A_64, %dma_wait3A_65] : memref<2x2x128x128xf32, #tpu.memory_space<vmem>> -> memref<1x1x128x128xf32, #tpu.memory_space<vmem>>
      %dma_wait3A_67 = tpu.memref_squeeze %dma_wait3A_66 : memref<1x1x128x128xf32, #tpu.memory_space<vmem>> -> memref<128x128xf32, #tpu.memory_space<vmem>>
      %dma_wait3A_68 = tpu.memref_slice %arg3[%dma_wait3A_63, %mul3A_0, %multiple_of3A, %multiple_of3A_61] : memref<1x16x2048x2048xf32, #tpu.memory_space<hbm>> -> memref<1x1x128x128xf32, #tpu.memory_space<hbm>>
      %dma_wait3A_69 = tpu.memref_squeeze %dma_wait3A_68 : memref<1x1x128x128xf32, #tpu.memory_space<hbm>> -> memref<128x128xf32, #tpu.memory_space<hbm>>
      %dma_wait3A_70 = tpu.memref_slice %arg3[%dma_wait3A_63, %mul3A_0, %multiple_of3A, %multiple_of3A_61] : memref<1x16x2048x2048xf32, #tpu.memory_space<hbm>> -> memref<1x1x128x128xf32, #tpu.memory_space<hbm>>
      %dma_wait3A_71 = tpu.memref_squeeze %dma_wait3A_70 : memref<1x1x128x128xf32, #tpu.memory_space<hbm>> -> memref<128x128xf32, #tpu.memory_space<hbm>>
      %dma_wait3A_72 = arith.constant 0 : i32
      %dma_wait3A_73 = arith.constant 0 : i32
      %dma_wait3A_74 = tpu.memref_slice %arg5[%dma_wait3A, %dma_wait3A_62, %dma_wait3A_72, %dma_wait3A_73] : memref<2x2x128x128xf32, #tpu.memory_space<vmem>> -> memref<1x1x128x128xf32, #tpu.memory_space<vmem>>
      %dma_wait3A_75 = tpu.memref_squeeze %dma_wait3A_74 : memref<1x1x128x128xf32, #tpu.memory_space<vmem>> -> memref<128x128xf32, #tpu.memory_space<vmem>>
      tpu.wait_dma2 semaphore(%arg9 : memref<!tpu.dma_semaphore, #tpu.memory_space<semaphore_mem>>) src(%dma_wait3A_75 : memref<128x128xf32, #tpu.memory_space<vmem>>) dst(%dma_wait3A_71 : memref<128x128xf32, #tpu.memory_space<hbm>>)
    }
    return
  }
}

</mosaic_0001>

<sc_bundles>
// kernel: kernel.3.cloned.1.call-start
scs
__scs_entry_jumppad:
0x0: {  	(pc) =	sbr.rel $0x88, $3  }
0x1: {  	(tag) =	ssettag $0x0;
	lr =	simm.s32 $0x1  }
0x2: {  	[smem:$0x3FA0] =	sst lr;
	_ =	strace $0xD0000000  }
0x3: {  	_ = 	snop  }
0x4: {  	_ = 	snop  }
0x5: {  	_ = 	snop  }
0x6: {  	_ = 	snop  }
0x7: {  	_ = 	snop  }
__scs_overlays_trampoline_lowered:
0x8: {  	[smem:$0x3FAF] =	sst s0  }
0x9: {  	[smem:$0x3FB0] =	sst s1  }
0xa: {  	[smem:$0x3FB1] =	sst s2  }
0xb: {  	[smem:$0x3FB2] =	sst s3  }
0xc: {  	[smem:$0x3FB3] =	sst s4  }
0xd: {  	[smem:$0x3FB4] =	sst s5  }
0xe: {  	[smem:$0x3FB5] =	sst s6  }
0xf: {  	[smem:$0x3FB6] =	sst s7  }
0x10: {  	[smem:$0x3FB7] =	sst s8  }
0x11: {  	[smem:$0x3FB8] =	sst s9;
	s0 =	simm.s32 @!p0 $0x0  }
0x12: {  	s1 =	sld [smem:$0x3F9E];
	s0 =	simm.s32 @p0 $0x1  }
0x13: {  	[smem:$0x3FB9] =	sst s0;
	s0 =	simm.s32 @!p1 $0x0  }
0x14: {  	s2 =	sld [smem:$0x3F9D];
	s0 =	simm.s32 @p1 $0x1  }
0x15: {  	[smem:$0x3FBA] =	sst s0;
	s0 =	simm.s32 @!p2 $0x0  }
0x16: {  	s3 =	sld [smem:$0x3FDB];
	s0 =	simm.s32 @p2 $0x1  }
0x17: {  	s4 =	simm.s32 $0x1BF5;
	[smem:$0x3FBC] =	sst s0  }
0x18: {  	s0 =	sld [smem:$0x3F9F];
	_ =	swait.ge [sflag:s4], $0x0  }
0x19: {  	s7 =	sld [smem:$0x3FA0]  }
0x1a: {  	s8 =	sadd.s32 $0xFFFFE003, lr  }
0x1b: {  	s9 =	sadd.s32 $0xFFFFFEF7, lr;
	s5 =	simm.s32 $0xFFFFFFFF;
	p2 =	slt.u32 s8, $0xFFFFF086  }
0x1c: {  	p1 =	slt.u32 s9, $0xF7A;
	s5 =	simm.s32 @!p2 $0x0  }
0x1d: {  	s5 =	simm.s32 @p1 $0x1;
	p0 =	seq.s32 s7, s2  }
0x1e: {  	s7 =	smul.u32 @!p0 $0xF7A, s2;
	p2 =	seq.s32 @!p0 s5, $0x0  }
0x1f: {  	s9 =	smul.u32 $0xF7A, s1;
	s8 =	simm.s32 @!p0 $0x1BF5;
	p2 =	por !p2, p0  }
0x20: {  	[sflag:s8] =	ssyncset.s32 @!p0 $0xFFFFF086;
	s6 =	sadd.s32 @!p0 s3, s7;
	s7 =	simm.s32 @!p0 $0x108  }
0x21: {  	s3 =	sadd.s32 s3, s9;
	s6 =	sadd.s32 @!p0 $0x88, s6;
	s7 =	simm.s32 @p2 $0x1082  }
0x22: {  	[simem:s7], [sflag:s8] =	dma.local @!p0 [hbm:s6], $0xF7A  }
0x23: {  	s9 =	sor.u32 $0xD0000000, s2;
	s6 =	simm.s32 $0x108;
	_ =	swait.ge @!p0 [sflag:s8], $0x0  }
0x24: {  	s3 =	sadd.s32 $0x88, s3;
	s6 =	simm.s32 @!p1 $0x1082;
	[sflag:s4] =	ssyncset.s32 $0xFFFFF086  }
0x25: {  	[simem:s6], [sflag:s4] =	dma.local [hbm:s3], $0xF7A  }
0x26: {  	[smem:$0x3FA0] =	sst s1;
	(tag) =	ssettag s2;
	_ =	strace s9  }
0x27: {  	s1 =	sld [smem:$0x3FB0]  }
0x28: {  	s2 =	sld [smem:$0x3FB1]  }
0x29: {  	s4 =	sld [smem:$0x3FB3]  }
0x2a: {  	p0 =	seq.s32 s5, $0x0;
	s5 =	sld [smem:$0x3FB4]  }
0x2b: {  	s6 =	sld [smem:$0x3FB5]  }
0x2c: {  	s7 =	sld [smem:$0x3FB6]  }
0x2d: {  	s3 =	simm.s32 $0x108;
	s8 =	sld [smem:$0x3FB7]  }
0x2e: {  	s3 =	simm.s32 @!p0 $0x1082;
	s9 =	sld [smem:$0x3FB8]  }
0x2f: {  	lr =	sadd.s32 s0, s3;
	s0 =	sld [smem:$0x3FAF]  }
0x30: {  	s3 =	sld [smem:$0x3FB2]  }
0x31: {  	[smem:$0x3FBB] =	sst s10  }
0x32: {  	s10 =	sld [smem:$0x3FB9];
	_ =	sdelay $0x3  }
0x33: {  	p0 =	seq.s32 s10, $0x1;
	s10 =	sld [smem:$0x3FBB];
	_ =	sdelay $0x3  }
0x34: {  	[smem:$0x3FBB] =	sst s10  }
0x35: {  	s10 =	sld [smem:$0x3FBA];
	_ =	sdelay $0x3  }
0x36: {  	p1 =	seq.s32 s10, $0x1;
	s10 =	sld [smem:$0x3FBB];
	_ =	sdelay $0x3  }
0x37: {  	[smem:$0x3FBB] =	sst s10  }
0x38: {  	s10 =	sld [smem:$0x3FBC]  }
0x39: {  	_ = 	snop;
	(pc) =	sbr.ind lr, $3  }
0x3a: {  	_ = 	snop  }
0x3b: {  	_ = 	snop  }
0x3c: {  	p2 =	seq.s32 s10, $0x1;
	s10 =	sld [smem:$0x3FBB]  }
0x3d: {  	_ =	shalt  }
0x3e: {  	_ =	shalt  }
0x3f: {  	_ =	shalt  }
0x40: {  	_ =	shalt  }
0x41: {  	_ =	shalt  }
0x42: {  	_ =	shalt  }
0x43: {  	_ =	shalt  }
0x44: {  	_ =	shalt  }
0x45: {  	_ =	shalt  }
0x46: {  	_ =	shalt  }
0x47: {  	_ =	shalt  }
0x48: {  	_ =	shalt  }
0x49: {  	_ =	shalt  }
0x4a: {  	_ =	shalt  }
0x4b: {  	_ =	shalt  }
0x4c: {  	_ =	shalt  }
0x4d: {  	_ =	shalt  }
0x4e: {  	_ =	shalt  }
0x4f: {  	_ =	shalt  }
0x50: {  	_ =	shalt  }
0x51: {  	_ =	shalt  }
0x52: {  	_ =	shalt  }
0x53: {  	_ =	shalt  }
0x54: {  	_ =	shalt  }
0x55: {  	_ =	shalt  }
0x56: {  	_ =	shalt  }
0x57: {  	_ =	shalt  }
0x58: {  	_ =	shalt  }
0x59: {  	_ =	shalt  }
0x5a: {  	_ =	shalt  }
0x5b: {  	_ =	shalt  }
0x5c: {  	_ =	shalt  }
0x5d: {  	_ =	shalt  }
0x5e: {  	_ =	shalt  }
0x5f: {  	_ =	shalt  }
0x60: {  	_ =	shalt  }
0x61: {  	_ =	shalt  }
0x62: {  	_ =	shalt  }
0x63: {  	_ =	shalt  }
0x64: {  	_ =	shalt  }
0x65: {  	_ =	shalt  }
0x66: {  	_ =	shalt  }
0x67: {  	_ =	shalt  }
0x68: {  	_ =	shalt  }
0x69: {  	_ =	shalt  }
0x6a: {  	_ =	shalt  }
0x6b: {  	_ =	shalt  }
0x6c: {  	_ =	shalt  }
0x6d: {  	_ =	shalt  }
0x6e: {  	_ =	shalt  }
0x6f: {  	_ =	shalt  }
0x70: {  	_ =	shalt  }
0x71: {  	_ =	shalt  }
0x72: {  	_ =	shalt  }
0x73: {  	_ =	shalt  }
0x74: {  	_ =	shalt  }
0x75: {  	_ =	shalt  }
0x76: {  	_ =	shalt  }
0x77: {  	_ =	shalt  }
0x78: {  	_ =	shalt  }
0x79: {  	_ =	shalt  }
0x7a: {  	_ =	shalt  }
0x7b: {  	_ =	shalt  }
0x7c: {  	_ =	shalt  }
0x7d: {  	_ =	shalt  }
0x7e: {  	_ =	shalt  }
0x7f: {  	_ =	shalt  }
0x80: {  	_ =	shalt  }
0x81: {  	_ =	shalt  }
0x82: {  	_ =	shalt  }
0x83: {  	_ =	shalt  }
0x84: {  	_ =	shalt  }
0x85: {  	_ =	shalt  }
0x86: {  	_ =	shalt  }
0x87: {  	_ =	shalt  }
.Lfunc_end0:
.L_simem_size_0:
called_computation_lowered:
.L_overlay_start_0:
0x88: {  	s2 =	sld [smem:$0x3FD9]  }
0x89: {  	s3 =	sld [smem:$0x3FFE];
	_ =	sdelay $0x1  }
0x8a: {  	s1 =	srdreg.scid  }
0x8b: {  	s0 =	sand.u32 $0x1, s1  }
0x8c: {  	s17 =	sshll.u32 s0, $0xA;
	s2 =	sadd.s32 s3, s2  }
0x8d: {  	s2 =	sadd.s32 s2, s17  }
0x8e: {  	[smem:$0x3FC7] =	sst s2  }
0x8f: {  	_ = 	snop  }
0x90: {  	s2 =	sld [smem:$0x3FD0];
	(tm) =	ssettm $0x1  }
0x91: {  	s18 =	sld [smem:$0x3FFB];
	_ =	sdelay $0x3  }
0x92: {  	_ =	strace s18  }
0x93: {  	s3 =	sld [smem:$0x3FFC];
	_ =	sdelay $0x3  }
0x94: {  	_ =	strace s3  }
0x95: {  	s3 =	sld [smem:$0x3FFD];
	_ =	sdelay $0x3  }
0x96: {  	_ =	strace s3  }
0x97: {  	_ =	strace $0x8FFFFFFF  }
0x98: {  	s19 =	sld [smem:$0x3FDB];
	_ =	sdelay $0x1  }
0x99: {  	s4 =	simm.s32 $_scs_section_size  }
0x9a: {  	s5 =	simm.s32 $_size__tile_overlayer_lowered;
	s6 =	simm.s32 $_tile_overlayer_lowered  }
0x9b: {  	s22 =	simm.s32 $0x1BFF;
	s21 =	sshll.u32 s6, $0x1;
	s3 =	sadd.s32 s4, s19  }
0x9c: {  	s7 =	simm.s32 $0x0;
	s20 =	sshll.u32 s5, $0x1;
	s5 =	sadd.s32 s21, s3  }
0x9d: {  	[timem:s7], [sflag:s22] =	dma.local [hbm:s5], s20  }
0x9e: {  	_ =	swait.ge [sflag:s22], s20  }
0x9f: {  	s4 =	ssub.s32 $0x0, s20;
	[sflag:s22] =	ssyncset.done $0x0  }
0xa0: {  	[sflag:s22] =	ssyncadd.s32 s4;
	_ =	sdelay $0x1  }
0xa1: {  	s23 =	simm.s32 $0x1B8B  }
0xa2: {  	_ =	swait.ge [sflag:s23], $0x1  }
0xa3: {  	[sflag:s23] =	ssyncset.done $0x0  }
0xa4: {  	s25 =	simm.s32 $0x1B8E;
	s24 =	sld [smem:$0x3FFE];
	[sflag:s23] =	ssyncadd.s32 $0xFFFFFFFF  }
0xa5: {  	s26 =	simm.s32 $execute0_lowered;
	[smem:$0x3FD2] =	sst s25  }
0xa6: {  	s5 =	sshll.u32 s26, $0x1;
	_ =	strace $0x80000046;
	[dreg:$0x1] =	wrdreg $0xFFFFFFFF  }
0xa7: {  	s28 =	simm.s32 $_size_execute0_lowered;
	s3 =	sadd.s32 s3, s5;
	[dreg:$0x0] =	wrdreg $0x0  }
0xa8: {  	s5 =	sshll.u32 s28, $0x1;
	[dreg:$0x2] =	wrdreg s3  }
0xa9: {  	[dreg:$0x3] =	wrdreg s5  }
0xaa: {  	[dreg:$0x4] =	wrdreg $0xC0  }
0xab: {  	_ =	task [dreg:s7], $0x5FFFF  }
0xac: {  	[dreg:$0x1] =	wrdreg $0xFFFFFFFF  }
0xad: {  	[dreg:$0x0] =	wrdreg $0x60  }
0xae: {  	[dreg:$0x2] =	wrdreg s24  }
0xaf: {  	[dreg:$0x3] =	wrdreg s2  }
0xb0: {  	[dreg:$0x4] =	wrdreg $0x9  }
0xb1: {  	_ =	task.clear_ibuf [dreg:s7], $0x5FFFF;
	_ =	strace $0x90000046  }
0xb2: {  	s29 =	simm.s32 $0x9;
	_ =	strace $0x80000048  }
0xb3: {  	_ =	swait.ge [sflag:s29], $0x1  }
0xb4: {  	[sflag:s29] =	ssyncadd.s32 $0xFFFFFFFF  }
0xb5: {  	_ =	strace $0x90000048  }
0xb6: {  	_ =	sfence  }
0xb7: {  	s30 =	sld [smem:$0x0];
	_ =	sdelay $0x2  }
0xb8: {  	s31 =	sshll.u32 s1, $0xD;
	s1 =	sshrl.u32 s1, $0x2  }
0xb9: {  	s3 =	sand.u32 $0x4000, s31;
	s1 =	sadd.s32 s1, s30  }
0xba: {  	s0 =	sor.u32 s3, s0;
	s1 =	sshll.u32 s1, $0x11  }
0xbb: {  	s0 =	sor.u32 s1, s0  }
0xbc: {  	s0 =	sadd.s32 $0x8F2B, s0  }
0xbd: {  	[sflag:s0] =	ssyncadd.remote.s32 $0x1  }
0xbe: {  	_ =	sfence.sel $0xFFFF  }
0xbf: {  	[dreg:$0x0] =	wrdreg $0xFFFFFFFF;
	(pc) =	sbr.abs _section_cstart, $3  }
0xc0: {  	[dreg:$0x1] =	wrdreg $0xFFFFFFFF  }
0xc1: {  	_ =	task.clear_ibuf [dreg:s7], $0x2FFFF;
	_ =	strace $0x9FFFFFFF  }
0xc2: {  	(tm) =	ssettm $0x7FFFFFFF  }
0xc3: {  	_ =	shalt  }
tec
execute0_lowered:
.L_overlay_start_1:
0x0: {  	(tag) =	ssettag $0x1  }
0x1: {  	s0 =	rddreg [dreg:$0x0]  }
0x2: {  	s2 =	rddreg [dreg:$0x1];
	s3 =	srdreg.scid;
	s1 =	simm.s32 $0x0  }
0x3: {  	s9 =	stileid.u32;
	s16 =	simm.s32 $0x400;
	s17 =	simm.s32 $0x4000  }
0x4: {  	s18 =	simm.s32 $0x200;
	s19 =	simm.s32 $0x8200;
	s20 =	simm.s32 $0x1  }
0x5: {  	s21 =	simm.s32 $0x3;
	s22 =	simm.s32 $0x4;
	s23 =	simm.s32 $0x2  }
0x6: {  	s5 =	sand.u32 $0x1, s3;
	[smem:$0x7FF] =	sst s1;
	s0 =	sadd.s32 $0x400, s0  }
0x7: {  	s6 =	sxor.u32 $0xF, s9;
	s8 =	sadd.s32 $0x1, s9;
	s25 =	smax.u32 s9, $0xE  }
0x8: {  	s28 =	sshll.u32 s9, $0xA;
	p0 =	seq.s32 s9, $0xF;
	s3 =	ssub.s32 $0x2, s5  }
0x9: {  	p1 =	sne.s32 s9, $0xF;
	_ =	strace $0x80000047;
	s4 =	sshrl.u32 s3, $0x1  }
0xa: {  	[dreg:$0x3] =	wrdreg s0;
	s7 =	sshll.u32 s6, $0x12;
	s24 =	ssub.s32 s3, s4  }
0xb: {  	s4 =	sshll.u32 s5, $0x3;
	s3 =	sshll.u32 s9, $0x7;
	s5 =	sshll.u32 s5, $0x19  }
0xc: {  	s0 =	smax.u32 s24, $0x1;
	s26 =	sor.u32 s7, s5;
	s10 =	sadd.s32 $0xFF, s3  }
0xd: {  	s5 =	sor.u32 s28, s5;
	[dreg:$0x4] =	wrdreg s0;
	s0 =	ssub.s32 s25, s9  }
0xe: {  	s11 =	sshrl.u32 s26, $0x3;
	s30 =	sadd.s32 $0x400, s5;
	s5 =	sadd.s32 $0x400400, s5  }
0xf: {  	s0 =	sadd.s32 $0x1, s0;
	s29 =	sadd.s32 s11, s2;
	s7 =	sshrl.u32 s30, $0x3  }
.Ltmp0:
0x10: {  	[dreg:$0x5] =	wrdreg s0;
	s0 =	sor.u32 $0x400000, s26;
	(pc) =	sbr.rel .LBB2_1-.Ltmp0, $4  }
0x11: {  	v0 =	vlaneseq.u32;
	[dreg:$0x6] =	wrdreg s29;
	s7 =	sadd.s32 s7, s2;
	s0 =	sshrl.u32 s0, $0x3  }
0x12: {  	v1 =	vor.u32 $0x10, v0;
	s31 =	sshrl.u32 s5, $0x3;
	[dreg:$0x7] =	wrdreg s7;
	s0 =	sadd.s32 s0, s2  }
0x13: {  	v2 =	vor.u32 $0x20, v0;
	v3 =	vor.u32 $0x30, v0;
	v4 =	vor.u32 $0x40, v0;
	s24 =	simm.s32 $0xC200;
	[dreg:$0x8] =	wrdreg s0;
	s0 =	sadd.s32 s31, s2  }
0x14: {  	v5 =	vor.u32 $0x50, v0;
	v6 =	vor.u32 $0x60, v0;
	v7 =	vor.u32 $0x70, v0;
	s25 =	simm.s32 $0x4200;
	s2 =	simm.s32 $0x0;
	[dreg:$0x9] =	wrdreg s0  }
.LBB2_65:
0x15: {  	[sflag:s22] =	ssyncadd.s32 $0xFFFFC000  }
.LBB2_66:
0x16: {  	s2 =	sadd.s32 $0x1, s2;
	s0 =	rddreg [dreg:$0x4]  }
0x17: {  	p2 =	sne.s32 s2, s0  }
.Ltmp1:
0x18: {  	_ = 	snop;
	(pc) =	sbr.rel @!p2 .LBB2_67-.Ltmp1, $1  }
0x19: {  	_ =	sdelay $0x3  }
.LBB2_1:
0x1a: {  	[dreg:$0xa] =	wrdreg s2  }
0x1b: {  	s0 =	rddreg [dreg:$0x3];
	s26 =	simm.s32 $0x5  }
0x1c: {  	[tilespmem:s1], [sflag:$0x5] =	stream.linear.gather [hbm4b:s0+s1], $0x200, $0x38;
	[tilespmem:$0x10200] =	vst v63  }
.Ltmp2:
0x1d: {  	_ =	swait.ge [sflag:s26], $0x200;
	(pc) =	sbr.rel .LBB2_2-.Ltmp2, $4  }
0x1e: {  	s28 =	rddreg [dreg:$0x9]  }
0x1f: {  	s29 =	rddreg [dreg:$0x8]  }
0x20: {  	[sflag:s26] =	ssyncset.done $0x0;
	s30 =	rddreg [dreg:$0x7]  }
0x21: {  	s0 =	simm.s32 $0x0;
	s31 =	rddreg [dreg:$0x6];
	[sflag:s26] =	ssyncadd.s32 $0xFFFFFE00  }
.LBB2_54:
0x22: {  	s0 =	sadd.s32 $0x1, s0  }
0x23: {  	p2 =	seq.s32 s0, $0x4  }
.Ltmp3:
0x24: {  	_ = 	snop;
	(pc) =	sbr.rel @p2 .LBB2_55-.Ltmp3, $3  }
0x25: {  	_ =	sdelay $0x1  }
0x26: {  	s31 =	sadd.s32 $0x100000, s31  }
0x27: {  	s30 =	sadd.s32 $0x100000, s30;
	s29 =	sadd.s32 $0x100000, s29;
	s28 =	sadd.s32 $0x100000, s28  }
.LBB2_2:
0x28: {  	p2 =	seq.s32 s0, $0x0  }
.Ltmp4:
0x29: {  	_ = 	snop;
	(pc) =	sbr.rel @p2 .LBB2_9-.Ltmp4, $1  }
0x2a: {  	_ =	sdelay $0x3  }
0x2b: {  	p3 =	seq.s32 s8, $0x1  }
.Ltmp5:
0x2c: {  	_ = 	snop;
	(pc) =	sbr.rel @p3 .LBB2_5-.Ltmp5, $3  }
0x2d: {  	_ =	sdelay $0x1  }
0x2e: {  	_ =	swait.ge [sflag:s20], $0x4000  }
0x2f: {  	s2 =	sadd.s32 $0xFFFFFFFF, s8;
	[sflag:s20] =	ssyncset.done $0x0  }
.LBB2_4:
0x30: {  	p3 =	seq.s32 s2, $0x1;
	s2 =	sadd.s32 $0xFFFFFFFF, s2;
	[sflag:s20] =	ssyncadd.s32 $0xFFFFC000  }
.Ltmp6:
0x31: {  	(pc) =	sbr.rel @!p3 .LBB2_4-.Ltmp6, $3  }
0x32: {  	_ =	sdelay $0x1  }
0x33: {  	_ =	swait.ge [sflag:s20], $0x4000  }
0x34: {  	[sflag:s20] =	ssyncset.done $0x0  }
.LBB2_5:
.Ltmp7:
0x35: {  	(pc) =	sbr.rel @p0 .LBB2_9-.Ltmp7, $2  }
0x36: {  	_ =	sdelay $0x2  }
0x37: {  	[sflag:s20] =	ssyncadd.s32 $0xFFFFC000  }
0x38: {  	s2 =	rddreg [dreg:$0x5]  }
0x39: {  	p3 =	sne.s32 s2, $0x1  }
.Ltmp8:
0x3a: {  	_ = 	snop;
	(pc) =	sbr.rel @!p3 .LBB2_8-.Ltmp8, $3  }
0x3b: {  	_ =	sdelay $0x1  }
0x3c: {  	_ =	swait.ge [sflag:s23], $0x4000  }
0x3d: {  	s2 =	sadd.s32 $0xFFFFFFFF, s2;
	[sflag:s23] =	ssyncset.done $0x0  }
.LBB2_7:
0x3e: {  	p3 =	sne.s32 s2, $0x1;
	s2 =	sadd.s32 $0xFFFFFFFF, s2;
	[sflag:s23] =	ssyncadd.s32 $0xFFFFC000  }
.Ltmp9:
0x3f: {  	(pc) =	sbr.rel @p3 .LBB2_7-.Ltmp9, $3  }
0x40: {  	_ =	sdelay $0x1  }
0x41: {  	_ =	swait.ge [sflag:s23], $0x4000  }
0x42: {  	[sflag:s23] =	ssyncset.done $0x0  }
.LBB2_8:
0x43: {  	[sflag:s23] =	ssyncadd.s32 $0xFFFFC000  }
.LBB2_9:
0x44: {  	s2 =	sshll.u32 s0, $0x1  }
.Ltmp10:
0x45: {  	s2 =	sor.u32 s4, s2;
	(pc) =	sbr.rel .LBB2_10-.Ltmp10, $4  }
0x46: {  	s5 =	sor.u32 $0x1F0, s2  }
0x47: {  	v8 =	vmov s5  }
0x48: {  	v9 =	vand.u32 $0xFFFFFFFE, v8  }
0x49: {  	s11 =	simm.s32 $0x0;
	p4 =	por $0x1, $0x1;
	s5 =	smov.u32 s3;
	v8 =	vmov s2;
	v9 =	vbroadcast v9, $0x0  }
.LBB2_21:
0x4a: {  	[tilespmem:s7+$0x10] =	vst v10  }
.LBB2_22:
.Ltmp11:
0x4b: {  	(pc) =	sbr.rel @!p3 .LBB2_23-.Ltmp11, $2  }
0x4c: {  	_ =	sdelay $0x2  }
0x4d: {  	s5 =	sadd.s32 $0x800, s5;
	s11 =	simm.s32 $0x1;
	p4 =	por $0x0, $0x0  }
.LBB2_10:
0x4e: {  	_ =	sdelay $0x3  }
.Ltmp12:
0x4f: {  	v10 =	vld.idx.msk [tilespmem:v8+s1+$0x0], $0xffff;
	(pc) =	sbr.rel @p4 .LBB2_14-.Ltmp12, $2  }
0x50: {  	_ =	sdelay $0x2  }
0x51: {  	p3 =	por p4, p4  }
0x52: {  	_ =	sdelay $0x3  }
0x53: {  	v11 =	vld.idx.msk [tilespmem:v9+s1+$0x0], $0xffff  }
0x54: {  	p4 =	sgt.s32 s5, $0x800;
	s7 =	smov.u32 s5  }
0x55: {  	s12 =	sshll.u32 s11, $0xE;
	s7 =	simm.s32 @!p4 $0x800  }
0x56: {  	s13 =	sand.u32 $0x3FFFC000, s12;
	s7 =	smin.u32 s7, $0x87F  }
0x57: {  	s26 =	sadd.s32 $0xFFFFF801, s7;
	s7 =	sor.u32 $0x240, s13  }
0x58: {  	[tilespmem:s7+$0xFFFFFFC0] =	vst v11  }
0x59: {  	p4 =	seq.s32 s26, $0x1;
	[tilespmem:s7+$0x30] =	vst v11  }
.Ltmp13:
0x5a: {  	[tilespmem:s7+$0x20] =	vst v11;
	(pc) =	sbr.rel @p4 .LBB2_13-.Ltmp13, $4  }
0x5b: {  	[tilespmem:s7+$0x10] =	vst v11  }
0x5c: {  	[tilespmem:s7+$0x0] =	vst v11  }
0x5d: {  	[tilespmem:s7+$0xFFFFFFF0] =	vst v11  }
0x5e: {  	s12 =	sadd.s32 $0xFFFFFFFF, s26;
	[tilespmem:s7+$0xFFFFFFE0] =	vst v11  }
.LBB2_12:
0x5f: {  	p4 =	seq.s32 s12, $0x1;
	s12 =	sadd.s32 $0xFFFFFFFF, s12;
	[tilespmem:s7+$0xFFFFFFD0] =	vst v11;
	s7 =	sadd.s32 $0x80, s7  }
0x60: {  	[tilespmem:s7+$0xFFFFFFC0] =	vst v11  }
0x61: {  	[tilespmem:s7+$0x30] =	vst v11  }
.Ltmp14:
0x62: {  	[tilespmem:s7+$0x20] =	vst v11;
	(pc) =	sbr.rel @!p4 .LBB2_12-.Ltmp14, $4  }
0x63: {  	[tilespmem:s7+$0x10] =	vst v11  }
0x64: {  	[tilespmem:s7+$0x0] =	vst v11  }
0x65: {  	[tilespmem:s7+$0xFFFFFFF0] =	vst v11  }
0x66: {  	[tilespmem:s7+$0xFFFFFFE0] =	vst v11  }
.LBB2_13:
0x67: {  	[tilespmem:s7+$0xFFFFFFD0] =	vst v11  }
.LBB2_14:
0x68: {  	s14 =	sshll.u32 s11, $0xB  }
0x69: {  	s7 =	sor.u32 s3, s14  }
0x6a: {  	p4 =	sgt.s32 s7, $0x7FF  }
0x6b: {  	s12 =	smov.u32 s7;
	p5 =	sgt.s32 s7, $0x680;
	s13 =	smov.u32 s7  }
0x6c: {  	s12 =	simm.s32 @!p4 $0x7FF;
	s13 =	simm.s32 @!p5 $0x680  }
0x6d: {  	s12 =	smin.u32 s12, $0x87F;
	s13 =	smin.u32 s13, $0x700  }
0x6e: {  	s15 =	sadd.s32 $0xFFFFF801, s12;
	s13 =	sadd.s32 $0xFFFFF980, s13  }
0x6f: {  	p4 =	sge.u32 s15, s13  }
.Ltmp15:
0x70: {  	_ = 	snop;
	(pc) =	sbr.rel @p4 .LBB2_18-.Ltmp15, $2  }
0x71: {  	_ =	sdelay $0x2  }
0x72: {  	s11 =	sshll.u32 s11, $0x10;
	s12 =	sadd.s32 s14, s3  }
0x73: {  	p4 =	sgt.s32 s12, $0x7FF;
	s26 =	smov.u32 s12  }
0x74: {  	s26 =	simm.s32 @!p4 $0x7FF  }
0x75: {  	s14 =	sadd.s32 s14, s10;
	s26 =	smin.u32 s26, $0x87F  }
0x76: {  	s9 =	sshll.u32 s26, $0x9;
	s26 =	ssub.s32 s14, s26  }
0x77: {  	v11 =	vadd.s32 s26, v0  }
0x78: {  	vm0 =	vgt.s32 v11, $0x0  }
0x79: {  	v11 =	vnsel vm0, $0x0, v11  }
0x7a: {  	v11 =	vmin.u32 v11, $0xFF  }
0x7b: {  	v11 =	vshll.u32 v11, $0x4  }
0x7c: {  	v11 =	vand.u32 $0x1F0, v11  }
0x7d: {  	v12 =	vadd.s32 s26, v1;
	v11 =	vor.u32 v8, v11  }
0x7e: {  	vm9 =	vgt.s32 v12, $0x0  }
0x7f: {  	v12 =	vnsel vm9, $0x0, v12  }
0x80: {  	v12 =	vmin.u32 v12, $0xFF  }
0x81: {  	v12 =	vshll.u32 v12, $0x4  }
0x82: {  	v12 =	vand.u32 $0x1F0, v12;
	v11 =	vld.idx.msk [tilespmem:v11+s1+$0x0], $0xffff  }
0x83: {  	v13 =	vadd.s32 s26, v2;
	v12 =	vor.u32 v8, v12  }
0x84: {  	s9 =	sadd.s32 s9, s11;
	vm10 =	vgt.s32 v13, $0x0  }
0x85: {  	s9 =	sshra.s32 s9, $0x2;
	v13 =	vnsel vm10, $0x0, v13  }
0x86: {  	s14 =	sadd.s32 $0xFFFC0280, s9;
	v13 =	vmin.u32 v13, $0xFF  }
0x87: {  	[tilespmem:s14+$0x0] =	vst v11;
	v11 =	vshll.u32 v13, $0x4  }
0x88: {  	v12 =	vld.idx.msk [tilespmem:v12+s1+$0x0], $0xffff;
	v11 =	vand.u32 $0x1F0, v11  }
0x89: {  	v13 =	vadd.s32 s26, v3;
	v11 =	vor.u32 v8, v11  }
0x8a: {  	vm11 =	vgt.s32 v13, $0x0  }
0x8b: {  	v13 =	vnsel vm11, $0x0, v13  }
0x8c: {  	v13 =	vmin.u32 v13, $0xFF  }
0x8d: {  	[tilespmem:s14+$0x10] =	vst v12;
	v12 =	vshll.u32 v13, $0x4  }
0x8e: {  	v11 =	vld.idx.msk [tilespmem:v11+s1+$0x0], $0xffff;
	v12 =	vand.u32 $0x1F0, v12  }
0x8f: {  	v13 =	vadd.s32 s26, v4;
	v12 =	vor.u32 v8, v12  }
0x90: {  	vm12 =	vgt.s32 v13, $0x0  }
0x91: {  	v13 =	vnsel vm12, $0x0, v13  }
0x92: {  	v13 =	vmin.u32 v13, $0xFF  }
0x93: {  	[tilespmem:s14+$0x20] =	vst v11;
	v11 =	vshll.u32 v13, $0x4  }
0x94: {  	v12 =	vld.idx.msk [tilespmem:v12+s1+$0x0], $0xffff;
	v11 =	vand.u32 $0x1F0, v11  }
0x95: {  	v13 =	vadd.s32 s26, v5;
	v11 =	vor.u32 v8, v11  }
0x96: {  	vm13 =	vgt.s32 v13, $0x0  }
0x97: {  	v13 =	vnsel vm13, $0x0, v13  }
0x98: {  	v13 =	vmin.u32 v13, $0xFF  }
0x99: {  	[tilespmem:s14+$0x30] =	vst v12;
	v12 =	vshll.u32 v13, $0x4  }
0x9a: {  	v11 =	vld.idx.msk [tilespmem:v11+s1+$0x0], $0xffff;
	v12 =	vand.u32 $0x1F0, v12  }
0x9b: {  	v13 =	vadd.s32 s26, v6;
	v12 =	vor.u32 v8, v12  }
0x9c: {  	vm14 =	vgt.s32 v13, $0x0  }
0x9d: {  	v13 =	vnsel vm14, $0x0, v13  }
0x9e: {  	v13 =	vmin.u32 v13, $0xFF  }
0x9f: {  	[tilespmem:s14+$0x40] =	vst v11;
	v11 =	vshll.u32 v13, $0x4  }
0xa0: {  	v12 =	vld.idx.msk [tilespmem:v12+s1+$0x0], $0xffff;
	v11 =	vand.u32 $0x1F0, v11  }
0xa1: {  	s15 =	sadd.s32 $0x1, s15;
	v13 =	vadd.s32 s26, v7;
	v11 =	vor.u32 v8, v11  }
0xa2: {  	p4 =	slt.u32 s15, s13;
	vm15 =	vgt.s32 v13, $0x0  }
.Ltmp16:
0xa3: {  	v13 =	vnsel vm15, $0x0, v13;
	(pc) =	sbr.rel @!p4 .LBB2_17-.Ltmp16, $4  }
0xa4: {  	v13 =	vmin.u32 v13, $0xFF  }
0xa5: {  	v13 =	vshll.u32 v13, $0x4;
	[tilespmem:s14+$0x50] =	vst v12  }
0xa6: {  	v12 =	vand.u32 $0x1F0, v13;
	v11 =	vld.idx.msk [tilespmem:v11+s1+$0x0], $0xffff  }
0xa7: {  	s26 =	sadd.s32 $0xFFFFFFFF, s26;
	v12 =	vor.u32 v8, v12  }
.LBB2_16:
0xa8: {  	v13 =	vadd.s32 s26, v0;
	s15 =	sadd.s32 $0x1, s15  }
0xa9: {  	vm0 =	vgt.s32 v13, $0x0;
	p4 =	slt.u32 s15, s13  }
0xaa: {  	v13 =	vnsel vm0, $0x0, v13  }
0xab: {  	v13 =	vmin.u32 v13, $0xFF;
	[tilespmem:s14+$0x60] =	vst v11  }
0xac: {  	v11 =	vshll.u32 v13, $0x4;
	v12 =	vld.idx.msk [tilespmem:v12+s1+$0x0], $0xffff  }
0xad: {  	v11 =	vand.u32 $0x1F0, v11  }
0xae: {  	v11 =	vor.u32 v8, v11  }
0xaf: {  	v13 =	vadd.s32 s26, v1  }
0xb0: {  	vm0 =	vgt.s32 v13, $0x0  }
0xb1: {  	v13 =	vnsel vm0, $0x0, v13  }
0xb2: {  	v13 =	vmin.u32 v13, $0xFF;
	[tilespmem:s14+$0x70] =	vst v12  }
0xb3: {  	v12 =	vshll.u32 v13, $0x4;
	v11 =	vld.idx.msk [tilespmem:v11+s1+$0x0], $0xffff  }
0xb4: {  	v12 =	vand.u32 $0x1F0, v12  }
0xb5: {  	v12 =	vor.u32 v8, v12  }
0xb6: {  	v13 =	vadd.s32 s26, v2  }
0xb7: {  	vm0 =	vgt.s32 v13, $0x0  }
0xb8: {  	s14 =	sadd.s32 $0x80, s14;
	v13 =	vnsel vm0, $0x0, v13  }
0xb9: {  	[tilespmem:s14+$0x0] =	vst v11;
	v11 =	vmin.u32 v13, $0xFF  }
0xba: {  	v12 =	vld.idx.msk [tilespmem:v12+s1+$0x0], $0xffff;
	v11 =	vshll.u32 v11, $0x4  }
0xbb: {  	v11 =	vand.u32 $0x1F0, v11  }
0xbc: {  	v11 =	vor.u32 v8, v11  }
0xbd: {  	v13 =	vadd.s32 s26, v3  }
0xbe: {  	vm0 =	vgt.s32 v13, $0x0  }
0xbf: {  	v13 =	vnsel vm0, $0x0, v13  }
0xc0: {  	[tilespmem:s14+$0x10] =	vst v12;
	v12 =	vmin.u32 v13, $0xFF  }
0xc1: {  	v11 =	vld.idx.msk [tilespmem:v11+s1+$0x0], $0xffff;
	v12 =	vshll.u32 v12, $0x4  }
0xc2: {  	v12 =	vand.u32 $0x1F0, v12  }
0xc3: {  	v12 =	vor.u32 v8, v12  }
0xc4: {  	v13 =	vadd.s32 s26, v4  }
0xc5: {  	vm0 =	vgt.s32 v13, $0x0  }
0xc6: {  	v13 =	vnsel vm0, $0x0, v13  }
0xc7: {  	[tilespmem:s14+$0x20] =	vst v11;
	v11 =	vmin.u32 v13, $0xFF  }
0xc8: {  	v12 =	vld.idx.msk [tilespmem:v12+s1+$0x0], $0xffff;
	v11 =	vshll.u32 v11, $0x4  }
0xc9: {  	v11 =	vand.u32 $0x1F0, v11  }
0xca: {  	v11 =	vor.u32 v8, v11  }
0xcb: {  	v13 =	vadd.s32 s26, v5  }
0xcc: {  	vm0 =	vgt.s32 v13, $0x0  }
0xcd: {  	v13 =	vnsel vm0, $0x0, v13  }
0xce: {  	[tilespmem:s14+$0x30] =	vst v12;
	v12 =	vmin.u32 v13, $0xFF  }
0xcf: {  	v11 =	vld.idx.msk [tilespmem:v11+s1+$0x0], $0xffff;
	v12 =	vshll.u32 v12, $0x4  }
0xd0: {  	v12 =	vand.u32 $0x1F0, v12  }
0xd1: {  	v12 =	vor.u32 v8, v12  }
0xd2: {  	v13 =	vadd.s32 s26, v6  }
0xd3: {  	vm0 =	vgt.s32 v13, $0x0  }
0xd4: {  	v13 =	vnsel vm0, $0x0, v13  }
0xd5: {  	[tilespmem:s14+$0x40] =	vst v11;
	v11 =	vmin.u32 v13, $0xFF  }
0xd6: {  	v12 =	vld.idx.msk [tilespmem:v12+s1+$0x0], $0xffff;
	v11 =	vshll.u32 v11, $0x4  }
0xd7: {  	v11 =	vand.u32 $0x1F0, v11  }
0xd8: {  	v11 =	vor.u32 v8, v11  }
0xd9: {  	v13 =	vadd.s32 s26, v7  }
0xda: {  	vm0 =	vgt.s32 v13, $0x0  }
.Ltmp17:
0xdb: {  	v13 =	vnsel vm0, $0x0, v13;
	(pc) =	sbr.rel @p4 .LBB2_16-.Ltmp17, $4  }
0xdc: {  	[tilespmem:s14+$0x50] =	vst v12;
	v12 =	vmin.u32 v13, $0xFF  }
0xdd: {  	v11 =	vld.idx.msk [tilespmem:v11+s1+$0x0], $0xffff;
	v12 =	vshll.u32 v12, $0x4  }
0xde: {  	v12 =	vand.u32 $0x1F0, v12  }
0xdf: {  	s26 =	sadd.s32 $0xFFFFFFFF, s26;
	v12 =	vor.u32 v8, v12  }
.LBB2_17:
0xe0: {  	_ =	sdelay $0x2  }
0xe1: {  	[tilespmem:s14+$0x60] =	vst v11  }
0xe2: {  	v11 =	vld.idx.msk [tilespmem:v12+s1+$0x0], $0xffff;
	_ =	sdelay $0x4  }
0xe3: {  	[tilespmem:s14+$0x70] =	vst v11  }
.LBB2_18:
0xe4: {  	p4 =	sgt.u32 s7, $0x6FF  }
.Ltmp18:
0xe5: {  	_ = 	snop;
	(pc) =	sbr.rel @p4 .LBB2_22-.Ltmp18, $1  }
0xe6: {  	_ =	sdelay $0x3  }
0xe7: {  	p4 =	sgt.s32 s12, $0x680  }
0xe8: {  	s12 =	simm.s32 @!p4 $0x680  }
0xe9: {  	s7 =	smin.u32 s12, $0x700  }
0xea: {  	s9 =	sshll.u32 s7, $0x9  }
0xeb: {  	s9 =	sadd.s32 s9, s11  }
0xec: {  	s9 =	sshra.s32 s9, $0x2  }
0xed: {  	s26 =	sadd.s32 $0xFFFFF97F, s7;
	s7 =	sadd.s32 $0xFFFCC200, s9  }
0xee: {  	s11 =	sadd.s32 $0x1, s26;
	[tilespmem:s7+$0x0] =	vst v10  }
0xef: {  	p4 =	slt.u32 s11, $0x7F;
	[tilespmem:s7+$0x70] =	vst v10  }
.Ltmp19:
0xf0: {  	[tilespmem:s7+$0x60] =	vst v10;
	(pc) =	sbr.rel @!p4 .LBB2_21-.Ltmp19, $4  }
0xf1: {  	[tilespmem:s7+$0x50] =	vst v10  }
0xf2: {  	[tilespmem:s7+$0x40] =	vst v10  }
0xf3: {  	[tilespmem:s7+$0x30] =	vst v10  }
0xf4: {  	[tilespmem:s7+$0x20] =	vst v10  }
.LBB2_20:
0xf5: {  	s11 =	sadd.s32 $0x1, s11;
	[tilespmem:s7+$0x10] =	vst v10;
	s7 =	sadd.s32 $0x80, s7  }
0xf6: {  	[tilespmem:s7+$0x0] =	vst v10;
	p4 =	slt.u32 s11, $0x7F  }
0xf7: {  	[tilespmem:s7+$0x70] =	vst v10  }
.Ltmp20:
0xf8: {  	[tilespmem:s7+$0x60] =	vst v10;
	(pc) =	sbr.rel @p4 .LBB2_20-.Ltmp20, $4  }
0xf9: {  	[tilespmem:s7+$0x50] =	vst v10  }
0xfa: {  	[tilespmem:s7+$0x40] =	vst v10  }
0xfb: {  	[tilespmem:s7+$0x30] =	vst v10  }
0xfc: {  	[tilespmem:s7+$0x20] =	vst v10  }
.Ltmp21:
0xfd: {  	_ = 	snop;
	(pc) =	sbr.rel .LBB2_21-.Ltmp21, $1  }
0xfe: {  	_ =	sdelay $0x3  }
.LBB2_23:
0xff: {  	p3 =	seq.s32 s8, $0x1  }
.Ltmp22:
0x100: {  	_ = 	snop;
	(pc) =	sbr.rel @p3 .LBB2_25-.Ltmp22, $3  }
0x101: {  	_ =	sdelay $0x1  }
0x102: {  	[hbm4b:s31+s16] =	stream.strided.scatter [tilespmem:s18], [sflag:$0x1], $0x4000, s17, s16, $0x38;
	[tilespmem:$0x10200] =	vst v63  }
0x103: {  	s5 =	sadd.s32 $0xFFFFFFFF, s8;
	s7 =	smov.u32 s31  }
.LBB2_24:
0x104: {  	p3 =	seq.s32 s5, $0x1  }
.Ltmp23:
0x105: {  	_ = 	snop;
	(pc) =	sbr.rel @!p3 .LBB2_24-.Ltmp23, $3  }
0x106: {  	_ = 	snop  }
0x107: {  	s5 =	sadd.s32 $0xFFFFFFFF, s5;
	s7 =	sadd.s32 $0x8080, s7;
	_ =	sdelay $0x1  }
0x108: {  	[hbm4b:s7+s16] =	stream.strided.scatter [tilespmem:s18], [sflag:$0x1], $0x4000, s17, s16, $0x38;
	[tilespmem:$0x10200] =	vst v63  }
.LBB2_25:
.Ltmp24:
0x109: {  	(pc) =	sbr.rel @p0 .LBB2_28-.Ltmp24, $1  }
0x10a: {  	_ =	sdelay $0x3  }
0x10b: {  	p3 =	sne.s32 s6, $0x1  }
.Ltmp25:
0x10c: {  	_ = 	snop;
	(pc) =	sbr.rel @!p3 .LBB2_28-.Ltmp25, $3  }
0x10d: {  	_ =	sdelay $0x1  }
0x10e: {  	[hbm4b:s30+s16] =	stream.strided.scatter [tilespmem:s25], [sflag:$0x2], $0x4000, s17, s16, $0x38;
	[tilespmem:$0x10200] =	vst v63  }
0x10f: {  	s5 =	sadd.s32 $0xFFFFFFFF, s6;
	s7 =	smov.u32 s30  }
.LBB2_27:
0x110: {  	p3 =	sne.s32 s5, $0x1  }
.Ltmp26:
0x111: {  	_ = 	snop;
	(pc) =	sbr.rel @p3 .LBB2_27-.Ltmp26, $3  }
0x112: {  	_ = 	snop  }
0x113: {  	s5 =	sadd.s32 $0xFFFFFFFF, s5;
	s7 =	sadd.s32 $0x8080, s7;
	_ =	sdelay $0x1  }
0x114: {  	[hbm4b:s7+s16] =	stream.strided.scatter [tilespmem:s25], [sflag:$0x2], $0x4000, s17, s16, $0x38;
	[tilespmem:$0x10200] =	vst v63  }
.LBB2_28:
.Ltmp27:
0x115: {  	(pc) =	sbr.rel @p2 .LBB2_35-.Ltmp27, $1  }
0x116: {  	_ =	sdelay $0x3  }
0x117: {  	p2 =	seq.s32 s8, $0x1  }
.Ltmp28:
0x118: {  	_ = 	snop;
	(pc) =	sbr.rel @p2 .LBB2_31-.Ltmp28, $3  }
0x119: {  	_ =	sdelay $0x1  }
0x11a: {  	_ =	swait.ge [sflag:s21], $0x4000  }
0x11b: {  	s5 =	sadd.s32 $0xFFFFFFFF, s8;
	[sflag:s21] =	ssyncset.done $0x0  }
.LBB2_30:
0x11c: {  	p2 =	seq.s32 s5, $0x1;
	s5 =	sadd.s32 $0xFFFFFFFF, s5;
	[sflag:s21] =	ssyncadd.s32 $0xFFFFC000  }
.Ltmp29:
0x11d: {  	(pc) =	sbr.rel @!p2 .LBB2_30-.Ltmp29, $3  }
0x11e: {  	_ =	sdelay $0x1  }
0x11f: {  	_ =	swait.ge [sflag:s21], $0x4000  }
0x120: {  	[sflag:s21] =	ssyncset.done $0x0  }
.LBB2_31:
.Ltmp30:
0x121: {  	(pc) =	sbr.rel @p0 .LBB2_35-.Ltmp30, $2  }
0x122: {  	_ =	sdelay $0x2  }
0x123: {  	[sflag:s21] =	ssyncadd.s32 $0xFFFFC000  }
0x124: {  	p2 =	sne.s32 s6, $0x1  }
.Ltmp31:
0x125: {  	_ = 	snop;
	(pc) =	sbr.rel @!p2 .LBB2_34-.Ltmp31, $3  }
0x126: {  	_ =	sdelay $0x1  }
0x127: {  	_ =	swait.ge [sflag:s22], $0x4000  }
0x128: {  	s5 =	sadd.s32 $0xFFFFFFFF, s6;
	[sflag:s22] =	ssyncset.done $0x0  }
.LBB2_33:
0x129: {  	p2 =	sne.s32 s5, $0x1;
	s5 =	sadd.s32 $0xFFFFFFFF, s5;
	[sflag:s22] =	ssyncadd.s32 $0xFFFFC000  }
.Ltmp32:
0x12a: {  	(pc) =	sbr.rel @p2 .LBB2_33-.Ltmp32, $3  }
0x12b: {  	_ =	sdelay $0x1  }
0x12c: {  	_ =	swait.ge [sflag:s22], $0x4000  }
0x12d: {  	[sflag:s22] =	ssyncset.done $0x0  }
.LBB2_34:
0x12e: {  	[sflag:s22] =	ssyncadd.s32 $0xFFFFC000  }
.LBB2_35:
.Ltmp33:
0x12f: {  	(pc) =	sbr.rel .LBB2_36-.Ltmp33, $3  }
0x130: {  	_ =	sdelay $0x1  }
0x131: {  	s5 =	sor.u32 $0x1, s2;
	s26 =	sor.u32 $0x1F1, s2  }
0x132: {  	s7 =	simm.s32 $0x0;
	p3 =	por $0x1, $0x1;
	s2 =	smov.u32 s3;
	v8 =	vmov s5;
	v9 =	vmov s26  }
.LBB2_47:
0x133: {  	[tilespmem:s5+$0x10] =	vst v10  }
.LBB2_48:
.Ltmp34:
0x134: {  	(pc) =	sbr.rel @!p2 .LBB2_49-.Ltmp34, $2  }
0x135: {  	_ =	sdelay $0x2  }
0x136: {  	s2 =	sadd.s32 $0x800, s2;
	s7 =	simm.s32 $0x1;
	p3 =	por $0x0, $0x0  }
.LBB2_36:
0x137: {  	_ =	sdelay $0x3  }
.Ltmp35:
0x138: {  	v10 =	vld.idx.msk [tilespmem:v8+s1+$0x0], $0xffff;
	(pc) =	sbr.rel @p3 .LBB2_40-.Ltmp35, $2  }
0x139: {  	_ =	sdelay $0x2  }
0x13a: {  	p2 =	por p3, p3  }
0x13b: {  	_ = 	snop  }
0x13c: {  	s9 =	sshll.u32 s7, $0xE  }
0x13d: {  	s9 =	sand.u32 $0x3FFFC000, s9  }
0x13e: {  	s9 =	sor.u32 $0x200, s9  }
0x13f: {  	v11 =	vld.idx.msk [tilespmem:v9+s1+$0x0], $0xffff;
	v12 =	vmov s9  }
0x140: {  	p3 =	sgt.s32 s2, $0x800;
	s5 =	smov.u32 s2  }
0x141: {  	s5 =	simm.s32 @!p3 $0x800  }
0x142: {  	s5 =	smin.u32 s5, $0x87F  }
0x143: {  	s11 =	simm.s32 $0x0;
	s5 =	sshll.u32 s5, $0x9  }
0x144: {  	s5 =	sadd.s32 $0xFFF00200, s5;
	[tilespmem:v12+s11+$0x8000 ss:$0x1] =	vst.idx.msk $0xffff, v11  }
0x145: {  	p3 =	seq.s32 s5, $0x200;
	[tilespmem:v12+s11+$0x8010 ss:$0x1] =	vst.idx.msk $0xffff, v11  }
.Ltmp36:
0x146: {  	[tilespmem:v12+s11+$0x8020 ss:$0x1] =	vst.idx.msk $0xffff, v11;
	(pc) =	sbr.rel @p3 .LBB2_39-.Ltmp36, $4  }
0x147: {  	[tilespmem:v12+s11+$0x8030 ss:$0x1] =	vst.idx.msk $0xffff, v11  }
0x148: {  	[tilespmem:v12+s11+$0x8040 ss:$0x1] =	vst.idx.msk $0xffff, v11  }
0x149: {  	[tilespmem:v12+s11+$0x8050 ss:$0x1] =	vst.idx.msk $0xffff, v11  }
0x14a: {  	s12 =	simm.s32 $0x200;
	[tilespmem:v12+s11+$0x8060 ss:$0x1] =	vst.idx.msk $0xffff, v11  }
.LBB2_38:
0x14b: {  	[tilespmem:v12+s11+$0x8070 ss:$0x1] =	vst.idx.msk $0xffff, v11;
	s11 =	sshra.s32 s12, $0x2;
	s12 =	sadd.s32 $0x200, s12  }
0x14c: {  	[tilespmem:v12+s11+$0x8000 ss:$0x1] =	vst.idx.msk $0xffff, v11;
	p3 =	seq.s32 s5, s12  }
0x14d: {  	[tilespmem:v12+s11+$0x8010 ss:$0x1] =	vst.idx.msk $0xffff, v11  }
.Ltmp37:
0x14e: {  	[tilespmem:v12+s11+$0x8020 ss:$0x1] =	vst.idx.msk $0xffff, v11;
	(pc) =	sbr.rel @!p3 .LBB2_38-.Ltmp37, $4  }
0x14f: {  	[tilespmem:v12+s11+$0x8030 ss:$0x1] =	vst.idx.msk $0xffff, v11  }
0x150: {  	[tilespmem:v12+s11+$0x8040 ss:$0x1] =	vst.idx.msk $0xffff, v11  }
0x151: {  	[tilespmem:v12+s11+$0x8050 ss:$0x1] =	vst.idx.msk $0xffff, v11  }
0x152: {  	[tilespmem:v12+s11+$0x8060 ss:$0x1] =	vst.idx.msk $0xffff, v11  }
.LBB2_39:
0x153: {  	_ =	sdelay $0x3  }
0x154: {  	[tilespmem:v12+s11+$0x8070 ss:$0x1] =	vst.idx.msk $0xffff, v11  }
.LBB2_40:
0x155: {  	s13 =	sshll.u32 s7, $0xB  }
0x156: {  	s5 =	sor.u32 s3, s13  }
0x157: {  	p3 =	sgt.s32 s5, $0x7FF  }
0x158: {  	s9 =	smov.u32 s5;
	p4 =	sgt.s32 s5, $0x680;
	s11 =	smov.u32 s5  }
0x159: {  	s9 =	simm.s32 @!p3 $0x7FF;
	s11 =	simm.s32 @!p4 $0x680  }
0x15a: {  	s9 =	smin.u32 s9, $0x87F;
	s11 =	smin.u32 s11, $0x700  }
0x15b: {  	s14 =	sadd.s32 $0xFFFFF801, s9;
	s12 =	sadd.s32 $0xFFFFF980, s11  }
0x15c: {  	p3 =	sge.u32 s14, s12  }
.Ltmp38:
0x15d: {  	_ = 	snop;
	(pc) =	sbr.rel @p3 .LBB2_44-.Ltmp38, $2  }
0x15e: {  	_ =	sdelay $0x2  }
0x15f: {  	s7 =	sshll.u32 s7, $0x10;
	s11 =	sadd.s32 s13, s3  }
0x160: {  	p3 =	sgt.s32 s11, $0x7FF;
	s9 =	smov.u32 s11  }
0x161: {  	s9 =	simm.s32 @!p3 $0x7FF  }
0x162: {  	s13 =	sadd.s32 s13, s10;
	s9 =	smin.u32 s9, $0x87F  }
0x163: {  	s15 =	sshll.u32 s9, $0x9;
	s9 =	ssub.s32 s13, s9  }
0x164: {  	v11 =	vadd.s32 s9, v0  }
0x165: {  	vm0 =	vgt.s32 v11, $0x0  }
0x166: {  	v11 =	vnsel vm0, $0x0, v11  }
0x167: {  	v11 =	vmin.u32 v11, $0xFF  }
0x168: {  	v11 =	vshll.u32 v11, $0x4  }
0x169: {  	v11 =	vand.u32 $0x1F0, v11  }
0x16a: {  	v12 =	vadd.s32 s9, v1;
	v11 =	vor.u32 v8, v11  }
0x16b: {  	vm9 =	vgt.s32 v12, $0x0  }
0x16c: {  	v12 =	vnsel vm9, $0x0, v12  }
0x16d: {  	v12 =	vmin.u32 v12, $0xFF  }
0x16e: {  	v12 =	vshll.u32 v12, $0x4  }
0x16f: {  	v12 =	vand.u32 $0x1F0, v12;
	v11 =	vld.idx.msk [tilespmem:v11+s1+$0x0], $0xffff  }
0x170: {  	v13 =	vadd.s32 s9, v2;
	v12 =	vor.u32 v8, v12  }
0x171: {  	s15 =	sadd.s32 s15, s7;
	vm10 =	vgt.s32 v13, $0x0  }
0x172: {  	s26 =	sshra.s32 s15, $0x2;
	v13 =	vnsel vm10, $0x0, v13  }
0x173: {  	s13 =	sadd.s32 $0xFFFC8280, s26;
	v13 =	vmin.u32 v13, $0xFF  }
0x174: {  	[tilespmem:s13+$0x0] =	vst v11;
	v11 =	vshll.u32 v13, $0x4  }
0x175: {  	v12 =	vld.idx.msk [tilespmem:v12+s1+$0x0], $0xffff;
	v11 =	vand.u32 $0x1F0, v11  }
0x176: {  	v13 =	vadd.s32 s9, v3;
	v11 =	vor.u32 v8, v11  }
0x177: {  	vm11 =	vgt.s32 v13, $0x0  }
0x178: {  	v13 =	vnsel vm11, $0x0, v13  }
0x179: {  	v13 =	vmin.u32 v13, $0xFF  }
0x17a: {  	[tilespmem:s13+$0x10] =	vst v12;
	v12 =	vshll.u32 v13, $0x4  }
0x17b: {  	v11 =	vld.idx.msk [tilespmem:v11+s1+$0x0], $0xffff;
	v12 =	vand.u32 $0x1F0, v12  }
0x17c: {  	v13 =	vadd.s32 s9, v4;
	v12 =	vor.u32 v8, v12  }
0x17d: {  	vm12 =	vgt.s32 v13, $0x0  }
0x17e: {  	v13 =	vnsel vm12, $0x0, v13  }
0x17f: {  	v13 =	vmin.u32 v13, $0xFF  }
0x180: {  	[tilespmem:s13+$0x20] =	vst v11;
	v11 =	vshll.u32 v13, $0x4  }
0x181: {  	v12 =	vld.idx.msk [tilespmem:v12+s1+$0x0], $0xffff;
	v11 =	vand.u32 $0x1F0, v11  }
0x182: {  	v13 =	vadd.s32 s9, v5;
	v11 =	vor.u32 v8, v11  }
0x183: {  	vm13 =	vgt.s32 v13, $0x0  }
0x184: {  	v13 =	vnsel vm13, $0x0, v13  }
0x185: {  	v13 =	vmin.u32 v13, $0xFF  }
0x186: {  	[tilespmem:s13+$0x30] =	vst v12;
	v12 =	vshll.u32 v13, $0x4  }
0x187: {  	v11 =	vld.idx.msk [tilespmem:v11+s1+$0x0], $0xffff;
	v12 =	vand.u32 $0x1F0, v12  }
0x188: {  	v13 =	vadd.s32 s9, v6;
	v12 =	vor.u32 v8, v12  }
0x189: {  	vm14 =	vgt.s32 v13, $0x0  }
0x18a: {  	v13 =	vnsel vm14, $0x0, v13  }
0x18b: {  	v13 =	vmin.u32 v13, $0xFF  }
0x18c: {  	[tilespmem:s13+$0x40] =	vst v11;
	v11 =	vshll.u32 v13, $0x4  }
0x18d: {  	v12 =	vld.idx.msk [tilespmem:v12+s1+$0x0], $0xffff;
	v11 =	vand.u32 $0x1F0, v11  }
0x18e: {  	s14 =	sadd.s32 $0x1, s14;
	v13 =	vadd.s32 s9, v7;
	v11 =	vor.u32 v8, v11  }
0x18f: {  	p3 =	slt.u32 s14, s12;
	vm15 =	vgt.s32 v13, $0x0  }
.Ltmp39:
0x190: {  	v13 =	vnsel vm15, $0x0, v13;
	(pc) =	sbr.rel @!p3 .LBB2_43-.Ltmp39, $4  }
0x191: {  	v13 =	vmin.u32 v13, $0xFF  }
0x192: {  	v13 =	vshll.u32 v13, $0x4;
	[tilespmem:s13+$0x50] =	vst v12  }
0x193: {  	v12 =	vand.u32 $0x1F0, v13;
	v11 =	vld.idx.msk [tilespmem:v11+s1+$0x0], $0xffff  }
0x194: {  	s15 =	sadd.s32 $0xFFFFFFFF, s9;
	v12 =	vor.u32 v8, v12  }
.LBB2_42:
0x195: {  	v13 =	vadd.s32 s15, v0;
	s14 =	sadd.s32 $0x1, s14  }
0x196: {  	vm0 =	vgt.s32 v13, $0x0;
	p3 =	slt.u32 s14, s12  }
0x197: {  	v13 =	vnsel vm0, $0x0, v13  }
0x198: {  	v13 =	vmin.u32 v13, $0xFF;
	[tilespmem:s13+$0x60] =	vst v11  }
0x199: {  	v11 =	vshll.u32 v13, $0x4;
	v12 =	vld.idx.msk [tilespmem:v12+s1+$0x0], $0xffff  }
0x19a: {  	v11 =	vand.u32 $0x1F0, v11  }
0x19b: {  	v11 =	vor.u32 v8, v11  }
0x19c: {  	v13 =	vadd.s32 s15, v1  }
0x19d: {  	vm0 =	vgt.s32 v13, $0x0  }
0x19e: {  	v13 =	vnsel vm0, $0x0, v13  }
0x19f: {  	v13 =	vmin.u32 v13, $0xFF;
	[tilespmem:s13+$0x70] =	vst v12  }
0x1a0: {  	v12 =	vshll.u32 v13, $0x4;
	v11 =	vld.idx.msk [tilespmem:v11+s1+$0x0], $0xffff  }
0x1a1: {  	v12 =	vand.u32 $0x1F0, v12  }
0x1a2: {  	v12 =	vor.u32 v8, v12  }
0x1a3: {  	v13 =	vadd.s32 s15, v2  }
0x1a4: {  	vm0 =	vgt.s32 v13, $0x0  }
0x1a5: {  	s13 =	sadd.s32 $0x80, s13;
	v13 =	vnsel vm0, $0x0, v13  }
0x1a6: {  	[tilespmem:s13+$0x0] =	vst v11;
	v11 =	vmin.u32 v13, $0xFF  }
0x1a7: {  	v12 =	vld.idx.msk [tilespmem:v12+s1+$0x0], $0xffff;
	v11 =	vshll.u32 v11, $0x4  }
0x1a8: {  	v11 =	vand.u32 $0x1F0, v11  }
0x1a9: {  	v11 =	vor.u32 v8, v11  }
0x1aa: {  	v13 =	vadd.s32 s15, v3  }
0x1ab: {  	vm0 =	vgt.s32 v13, $0x0  }
0x1ac: {  	v13 =	vnsel vm0, $0x0, v13  }
0x1ad: {  	[tilespmem:s13+$0x10] =	vst v12;
	v12 =	vmin.u32 v13, $0xFF  }
0x1ae: {  	v11 =	vld.idx.msk [tilespmem:v11+s1+$0x0], $0xffff;
	v12 =	vshll.u32 v12, $0x4  }
0x1af: {  	v12 =	vand.u32 $0x1F0, v12  }
0x1b0: {  	v12 =	vor.u32 v8, v12  }
0x1b1: {  	v13 =	vadd.s32 s15, v4  }
0x1b2: {  	vm0 =	vgt.s32 v13, $0x0  }
0x1b3: {  	v13 =	vnsel vm0, $0x0, v13  }
0x1b4: {  	[tilespmem:s13+$0x20] =	vst v11;
	v11 =	vmin.u32 v13, $0xFF  }
0x1b5: {  	v12 =	vld.idx.msk [tilespmem:v12+s1+$0x0], $0xffff;
	v11 =	vshll.u32 v11, $0x4  }
0x1b6: {  	v11 =	vand.u32 $0x1F0, v11  }
0x1b7: {  	v11 =	vor.u32 v8, v11  }
0x1b8: {  	v13 =	vadd.s32 s15, v5  }
0x1b9: {  	vm0 =	vgt.s32 v13, $0x0  }
0x1ba: {  	v13 =	vnsel vm0, $0x0, v13  }
0x1bb: {  	[tilespmem:s13+$0x30] =	vst v12;
	v12 =	vmin.u32 v13, $0xFF  }
0x1bc: {  	v11 =	vld.idx.msk [tilespmem:v11+s1+$0x0], $0xffff;
	v12 =	vshll.u32 v12, $0x4  }
0x1bd: {  	v12 =	vand.u32 $0x1F0, v12  }
0x1be: {  	v12 =	vor.u32 v8, v12  }
0x1bf: {  	v13 =	vadd.s32 s15, v6  }
0x1c0: {  	vm0 =	vgt.s32 v13, $0x0  }
0x1c1: {  	v13 =	vnsel vm0, $0x0, v13  }
0x1c2: {  	[tilespmem:s13+$0x40] =	vst v11;
	v11 =	vmin.u32 v13, $0xFF  }
0x1c3: {  	v12 =	vld.idx.msk [tilespmem:v12+s1+$0x0], $0xffff;
	v11 =	vshll.u32 v11, $0x4  }
0x1c4: {  	v11 =	vand.u32 $0x1F0, v11  }
0x1c5: {  	v11 =	vor.u32 v8, v11  }
0x1c6: {  	v13 =	vadd.s32 s15, v7  }
0x1c7: {  	vm0 =	vgt.s32 v13, $0x0  }
.Ltmp40:
0x1c8: {  	v13 =	vnsel vm0, $0x0, v13;
	(pc) =	sbr.rel @p3 .LBB2_42-.Ltmp40, $4  }
0x1c9: {  	[tilespmem:s13+$0x50] =	vst v12;
	v12 =	vmin.u32 v13, $0xFF  }
0x1ca: {  	v11 =	vld.idx.msk [tilespmem:v11+s1+$0x0], $0xffff;
	v12 =	vshll.u32 v12, $0x4  }
0x1cb: {  	v12 =	vand.u32 $0x1F0, v12  }
0x1cc: {  	s15 =	sadd.s32 $0xFFFFFFFF, s15;
	v12 =	vor.u32 v8, v12  }
.LBB2_43:
0x1cd: {  	_ =	sdelay $0x2  }
0x1ce: {  	[tilespmem:s13+$0x60] =	vst v11  }
0x1cf: {  	v11 =	vld.idx.msk [tilespmem:v12+s1+$0x0], $0xffff;
	_ =	sdelay $0x4  }
0x1d0: {  	[tilespmem:s13+$0x70] =	vst v11  }
.LBB2_44:
0x1d1: {  	p3 =	sgt.u32 s5, $0x6FF  }
.Ltmp41:
0x1d2: {  	_ = 	snop;
	(pc) =	sbr.rel @p3 .LBB2_48-.Ltmp41, $1  }
0x1d3: {  	_ =	sdelay $0x3  }
0x1d4: {  	p3 =	sgt.s32 s11, $0x680  }
0x1d5: {  	s11 =	simm.s32 @!p3 $0x680  }
0x1d6: {  	s5 =	smin.u32 s11, $0x700  }
0x1d7: {  	s9 =	sshll.u32 s5, $0x9  }
0x1d8: {  	s7 =	sadd.s32 s9, s7  }
0x1d9: {  	s9 =	sshra.s32 s7, $0x2  }
0x1da: {  	s26 =	sadd.s32 $0xFFFFF97F, s5;
	s5 =	sadd.s32 $0xFFFD4200, s9  }
0x1db: {  	s7 =	sadd.s32 $0x1, s26;
	[tilespmem:s5+$0x0] =	vst v10  }
0x1dc: {  	p3 =	slt.u32 s7, $0x7F;
	[tilespmem:s5+$0x70] =	vst v10  }
.Ltmp42:
0x1dd: {  	[tilespmem:s5+$0x60] =	vst v10;
	(pc) =	sbr.rel @!p3 .LBB2_47-.Ltmp42, $4  }
0x1de: {  	[tilespmem:s5+$0x50] =	vst v10  }
0x1df: {  	[tilespmem:s5+$0x40] =	vst v10  }
0x1e0: {  	[tilespmem:s5+$0x30] =	vst v10  }
0x1e1: {  	[tilespmem:s5+$0x20] =	vst v10  }
.LBB2_46:
0x1e2: {  	s7 =	sadd.s32 $0x1, s7;
	[tilespmem:s5+$0x10] =	vst v10;
	s5 =	sadd.s32 $0x80, s5  }
0x1e3: {  	[tilespmem:s5+$0x0] =	vst v10;
	p3 =	slt.u32 s7, $0x7F  }
0x1e4: {  	[tilespmem:s5+$0x70] =	vst v10  }
.Ltmp43:
0x1e5: {  	[tilespmem:s5+$0x60] =	vst v10;
	(pc) =	sbr.rel @p3 .LBB2_46-.Ltmp43, $4  }
0x1e6: {  	[tilespmem:s5+$0x50] =	vst v10  }
0x1e7: {  	[tilespmem:s5+$0x40] =	vst v10  }
0x1e8: {  	[tilespmem:s5+$0x30] =	vst v10  }
0x1e9: {  	[tilespmem:s5+$0x20] =	vst v10  }
.Ltmp44:
0x1ea: {  	_ = 	snop;
	(pc) =	sbr.rel .LBB2_47-.Ltmp44, $1  }
0x1eb: {  	_ =	sdelay $0x3  }
.LBB2_49:
0x1ec: {  	p2 =	seq.s32 s8, $0x1  }
.Ltmp45:
0x1ed: {  	_ = 	snop;
	(pc) =	sbr.rel @p2 .LBB2_51-.Ltmp45, $3  }
0x1ee: {  	_ =	sdelay $0x1  }
0x1ef: {  	[hbm4b:s29+s16] =	stream.strided.scatter [tilespmem:s19], [sflag:$0x3], $0x4000, s17, s16, $0x38;
	[tilespmem:$0x10200] =	vst v63  }
0x1f0: {  	s2 =	sadd.s32 $0xFFFFFFFF, s8;
	s5 =	smov.u32 s29  }
.LBB2_50:
0x1f1: {  	p2 =	seq.s32 s2, $0x1  }
.Ltmp46:
0x1f2: {  	_ = 	snop;
	(pc) =	sbr.rel @!p2 .LBB2_50-.Ltmp46, $3  }
0x1f3: {  	_ = 	snop  }
0x1f4: {  	s2 =	sadd.s32 $0xFFFFFFFF, s2;
	s5 =	sadd.s32 $0x8080, s5;
	_ =	sdelay $0x1  }
0x1f5: {  	[hbm4b:s5+s16] =	stream.strided.scatter [tilespmem:s19], [sflag:$0x3], $0x4000, s17, s16, $0x38;
	[tilespmem:$0x10200] =	vst v63  }
.LBB2_51:
.Ltmp47:
0x1f6: {  	(pc) =	sbr.rel @p0 .LBB2_54-.Ltmp47, $1  }
0x1f7: {  	_ =	sdelay $0x3  }
0x1f8: {  	p2 =	sne.s32 s6, $0x1  }
.Ltmp48:
0x1f9: {  	_ = 	snop;
	(pc) =	sbr.rel @!p2 .LBB2_54-.Ltmp48, $3  }
0x1fa: {  	_ =	sdelay $0x1  }
0x1fb: {  	[hbm4b:s28+s16] =	stream.strided.scatter [tilespmem:s24], [sflag:$0x4], $0x4000, s17, s16, $0x38;
	[tilespmem:$0x10200] =	vst v63  }
0x1fc: {  	s2 =	sadd.s32 $0xFFFFFFFF, s6;
	s5 =	smov.u32 s28  }
.LBB2_53:
0x1fd: {  	p2 =	sne.s32 s2, $0x1  }
.Ltmp49:
0x1fe: {  	_ = 	snop;
	(pc) =	sbr.rel @p2 .LBB2_53-.Ltmp49, $3  }
0x1ff: {  	_ = 	snop  }
0x200: {  	s2 =	sadd.s32 $0xFFFFFFFF, s2;
	s5 =	sadd.s32 $0x8080, s5;
	_ =	sdelay $0x1  }
0x201: {  	[hbm4b:s5+s16] =	stream.strided.scatter [tilespmem:s24], [sflag:$0x4], $0x4000, s17, s16, $0x38;
	[tilespmem:$0x10200] =	vst v63  }
.Ltmp50:
0x202: {  	_ = 	snop;
	(pc) =	sbr.rel .LBB2_54-.Ltmp50, $1  }
0x203: {  	_ =	sdelay $0x3  }
.LBB2_55:
0x204: {  	p2 =	seq.s32 s8, $0x1  }
.Ltmp51:
0x205: {  	_ = 	snop;
	(pc) =	sbr.rel @p2 .LBB2_57-.Ltmp51, $3  }
0x206: {  	_ =	sdelay $0x1  }
0x207: {  	_ =	swait.ge [sflag:s20], $0x4000  }
0x208: {  	s0 =	sadd.s32 $0xFFFFFFFF, s8;
	[sflag:s20] =	ssyncset.done $0x0  }
.LBB2_56:
0x209: {  	p2 =	seq.s32 s0, $0x1;
	s0 =	sadd.s32 $0xFFFFFFFF, s0;
	[sflag:s20] =	ssyncadd.s32 $0xFFFFC000  }
.Ltmp52:
0x20a: {  	(pc) =	sbr.rel @!p2 .LBB2_56-.Ltmp52, $3  }
0x20b: {  	_ =	sdelay $0x1  }
0x20c: {  	_ =	swait.ge [sflag:s20], $0x4000  }
0x20d: {  	[sflag:s20] =	ssyncset.done $0x0  }
.LBB2_57:
.Ltmp53:
0x20e: {  	(pc) =	sbr.rel @!p1 .LBB2_61-.Ltmp53, $2  }
0x20f: {  	_ =	sdelay $0x2  }
0x210: {  	[sflag:s20] =	ssyncadd.s32 $0xFFFFC000;
	s2 =	rddreg [dreg:$0xa];
	s0 =	smov.u32 s8  }
0x211: {  	p2 =	seq.s32 s6, $0x1  }
.Ltmp54:
0x212: {  	_ = 	snop;
	(pc) =	sbr.rel @p2 .LBB2_60-.Ltmp54, $3  }
0x213: {  	_ =	sdelay $0x1  }
0x214: {  	_ =	swait.ge [sflag:s23], $0x4000  }
0x215: {  	s0 =	sadd.s32 $0xFFFFFFFF, s6;
	[sflag:s23] =	ssyncset.done $0x0  }
.LBB2_59:
0x216: {  	p2 =	seq.s32 s0, $0x1;
	s0 =	sadd.s32 $0xFFFFFFFF, s0;
	[sflag:s23] =	ssyncadd.s32 $0xFFFFC000  }
.Ltmp55:
0x217: {  	(pc) =	sbr.rel @!p2 .LBB2_59-.Ltmp55, $3  }
0x218: {  	_ =	sdelay $0x1  }
0x219: {  	_ =	swait.ge [sflag:s23], $0x4000  }
0x21a: {  	[sflag:s23] =	ssyncset.done $0x0  }
.LBB2_60:
0x21b: {  	[sflag:s23] =	ssyncadd.s32 $0xFFFFC000;
	s0 =	smov.u32 s8  }
.LBB2_61:
0x21c: {  	p2 =	seq.s32 s0, $0x1  }
.Ltmp56:
0x21d: {  	_ = 	snop;
	(pc) =	sbr.rel @!p2 .LBB2_61-.Ltmp56, $4  }
0x21e: {  	_ = 	snop  }
0x21f: {  	_ =	swait.ge [sflag:s21], $0x4000  }
0x220: {  	[sflag:s21] =	ssyncset.done $0x0  }
0x221: {  	s0 =	sadd.s32 $0xFFFFFFFF, s0;
	[sflag:s21] =	ssyncadd.s32 $0xFFFFC000  }
.Ltmp57:
0x222: {  	(pc) =	sbr.rel @p0 .LBB2_66-.Ltmp57, $1  }
0x223: {  	_ =	sdelay $0x3  }
0x224: {  	p2 =	sne.s32 s6, $0x1  }
.Ltmp58:
0x225: {  	_ = 	snop;
	(pc) =	sbr.rel @!p2 .LBB2_65-.Ltmp58, $3  }
0x226: {  	_ =	sdelay $0x1  }
0x227: {  	_ =	swait.ge [sflag:s22], $0x4000  }
0x228: {  	s0 =	sadd.s32 $0xFFFFFFFF, s6;
	[sflag:s22] =	ssyncset.done $0x0  }
.LBB2_64:
0x229: {  	p2 =	sne.s32 s0, $0x1;
	s0 =	sadd.s32 $0xFFFFFFFF, s0;
	[sflag:s22] =	ssyncadd.s32 $0xFFFFC000  }
.Ltmp59:
0x22a: {  	(pc) =	sbr.rel @p2 .LBB2_64-.Ltmp59, $3  }
0x22b: {  	_ =	sdelay $0x1  }
0x22c: {  	_ =	swait.ge [sflag:s22], $0x4000  }
0x22d: {  	[sflag:s22] =	ssyncset.done $0x0  }
.Ltmp60:
0x22e: {  	_ = 	snop;
	(pc) =	sbr.rel .LBB2_65-.Ltmp60, $1  }
0x22f: {  	_ =	sdelay $0x3  }
.LBB2_67:
0x230: {  	_ =	sfence.sel $0x180000  }
0x231: {  	[bflag:$0x0] =	sbarrier.arrive $0xFFFF  }
0x232: {  	_ =	strace $0x90000047  }
0x233: {  	s0 =	stileid.u32;
	[bflag:$0x2] =	sbarrier.arrive $0xFFFF  }
0x234: {  	p0 =	sne.s32 s0, $0x0;
	s0 =	rddreg [dreg:$0x2]  }
0x235: {  	s0 =	sadd.s32 @!p0 $0x100000, s0  }
0x236: {  	[sflag:s0] =	ssyncadd.tile.s32 @!p0 $0x1;
	_ =	shalt  }
.Lfunc_end2:
_tile_overlayer_lowered:
.L_overlay_start_2:
0x237: {  	(tag) =	ssettag $0x2  }
0x238: {  	s0 =	rddreg [dreg:$0x0];
	s2 =	stileid.u32  }
0x239: {  	s1 =	rddreg [dreg:$0x1];
	p0 =	sne.s32 s2, $0x0  }
0x23a: {  	s3 =	rddreg [dreg:$0x2];
	[bflag:$0x3] =	sbarrier.arrive $0xFFFF;
	s2 =	simm.s32 @!p0 $0x1C05  }
0x23b: {  	[timem:s3], [sflag:s2] =	dma.local @!p0 [hbm:s0], s1  }
0x23c: {  	s0 =	simm.s32 @!p0 $0x5  }
0x23d: {  	_ =	swait.ge @!p0 [sflag:s0], s1  }
0x23e: {  	s1 =	ssub.s32 @!p0 $0x0, s1;
	[sflag:s0] =	ssyncset.done @!p0 $0x0  }
0x23f: {  	[sflag:s0] =	ssyncadd.s32 @!p0 s1  }
0x240: {  	[bflag:$0x3] =	sbarrier.arrive $0xFFFF  }
0x241: {  	_ =	shalt  }

</sc_bundles>
